<compile_context>
chip_gen: v7x
topology: tpu7x:2x2x1
jax: 0.10.2.dev20260603
libtpu: 0.0.44.dev20260713+nightly
codegen_flags: <defaults>
</compile_context>

<pallas_src>
import functools

import jax
import jax.numpy as jnp
from jax import lax
from jax.experimental import pallas as pl
from jax.experimental.pallas import tpu as pltpu, tpu_sc as plsc

N_NODES = 10000
N_EDGES = 320000
D = 128

NC = 2
NS = 16
NW = NC * NS
CHUNK = 128
N_PAD = 10240
E_PAD = 327680
CH_PER_W = E_PAD // (NW * CHUNK)
ROWS_PER_TILE = N_PAD // NS
DUMMY = N_NODES

_mesh = plsc.VectorSubcoreMesh(
    core_axis_name="c", subcore_axis_name="s", num_cores=NC, num_subcores=NS)



@functools.partial(
    pl.kernel,
    out_type=jax.ShapeDtypeStruct((NC, N_PAD, D), jnp.float32),
    mesh=_mesh,
    scratch_types=[
        pltpu.VMEM((CH_PER_W, CHUNK), jnp.int32),
        pltpu.VMEM((CHUNK, D), jnp.float32),
        pltpu.VMEM_SHARED((N_PAD, D), jnp.float32),
    ],
)
def _sc_degrees(eidx_hbm, ones_hbm, zrows_hbm, h_out, idx_v, ones_v, hist):
    c = lax.axis_index("c")
    s = lax.axis_index("s")
    base = s * ROWS_PER_TILE

    pltpu.sync_copy(ones_hbm, ones_v)
    pltpu.sync_copy(zrows_hbm, hist.at[pl.ds(base, ROWS_PER_TILE)])
    plsc.subcore_barrier()

    for half in range(2):
        pltpu.sync_copy(eidx_hbm.at[c, s, half], idx_v)

        def add(j, carry):
            pltpu.sync_copy(ones_v, hist.at[idx_v.at[j]], add=True)
            return carry
        lax.fori_loop(0, CH_PER_W, add, None)

    plsc.subcore_barrier()
    pltpu.sync_copy(hist.at[pl.ds(base, ROWS_PER_TILE)],
                    h_out.at[c, pl.ds(base, ROWS_PER_TILE)])


AC = 64
TOT_CH = E_PAD // AC
G2 = 8
NB = 4
N0 = 312
N1 = TOT_CH // NS - N0


@functools.partial(
    pl.kernel,
    out_type=jax.ShapeDtypeStruct((NC, N_PAD, D), jnp.float32),
    mesh=_mesh,
    scratch_types=[
        pltpu.VMEM((G2, AC), jnp.int32),
        pltpu.VMEM((G2, AC), jnp.int32),
        [pltpu.VMEM((AC, D), jnp.float32)] * NB,
        pltpu.VMEM_SHARED((N_PAD, D), jnp.float32),
        [pltpu.SemaphoreType.DMA] * NB,
        [pltpu.SemaphoreType.DMA] * NB,
    ],
)
def _sc_edge_agg(pre_hbm, src_hbm, dst_hbm, zrows_hbm, acc_out,
                 src_idx, dst_idx, rows, acc, sem_g, sem_s):
    c = lax.axis_index("c")
    s = lax.axis_index("s")
    base = s * ROWS_PER_TILE
    my_ng = jnp.where(c == 0, N0 // G2, N1 // G2)
    ch_base = jnp.where(c == 0, s * N0, NS * N0 + s * N1)

    pltpu.sync_copy(zrows_hbm, acc.at[pl.ds(base, ROWS_PER_TILE)])
    plsc.subcore_barrier()

    def gather(j, l):
        pltpu.async_copy(pre_hbm.at[src_idx.at[j]], rows[l], sem_g[l])

    def gather_wait(j, l):
        pltpu.make_async_copy(pre_hbm.at[src_idx.at[j]], rows[l],
                              sem_g[l]).wait()

    def scatter(j, l):
        pltpu.async_copy(rows[l], acc.at[dst_idx.at[j]], sem_s[l], add=True)

    def scatter_wait(j, l):
        pltpu.make_async_copy(rows[l], acc.at[dst_idx.at[j]],
                              sem_s[l]).wait()

    def group(g, carry):
        pltpu.sync_copy(src_hbm.at[pl.ds(ch_base + g * G2, G2)], src_idx)
        pltpu.sync_copy(dst_hbm.at[pl.ds(ch_base + g * G2, G2)], dst_idx)
        gather(0, 0)
        gather(1, 1)

        def quad(i, carry2):
            for l in range(NB):
                j = NB * i + l
                jn = j + 2
                ln = (l + 2) % NB

                @pl.when(jnp.logical_and(jn >= NB, jn < G2))
                def _():
                    scatter_wait(jn - NB, ln)

                @pl.when(jn < G2)
                def _():
                    gather(jn, ln)

                gather_wait(j, l)
                scatter(j, l)
            return carry2
        lax.fori_loop(0, G2 // NB, quad, None)
        for t in range(NB):
            scatter_wait(G2 - NB + t, (G2 - NB + t) % NB)
        return carry
    lax.fori_loop(0, my_ng, group, None)

    plsc.subcore_barrier()
    pltpu.sync_copy(acc.at[pl.ds(base, ROWS_PER_TILE)],
                    acc_out.at[c, pl.ds(base, ROWS_PER_TILE)])



_BM = 1024


def _norm(deg):
    return lax.rsqrt(jnp.maximum(deg, 1.0))


def _tc_pre1_body(x_ref, w_ref, deg_ref, o_ref):
    o_ref[...] = (jnp.dot(x_ref[...], w_ref[...],
                          preferred_element_type=jnp.float32)
                  * _norm(deg_ref[...]))


_tc_pre1 = pl.pallas_call(
    _tc_pre1_body,
    grid=(N_PAD // _BM,),
    in_specs=[
        pl.BlockSpec((_BM, D), lambda i: (i, 0)),
        pl.BlockSpec((D, D), lambda i: (0, 0)),
        pl.BlockSpec((_BM, 1), lambda i: (i, 0)),
    ],
    out_specs=pl.BlockSpec((_BM, D), lambda i: (i, 0)),
    out_shape=jax.ShapeDtypeStruct((N_PAD, D), jnp.float32),
)


def _tc_mid_body(acc_ref, indeg_ref, outdeg_ref, b_ref, w_ref, o_ref):
    agg = acc_ref[0] + acc_ref[1]
    h = jax.nn.relu(agg * _norm(indeg_ref[...]) + b_ref[...])
    o_ref[...] = (jnp.dot(h, w_ref[...], preferred_element_type=jnp.float32)
                  * _norm(outdeg_ref[...]))


_tc_mid = pl.pallas_call(
    _tc_mid_body,
    grid=(N_PAD // _BM,),
    in_specs=[
        pl.BlockSpec((NC, _BM, D), lambda i: (0, i, 0)),
        pl.BlockSpec((_BM, 1), lambda i: (i, 0)),
        pl.BlockSpec((_BM, 1), lambda i: (i, 0)),
        pl.BlockSpec((1, D), lambda i: (0, 0)),
        pl.BlockSpec((D, D), lambda i: (0, 0)),
    ],
    out_specs=pl.BlockSpec((_BM, D), lambda i: (i, 0)),
    out_shape=jax.ShapeDtypeStruct((N_PAD, D), jnp.float32),
)

_BF = 1000


def _tc_final_body(acc_ref, indeg_ref, b_ref, o_ref):
    agg = acc_ref[0] + acc_ref[1]
    h = jax.nn.relu(agg * _norm(indeg_ref[...]) + b_ref[...])
    part = jnp.sum(h, axis=0, keepdims=True)

    @pl.when(pl.program_id(0) == 0)
    def _():
        o_ref[...] = part

    @pl.when(pl.program_id(0) > 0)
    def _():
        o_ref[...] += part


_tc_final = pl.pallas_call(
    _tc_final_body,
    grid=(N_NODES // _BF,),
    in_specs=[
        pl.BlockSpec((NC, _BF, D), lambda i: (0, i, 0)),
        pl.BlockSpec((_BF, 1), lambda i: (i, 0)),
        pl.BlockSpec((1, D), lambda i: (0, 0)),
    ],
    out_specs=pl.BlockSpec((1, D), lambda i: (0, 0)),
    out_shape=jax.ShapeDtypeStruct((1, D), jnp.float32),
)



def kernel(x, edge_index, W1, b1, W2, b2, W3, b3):
    src = edge_index[0].astype(jnp.int32)
    dst = edge_index[1].astype(jnp.int32)
    pad = jnp.full((E_PAD - N_EDGES,), DUMMY, jnp.int32)
    src_r = jnp.concatenate([src, pad]).reshape(TOT_CH, AC)
    dst_r = jnp.concatenate([dst, pad]).reshape(TOT_CH, AC)
    x_pad = jnp.pad(x, ((0, N_PAD - N_NODES), (0, 0)))

    ones_rows = jnp.ones((CHUNK, D), jnp.float32)
    zrows = jnp.zeros((ROWS_PER_TILE, D), jnp.float32)
    eidx = jnp.stack([src_r, dst_r]).reshape(NC, NS, 2, CH_PER_W, CHUNK)

    hists = _sc_degrees(eidx, ones_rows, zrows)
    outdeg = hists[0, :, :1]
    indeg = hists[1, :, :1]

    b1r = b1.reshape(1, D)
    b2r = b2.reshape(1, D)
    b3r = b3.reshape(1, D)

    pre = _tc_pre1(x_pad, W1, outdeg)
    acc = _sc_edge_agg(pre, src_r, dst_r, zrows)
    pre = _tc_mid(acc, indeg, outdeg, b1r, W2)
    acc = _sc_edge_agg(pre, src_r, dst_r, zrows)
    pre = _tc_mid(acc, indeg, outdeg, b2r, W3)
    acc = _sc_edge_agg(pre, src_r, dst_r, zrows)
    return _tc_final(acc, indeg, b3r)

# --- scband reference (transcript-rebuilt; emitter-appended) ---
"""Pipeline reference for scband-gcn-78469052498323 (READ-ONLY COPY).

The authoritative reference and input builder live on the scoring server;
editing this copy changes nothing except your own understanding.
"""

import jax, jax.numpy as jnp
import numpy as np

N_NODES = 10000
N_EDGES = 320000
D = 128

def setup_inputs(seed: int = 0) -> dict:
    key = jax.random.key(seed)
    k_x, k_e, k1, k2, k3, kb1, kb2, kb3 = jax.random.split(key, 8)
    x = jax.random.normal(k_x, (N_NODES, D), dtype=jnp.float32)
    edge_index = jax.random.randint(k_e, (2, N_EDGES), 0, N_NODES, dtype=jnp.int64)
    s = 1.0 / np.sqrt(D)
    W1 = jax.random.uniform(k1, (D, D), dtype=jnp.float32, minval=-s, maxval=s)
    W2 = jax.random.uniform(k2, (D, D), dtype=jnp.float32, minval=-s, maxval=s)
    W3 = jax.random.uniform(k3, (D, D), dtype=jnp.float32, minval=-s, maxval=s)
    b1 = jnp.zeros((D,), dtype=jnp.float32)
    b2 = jnp.zeros((D,), dtype=jnp.float32)
    b3 = jnp.zeros((D,), dtype=jnp.float32)
    return {"x": x, "edge_index": edge_index, "W1": W1, "b1": b1, "W2": W2, "b2": b2, "W3": W3, "b3": b3}

def reference(x, edge_index, W1, b1, W2, b2, W3, b3):
    src = edge_index[0]
    dst = edge_index[1]
    ones = jnp.ones((src.shape[0],), dtype=jnp.float32)
    out_deg = jax.ops.segment_sum(ones, src, num_segments=N_NODES)
    in_deg = jax.ops.segment_sum(ones, dst, num_segments=N_NODES)
    norm_src = jnp.power(jnp.maximum(out_deg, 1.0), -0.5)
    norm_dst = jnp.power(jnp.maximum(in_deg, 1.0), -0.5)

    def graph_conv(h, W, b):
        # DGL GraphConv norm='both': D_out^{-1/2} A D_in^{-1/2} h W + b, then relu
        h = h @ W
        m = (h * norm_src[:, None])[src]
        agg = jax.ops.segment_sum(m, dst, num_segments=N_NODES)
        h = agg * norm_dst[:, None] + b
        return jax.nn.relu(h)

    h = graph_conv(x, W1, b1)
    h = graph_conv(h, W2, b2)
    h = graph_conv(h, W3, b3)
    # SumPooling over a single graph -> [1, out_feats]
    hg = jnp.sum(h, axis=0, keepdims=True)
    return hg

if __name__ == "__main__":
    import jax
    _d = setup_inputs()
    print(jax.jit(kernel)(*tuple(_d.values())))

</pallas_src>

<mosaic_0001>
#map = affine_map<(d0, d1) -> (0, 0, 0, 0, 0)>
#map1 = affine_map<(d0, d1) -> (0, 0)>
#map2 = affine_map<(d0, d1) -> (0, 0, 0)>
module attributes {stable_mosaic.version = 14 : i64} {
  func.func @_sc_degrees(%arg0: i32, %arg1: i32, %arg2: memref<2x16x2x80x128xi32, #tpu.memory_space<hbm>>, %arg3: memref<128x128xf32, #tpu.memory_space<hbm>>, %arg4: memref<640x128xf32, #tpu.memory_space<hbm>>, %arg5: memref<2x10240x128xf32, #tpu.memory_space<hbm>>, %arg6: memref<80x128xi32, #tpu.memory_space<vmem>>, %arg7: memref<128x128xf32, #tpu.memory_space<vmem>>, %arg8: memref<10240x128xf32, #tpu.memory_space<vmem_shared>>) attributes {dimension_semantics = [#tpu.dimension_semantics<core_parallel>, #tpu.dimension_semantics<subcore_parallel>], iteration_bounds = array<i64: 2, 16>, scalar_prefetch = 0 : i64, scratch_operands = 3 : i64, tpu.core_type = #tpu.core_type<sc_vector_subcore>, window_params = [{transform_indices = #map}, {transform_indices = #map1}, {transform_indices = #map1}, {transform_indices = #map2}]} {
    %mul3A = arith.constant 640 : i32
    %mul3A_0 = arith.muli %arg1, %mul3A : i32
    "tpu.region"() ({
      %run_scoped3A_12 = tpu.sem_alloc : memref<!tpu.dma_semaphore, #tpu.memory_space<semaphore_mem>>
      tpu.enqueue_dma source(%arg3 : memref<128x128xf32, #tpu.memory_space<hbm>>) target(%arg7 : memref<128x128xf32, #tpu.memory_space<vmem>>) target_semaphore(%run_scoped3A_12 : memref<!tpu.dma_semaphore, #tpu.memory_space<semaphore_mem>>)
      tpu.wait_dma2 semaphore(%run_scoped3A_12 : memref<!tpu.dma_semaphore, #tpu.memory_space<semaphore_mem>>) src(%arg3 : memref<128x128xf32, #tpu.memory_space<hbm>>) dst(%arg7 : memref<128x128xf32, #tpu.memory_space<vmem>>)
      tpu.yield
    }) : () -> ()
    "tpu.region"() ({
      %run_scoped3A_12 = tpu.sem_alloc : memref<!tpu.dma_semaphore, #tpu.memory_space<semaphore_mem>>
      %dma_start3A = arith.constant 0 : i32
      %dma_start3A_13 = tpu.memref_slice %arg8[%mul3A_0, %dma_start3A] : memref<10240x128xf32, #tpu.memory_space<vmem_shared>> -> memref<640x128xf32, #tpu.memory_space<vmem_shared>>
      tpu.enqueue_dma source(%arg4 : memref<640x128xf32, #tpu.memory_space<hbm>>) target(%dma_start3A_13 : memref<640x128xf32, #tpu.memory_space<vmem_shared>>) target_semaphore(%run_scoped3A_12 : memref<!tpu.dma_semaphore, #tpu.memory_space<semaphore_mem>>)
      %dma_wait3A = arith.constant 0 : i32
      %dma_wait3A_14 = tpu.memref_slice %arg8[%mul3A_0, %dma_wait3A] : memref<10240x128xf32, #tpu.memory_space<vmem_shared>> -> memref<640x128xf32, #tpu.memory_space<vmem_shared>>
      tpu.wait_dma2 semaphore(%run_scoped3A_12 : memref<!tpu.dma_semaphore, #tpu.memory_space<semaphore_mem>>) src(%arg4 : memref<640x128xf32, #tpu.memory_space<hbm>>) dst(%dma_wait3A_14 : memref<640x128xf32, #tpu.memory_space<vmem_shared>>)
      tpu.yield
    }) : () -> ()
    %barrier3A = arith.constant 0 : index
    tpu.barrier barrier_id(%barrier3A)
    %run_scoped3A = arith.constant 0 : i32
    "tpu.region"() ({
      %run_scoped3A_12 = tpu.sem_alloc : memref<!tpu.dma_semaphore, #tpu.memory_space<semaphore_mem>>
      %dma_start3A = arith.constant 0 : i32
      %dma_start3A_13 = arith.constant 0 : i32
      %dma_start3A_14 = tpu.memref_slice %arg2[%arg0, %arg1, %run_scoped3A, %dma_start3A, %dma_start3A_13] : memref<2x16x2x80x128xi32, #tpu.memory_space<hbm>> -> memref<1x1x1x80x128xi32, #tpu.memory_space<hbm>>
      %dma_start3A_15 = tpu.memref_squeeze %dma_start3A_14 : memref<1x1x1x80x128xi32, #tpu.memory_space<hbm>> -> memref<80x128xi32, #tpu.memory_space<hbm>>
      %dma_start3A_16 = arith.constant 0 : i32
      %dma_start3A_17 = arith.constant 0 : i32
      %dma_start3A_18 = tpu.memref_slice %arg2[%arg0, %arg1, %run_scoped3A, %dma_start3A_16, %dma_start3A_17] : memref<2x16x2x80x128xi32, #tpu.memory_space<hbm>> -> memref<1x1x1x80x128xi32, #tpu.memory_space<hbm>>
      %dma_start3A_19 = tpu.memref_squeeze %dma_start3A_18 : memref<1x1x1x80x128xi32, #tpu.memory_space<hbm>> -> memref<80x128xi32, #tpu.memory_space<hbm>>
      tpu.enqueue_dma source(%dma_start3A_19 : memref<80x128xi32, #tpu.memory_space<hbm>>) target(%arg6 : memref<80x128xi32, #tpu.memory_space<vmem>>) target_semaphore(%run_scoped3A_12 : memref<!tpu.dma_semaphore, #tpu.memory_space<semaphore_mem>>)
      %dma_wait3A = arith.constant 0 : i32
      %dma_wait3A_20 = arith.constant 0 : i32
      %dma_wait3A_21 = tpu.memref_slice %arg2[%arg0, %arg1, %run_scoped3A, %dma_wait3A, %dma_wait3A_20] : memref<2x16x2x80x128xi32, #tpu.memory_space<hbm>> -> memref<1x1x1x80x128xi32, #tpu.memory_space<hbm>>
      %dma_wait3A_22 = tpu.memref_squeeze %dma_wait3A_21 : memref<1x1x1x80x128xi32, #tpu.memory_space<hbm>> -> memref<80x128xi32, #tpu.memory_space<hbm>>
      %dma_wait3A_23 = arith.constant 0 : i32
      %dma_wait3A_24 = arith.constant 0 : i32
      %dma_wait3A_25 = tpu.memref_slice %arg2[%arg0, %arg1, %run_scoped3A, %dma_wait3A_23, %dma_wait3A_24] : memref<2x16x2x80x128xi32, #tpu.memory_space<hbm>> -> memref<1x1x1x80x128xi32, #tpu.memory_space<hbm>>
      %dma_wait3A_26 = tpu.memref_squeeze %dma_wait3A_25 : memref<1x1x1x80x128xi32, #tpu.memory_space<hbm>> -> memref<80x128xi32, #tpu.memory_space<hbm>>
      tpu.wait_dma2 semaphore(%run_scoped3A_12 : memref<!tpu.dma_semaphore, #tpu.memory_space<semaphore_mem>>) src(%dma_wait3A_26 : memref<80x128xi32, #tpu.memory_space<hbm>>) dst(%arg6 : memref<80x128xi32, #tpu.memory_space<vmem>>)
      tpu.yield
    }) : () -> ()
    %scan3A = arith.constant 0 : i32
    %scan3A_1 = arith.constant 80 : i32
    %scan3A_2 = arith.addi %scan3A, %scan3A_1 : i32
    %scan3A_3 = arith.constant 1 : i32
    scf.for %scan3A_12 = %scan3A to %scan3A_2 step %scan3A_3  : i32 {
      "tpu.region"() ({
        %run_scoped3A_13 = tpu.sem_alloc : memref<!tpu.dma_semaphore, #tpu.memory_space<semaphore_mem>>
        %dma_start3A = arith.constant 0 : i32
        %dma_start3A_14 = tpu.memref_slice %arg6[%scan3A_12, %dma_start3A] : memref<80x128xi32, #tpu.memory_space<vmem>> -> memref<1x128xi32, #tpu.memory_space<vmem>>
        %dma_start3A_15 = tpu.memref_squeeze %dma_start3A_14 : memref<1x128xi32, #tpu.memory_space<vmem>> -> memref<128xi32, #tpu.memory_space<vmem>>
        %dma_start3A_16 = arith.constant 0 : i32
        %dma_start3A_17 = arith.constant 0 : i32
        %dma_start3A_18 = tpu.memref_slice %arg8[%dma_start3A_16, %dma_start3A_17] : memref<10240x128xf32, #tpu.memory_space<vmem_shared>> -> memref<10240x128xf32, #tpu.memory_space<vmem_shared>>
        tpu.enqueue_indirect_dma source(%arg7 : memref<128x128xf32, #tpu.memory_space<vmem>>) target(%dma_start3A_18 : memref<10240x128xf32, #tpu.memory_space<vmem_shared>>) offsets(%dma_start3A_15 : memref<128xi32, #tpu.memory_space<vmem>>) semaphore(%run_scoped3A_13 : memref<!tpu.dma_semaphore, #tpu.memory_space<semaphore_mem>>) {add = true}
        %dma_wait3A = arith.constant 0 : i32
        %dma_wait3A_19 = tpu.memref_slice %arg6[%scan3A_12, %dma_wait3A] : memref<80x128xi32, #tpu.memory_space<vmem>> -> memref<1x128xi32, #tpu.memory_space<vmem>>
        %dma_wait3A_20 = tpu.memref_squeeze %dma_wait3A_19 : memref<1x128xi32, #tpu.memory_space<vmem>> -> memref<128xi32, #tpu.memory_space<vmem>>
        %dma_wait3A_21 = arith.constant 0 : i32
        %dma_wait3A_22 = arith.constant 0 : i32
        %dma_wait3A_23 = tpu.memref_slice %arg8[%dma_wait3A_21, %dma_wait3A_22] : memref<10240x128xf32, #tpu.memory_space<vmem_shared>> -> memref<10240x128xf32, #tpu.memory_space<vmem_shared>>
        tpu.wait_indirect_dma semaphore(%run_scoped3A_13 : memref<!tpu.dma_semaphore, #tpu.memory_space<semaphore_mem>>) src(%arg7 : memref<128x128xf32, #tpu.memory_space<vmem>>) dst(%dma_wait3A_23 : memref<10240x128xf32, #tpu.memory_space<vmem_shared>>)
        tpu.yield
      }) : () -> ()
    }
    %scan3A_4 = arith.constant 80 : i32
    %run_scoped3A_5 = arith.constant 1 : i32
    "tpu.region"() ({
      %run_scoped3A_12 = tpu.sem_alloc : memref<!tpu.dma_semaphore, #tpu.memory_space<semaphore_mem>>
      %dma_start3A = arith.constant 0 : i32
      %dma_start3A_13 = arith.constant 0 : i32
      %dma_start3A_14 = tpu.memref_slice %arg2[%arg0, %arg1, %run_scoped3A_5, %dma_start3A, %dma_start3A_13] : memref<2x16x2x80x128xi32, #tpu.memory_space<hbm>> -> memref<1x1x1x80x128xi32, #tpu.memory_space<hbm>>
      %dma_start3A_15 = tpu.memref_squeeze %dma_start3A_14 : memref<1x1x1x80x128xi32, #tpu.memory_space<hbm>> -> memref<80x128xi32, #tpu.memory_space<hbm>>
      %dma_start3A_16 = arith.constant 0 : i32
      %dma_start3A_17 = arith.constant 0 : i32
      %dma_start3A_18 = tpu.memref_slice %arg2[%arg0, %arg1, %run_scoped3A_5, %dma_start3A_16, %dma_start3A_17] : memref<2x16x2x80x128xi32, #tpu.memory_space<hbm>> -> memref<1x1x1x80x128xi32, #tpu.memory_space<hbm>>
      %dma_start3A_19 = tpu.memref_squeeze %dma_start3A_18 : memref<1x1x1x80x128xi32, #tpu.memory_space<hbm>> -> memref<80x128xi32, #tpu.memory_space<hbm>>
      tpu.enqueue_dma source(%dma_start3A_19 : memref<80x128xi32, #tpu.memory_space<hbm>>) target(%arg6 : memref<80x128xi32, #tpu.memory_space<vmem>>) target_semaphore(%run_scoped3A_12 : memref<!tpu.dma_semaphore, #tpu.memory_space<semaphore_mem>>)
      %dma_wait3A = arith.constant 0 : i32
      %dma_wait3A_20 = arith.constant 0 : i32
      %dma_wait3A_21 = tpu.memref_slice %arg2[%arg0, %arg1, %run_scoped3A_5, %dma_wait3A, %dma_wait3A_20] : memref<2x16x2x80x128xi32, #tpu.memory_space<hbm>> -> memref<1x1x1x80x128xi32, #tpu.memory_space<hbm>>
      %dma_wait3A_22 = tpu.memref_squeeze %dma_wait3A_21 : memref<1x1x1x80x128xi32, #tpu.memory_space<hbm>> -> memref<80x128xi32, #tpu.memory_space<hbm>>
      %dma_wait3A_23 = arith.constant 0 : i32
      %dma_wait3A_24 = arith.constant 0 : i32
      %dma_wait3A_25 = tpu.memref_slice %arg2[%arg0, %arg1, %run_scoped3A_5, %dma_wait3A_23, %dma_wait3A_24] : memref<2x16x2x80x128xi32, #tpu.memory_space<hbm>> -> memref<1x1x1x80x128xi32, #tpu.memory_space<hbm>>
      %dma_wait3A_26 = tpu.memref_squeeze %dma_wait3A_25 : memref<1x1x1x80x128xi32, #tpu.memory_space<hbm>> -> memref<80x128xi32, #tpu.memory_space<hbm>>
      tpu.wait_dma2 semaphore(%run_scoped3A_12 : memref<!tpu.dma_semaphore, #tpu.memory_space<semaphore_mem>>) src(%dma_wait3A_26 : memref<80x128xi32, #tpu.memory_space<hbm>>) dst(%arg6 : memref<80x128xi32, #tpu.memory_space<vmem>>)
      tpu.yield
    }) : () -> ()
    %scan3A_6 = arith.constant 0 : i32
    %scan3A_7 = arith.constant 80 : i32
    %scan3A_8 = arith.addi %scan3A_6, %scan3A_7 : i32
    %scan3A_9 = arith.constant 1 : i32
    scf.for %scan3A_12 = %scan3A_6 to %scan3A_8 step %scan3A_9  : i32 {
      "tpu.region"() ({
        %run_scoped3A_13 = tpu.sem_alloc : memref<!tpu.dma_semaphore, #tpu.memory_space<semaphore_mem>>
        %dma_start3A = arith.constant 0 : i32
        %dma_start3A_14 = tpu.memref_slice %arg6[%scan3A_12, %dma_start3A] : memref<80x128xi32, #tpu.memory_space<vmem>> -> memref<1x128xi32, #tpu.memory_space<vmem>>
        %dma_start3A_15 = tpu.memref_squeeze %dma_start3A_14 : memref<1x128xi32, #tpu.memory_space<vmem>> -> memref<128xi32, #tpu.memory_space<vmem>>
        %dma_start3A_16 = arith.constant 0 : i32
        %dma_start3A_17 = arith.constant 0 : i32
        %dma_start3A_18 = tpu.memref_slice %arg8[%dma_start3A_16, %dma_start3A_17] : memref<10240x128xf32, #tpu.memory_space<vmem_shared>> -> memref<10240x128xf32, #tpu.memory_space<vmem_shared>>
        tpu.enqueue_indirect_dma source(%arg7 : memref<128x128xf32, #tpu.memory_space<vmem>>) target(%dma_start3A_18 : memref<10240x128xf32, #tpu.memory_space<vmem_shared>>) offsets(%dma_start3A_15 : memref<128xi32, #tpu.memory_space<vmem>>) semaphore(%run_scoped3A_13 : memref<!tpu.dma_semaphore, #tpu.memory_space<semaphore_mem>>) {add = true}
        %dma_wait3A = arith.constant 0 : i32
        %dma_wait3A_19 = tpu.memref_slice %arg6[%scan3A_12, %dma_wait3A] : memref<80x128xi32, #tpu.memory_space<vmem>> -> memref<1x128xi32, #tpu.memory_space<vmem>>
        %dma_wait3A_20 = tpu.memref_squeeze %dma_wait3A_19 : memref<1x128xi32, #tpu.memory_space<vmem>> -> memref<128xi32, #tpu.memory_space<vmem>>
        %dma_wait3A_21 = arith.constant 0 : i32
        %dma_wait3A_22 = arith.constant 0 : i32
        %dma_wait3A_23 = tpu.memref_slice %arg8[%dma_wait3A_21, %dma_wait3A_22] : memref<10240x128xf32, #tpu.memory_space<vmem_shared>> -> memref<10240x128xf32, #tpu.memory_space<vmem_shared>>
        tpu.wait_indirect_dma semaphore(%run_scoped3A_13 : memref<!tpu.dma_semaphore, #tpu.memory_space<semaphore_mem>>) src(%arg7 : memref<128x128xf32, #tpu.memory_space<vmem>>) dst(%dma_wait3A_23 : memref<10240x128xf32, #tpu.memory_space<vmem_shared>>)
        tpu.yield
      }) : () -> ()
    }
    %scan3A_10 = arith.constant 80 : i32
    %barrier3A_11 = arith.constant 0 : index
    tpu.barrier barrier_id(%barrier3A_11)
    "tpu.region"() ({
      %run_scoped3A_12 = tpu.sem_alloc : memref<!tpu.dma_semaphore, #tpu.memory_space<semaphore_mem>>
      %dma_start3A = arith.constant 0 : i32
      %dma_start3A_13 = tpu.memref_slice %arg5[%arg0, %mul3A_0, %dma_start3A] : memref<2x10240x128xf32, #tpu.memory_space<hbm>> -> memref<1x640x128xf32, #tpu.memory_space<hbm>>
      %dma_start3A_14 = tpu.memref_squeeze %dma_start3A_13 : memref<1x640x128xf32, #tpu.memory_space<hbm>> -> memref<640x128xf32, #tpu.memory_space<hbm>>
      %dma_start3A_15 = arith.constant 0 : i32
      %dma_start3A_16 = tpu.memref_slice %arg8[%mul3A_0, %dma_start3A_15] : memref<10240x128xf32, #tpu.memory_space<vmem_shared>> -> memref<640x128xf32, #tpu.memory_space<vmem_shared>>
      tpu.enqueue_dma source(%dma_start3A_16 : memref<640x128xf32, #tpu.memory_space<vmem_shared>>) target(%dma_start3A_14 : memref<640x128xf32, #tpu.memory_space<hbm>>) target_semaphore(%run_scoped3A_12 : memref<!tpu.dma_semaphore, #tpu.memory_space<semaphore_mem>>)
      %dma_wait3A = arith.constant 0 : i32
      %dma_wait3A_17 = tpu.memref_slice %arg5[%arg0, %mul3A_0, %dma_wait3A] : memref<2x10240x128xf32, #tpu.memory_space<hbm>> -> memref<1x640x128xf32, #tpu.memory_space<hbm>>
      %dma_wait3A_18 = tpu.memref_squeeze %dma_wait3A_17 : memref<1x640x128xf32, #tpu.memory_space<hbm>> -> memref<640x128xf32, #tpu.memory_space<hbm>>
      %dma_wait3A_19 = arith.constant 0 : i32
      %dma_wait3A_20 = tpu.memref_slice %arg8[%mul3A_0, %dma_wait3A_19] : memref<10240x128xf32, #tpu.memory_space<vmem_shared>> -> memref<640x128xf32, #tpu.memory_space<vmem_shared>>
      tpu.wait_dma2 semaphore(%run_scoped3A_12 : memref<!tpu.dma_semaphore, #tpu.memory_space<semaphore_mem>>) src(%dma_wait3A_20 : memref<640x128xf32, #tpu.memory_space<vmem_shared>>) dst(%dma_wait3A_18 : memref<640x128xf32, #tpu.memory_space<hbm>>)
      tpu.yield
    }) : () -> ()
    return
  }
}

#map = affine_map<(d0, d1) -> (0, 0)>
#map1 = affine_map<(d0, d1) -> (0, 0, 0)>
module attributes {stable_mosaic.version = 14 : i64} {
  func.func @_sc_edge_agg(%arg0: i32, %arg1: i32, %arg2: memref<10240x128xf32, #tpu.memory_space<hbm>>, %arg3: memref<5120x64xi32, #tpu.memory_space<hbm>>, %arg4: memref<5120x64xi32, #tpu.memory_space<hbm>>, %arg5: memref<640x128xf32, #tpu.memory_space<hbm>>, %arg6: memref<2x10240x128xf32, #tpu.memory_space<hbm>>, %arg7: memref<8x64xi32, #tpu.memory_space<vmem>>, %arg8: memref<8x64xi32, #tpu.memory_space<vmem>>, %arg9: memref<64x128xf32, #tpu.memory_space<vmem>>, %arg10: memref<64x128xf32, #tpu.memory_space<vmem>>, %arg11: memref<64x128xf32, #tpu.memory_space<vmem>>, %arg12: memref<64x128xf32, #tpu.memory_space<vmem>>, %arg13: memref<10240x128xf32, #tpu.memory_space<vmem_shared>>, %arg14: memref<!tpu.dma_semaphore, #tpu.memory_space<semaphore_mem>>, %arg15: memref<!tpu.dma_semaphore, #tpu.memory_space<semaphore_mem>>, %arg16: memref<!tpu.dma_semaphore, #tpu.memory_space<semaphore_mem>>, %arg17: memref<!tpu.dma_semaphore, #tpu.memory_space<semaphore_mem>>, %arg18: memref<!tpu.dma_semaphore, #tpu.memory_space<semaphore_mem>>, %arg19: memref<!tpu.dma_semaphore, #tpu.memory_space<semaphore_mem>>, %arg20: memref<!tpu.dma_semaphore, #tpu.memory_space<semaphore_mem>>, %arg21: memref<!tpu.dma_semaphore, #tpu.memory_space<semaphore_mem>>) attributes {dimension_semantics = [#tpu.dimension_semantics<core_parallel>, #tpu.dimension_semantics<subcore_parallel>], iteration_bounds = array<i64: 2, 16>, scalar_prefetch = 0 : i64, scratch_operands = 15 : i64, tpu.core_type = #tpu.core_type<sc_vector_subcore>, window_params = [{transform_indices = #map}, {transform_indices = #map}, {transform_indices = #map}, {transform_indices = #map}, {transform_indices = #map1}]} {
    %mul3A = arith.constant 640 : i32
    %mul3A_0 = arith.muli %arg1, %mul3A : i32
    %eq3A = arith.constant 0 : i32
    %eq3A_1 = arith.cmpi eq, %arg0, %eq3A : i32
    %jit3A = arith.constant 39 : i32
    %jit3A_2 = arith.constant 1 : i32
    %select_n3A = arith.select %eq3A_1, %jit3A, %jit3A_2 : i32
    %eq3A_3 = arith.constant 0 : i32
    %eq3A_4 = arith.cmpi eq, %arg0, %eq3A_3 : i32
    %mul3A_5 = arith.constant 312 : i32
    %mul3A_6 = arith.muli %arg1, %mul3A_5 : i32
    %mul3A_7 = arith.constant 8 : i32
    %mul3A_8 = arith.muli %arg1, %mul3A_7 : i32
    %add3A = arith.constant 4992 : i32
    %add3A_9 = arith.addi %add3A, %mul3A_8 : i32
    %select_n3A_10 = arith.select %eq3A_4, %mul3A_6, %add3A_9 : i32
    "tpu.region"() ({
      %run_scoped3A = tpu.sem_alloc : memref<!tpu.dma_semaphore, #tpu.memory_space<semaphore_mem>>
      %dma_start3A = arith.constant 0 : i32
      %dma_start3A_20 = tpu.memref_slice %arg13[%mul3A_0, %dma_start3A] : memref<10240x128xf32, #tpu.memory_space<vmem_shared>> -> memref<640x128xf32, #tpu.memory_space<vmem_shared>>
      tpu.enqueue_dma source(%arg5 : memref<640x128xf32, #tpu.memory_space<hbm>>) target(%dma_start3A_20 : memref<640x128xf32, #tpu.memory_space<vmem_shared>>) target_semaphore(%run_scoped3A : memref<!tpu.dma_semaphore, #tpu.memory_space<semaphore_mem>>)
      %dma_wait3A = arith.constant 0 : i32
      %dma_wait3A_21 = tpu.memref_slice %arg13[%mul3A_0, %dma_wait3A] : memref<10240x128xf32, #tpu.memory_space<vmem_shared>> -> memref<640x128xf32, #tpu.memory_space<vmem_shared>>
      tpu.wait_dma2 semaphore(%run_scoped3A : memref<!tpu.dma_semaphore, #tpu.memory_space<semaphore_mem>>) src(%arg5 : memref<640x128xf32, #tpu.memory_space<hbm>>) dst(%dma_wait3A_21 : memref<640x128xf32, #tpu.memory_space<vmem_shared>>)
      tpu.yield
    }) : () -> ()
    %barrier3A = arith.constant 0 : index
    tpu.barrier barrier_id(%barrier3A)
    %while3A = arith.constant 0 : i32
    %while3A_11 = arith.subi %select_n3A, %while3A : i32
    %while3A_12 = arith.addi %while3A, %while3A_11 : i32
    %while3A_13 = arith.constant 1 : i32
    %while3A_14 = arith.divsi %while3A_11, %while3A_13 : i32
    %while3A_15 = arith.muli %while3A_14, %while3A_13 : i32
    %while3A_16 = arith.addi %while3A, %while3A_15 : i32
    %while3A_17 = arith.constant 1 : i32
    scf.for %while3A_20 = %while3A to %while3A_16 step %while3A_17  : i32 {
      %mul3A_21 = arith.constant 8 : i32
      %mul3A_22 = arith.muli %while3A_20, %mul3A_21 : i32
      %add3A_23 = arith.addi %select_n3A_10, %mul3A_22 : i32
      "tpu.region"() ({
        %run_scoped3A = tpu.sem_alloc : memref<!tpu.dma_semaphore, #tpu.memory_space<semaphore_mem>>
        %dma_start3A_71 = arith.constant 0 : i32
        %dma_start3A_72 = tpu.memref_slice %arg3[%add3A_23, %dma_start3A_71] : memref<5120x64xi32, #tpu.memory_space<hbm>> -> memref<8x64xi32, #tpu.memory_space<hbm>>
        %dma_start3A_73 = arith.constant 0 : i32
        %dma_start3A_74 = tpu.memref_slice %arg3[%add3A_23, %dma_start3A_73] : memref<5120x64xi32, #tpu.memory_space<hbm>> -> memref<8x64xi32, #tpu.memory_space<hbm>>
        tpu.enqueue_dma source(%dma_start3A_74 : memref<8x64xi32, #tpu.memory_space<hbm>>) target(%arg7 : memref<8x64xi32, #tpu.memory_space<vmem>>) target_semaphore(%run_scoped3A : memref<!tpu.dma_semaphore, #tpu.memory_space<semaphore_mem>>)
        %dma_wait3A_75 = arith.constant 0 : i32
        %dma_wait3A_76 = tpu.memref_slice %arg3[%add3A_23, %dma_wait3A_75] : memref<5120x64xi32, #tpu.memory_space<hbm>> -> memref<8x64xi32, #tpu.memory_space<hbm>>
        %dma_wait3A_77 = arith.constant 0 : i32
        %dma_wait3A_78 = tpu.memref_slice %arg3[%add3A_23, %dma_wait3A_77] : memref<5120x64xi32, #tpu.memory_space<hbm>> -> memref<8x64xi32, #tpu.memory_space<hbm>>
        tpu.wait_dma2 semaphore(%run_scoped3A : memref<!tpu.dma_semaphore, #tpu.memory_space<semaphore_mem>>) src(%dma_wait3A_78 : memref<8x64xi32, #tpu.memory_space<hbm>>) dst(%arg7 : memref<8x64xi32, #tpu.memory_space<vmem>>)
        tpu.yield
      }) : () -> ()
      %mul3A_24 = arith.constant 8 : i32
      %mul3A_25 = arith.muli %while3A_20, %mul3A_24 : i32
      %add3A_26 = arith.addi %select_n3A_10, %mul3A_25 : i32
      "tpu.region"() ({
        %run_scoped3A = tpu.sem_alloc : memref<!tpu.dma_semaphore, #tpu.memory_space<semaphore_mem>>
        %dma_start3A_71 = arith.constant 0 : i32
        %dma_start3A_72 = tpu.memref_slice %arg4[%add3A_26, %dma_start3A_71] : memref<5120x64xi32, #tpu.memory_space<hbm>> -> memref<8x64xi32, #tpu.memory_space<hbm>>
        %dma_start3A_73 = arith.constant 0 : i32
        %dma_start3A_74 = tpu.memref_slice %arg4[%add3A_26, %dma_start3A_73] : memref<5120x64xi32, #tpu.memory_space<hbm>> -> memref<8x64xi32, #tpu.memory_space<hbm>>
        tpu.enqueue_dma source(%dma_start3A_74 : memref<8x64xi32, #tpu.memory_space<hbm>>) target(%arg8 : memref<8x64xi32, #tpu.memory_space<vmem>>) target_semaphore(%run_scoped3A : memref<!tpu.dma_semaphore, #tpu.memory_space<semaphore_mem>>)
        %dma_wait3A_75 = arith.constant 0 : i32
        %dma_wait3A_76 = tpu.memref_slice %arg4[%add3A_26, %dma_wait3A_75] : memref<5120x64xi32, #tpu.memory_space<hbm>> -> memref<8x64xi32, #tpu.memory_space<hbm>>
        %dma_wait3A_77 = arith.constant 0 : i32
        %dma_wait3A_78 = tpu.memref_slice %arg4[%add3A_26, %dma_wait3A_77] : memref<5120x64xi32, #tpu.memory_space<hbm>> -> memref<8x64xi32, #tpu.memory_space<hbm>>
        tpu.wait_dma2 semaphore(%run_scoped3A : memref<!tpu.dma_semaphore, #tpu.memory_space<semaphore_mem>>) src(%dma_wait3A_78 : memref<8x64xi32, #tpu.memory_space<hbm>>) dst(%arg8 : memref<8x64xi32, #tpu.memory_space<vmem>>)
        tpu.yield
      }) : () -> ()
      %dma_start3A = arith.constant 0 : i32
      %dma_start3A_27 = arith.constant 0 : i32
      %dma_start3A_28 = tpu.memref_slice %arg7[%dma_start3A, %dma_start3A_27] : memref<8x64xi32, #tpu.memory_space<vmem>> -> memref<1x64xi32, #tpu.memory_space<vmem>>
      %dma_start3A_29 = tpu.memref_squeeze %dma_start3A_28 : memref<1x64xi32, #tpu.memory_space<vmem>> -> memref<64xi32, #tpu.memory_space<vmem>>
      %dma_start3A_30 = arith.constant 0 : i32
      %dma_start3A_31 = arith.constant 0 : i32
      %dma_start3A_32 = tpu.memref_slice %arg2[%dma_start3A_30, %dma_start3A_31] : memref<10240x128xf32, #tpu.memory_space<hbm>> -> memref<10240x128xf32, #tpu.memory_space<hbm>>
      tpu.enqueue_indirect_dma source(%dma_start3A_32 : memref<10240x128xf32, #tpu.memory_space<hbm>>) target(%arg9 : memref<64x128xf32, #tpu.memory_space<vmem>>) offsets(%dma_start3A_29 : memref<64xi32, #tpu.memory_space<vmem>>) semaphore(%arg14 : memref<!tpu.dma_semaphore, #tpu.memory_space<semaphore_mem>>)
      %dma_start3A_33 = arith.constant 1 : i32
      %dma_start3A_34 = arith.constant 0 : i32
      %dma_start3A_35 = tpu.memref_slice %arg7[%dma_start3A_33, %dma_start3A_34] : memref<8x64xi32, #tpu.memory_space<vmem>> -> memref<1x64xi32, #tpu.memory_space<vmem>>
      %dma_start3A_36 = tpu.memref_squeeze %dma_start3A_35 : memref<1x64xi32, #tpu.memory_space<vmem>> -> memref<64xi32, #tpu.memory_space<vmem>>
      %dma_start3A_37 = arith.constant 0 : i32
      %dma_start3A_38 = arith.constant 0 : i32
      %dma_start3A_39 = tpu.memref_slice %arg2[%dma_start3A_37, %dma_start3A_38] : memref<10240x128xf32, #tpu.memory_space<hbm>> -> memref<10240x128xf32, #tpu.memory_space<hbm>>
      tpu.enqueue_indirect_dma source(%dma_start3A_39 : memref<10240x128xf32, #tpu.memory_space<hbm>>) target(%arg10 : memref<64x128xf32, #tpu.memory_space<vmem>>) offsets(%dma_start3A_36 : memref<64xi32, #tpu.memory_space<vmem>>) semaphore(%arg15 : memref<!tpu.dma_semaphore, #tpu.memory_space<semaphore_mem>>)
      %scan3A = arith.constant 0 : i32
      %scan3A_40 = arith.constant 2 : i32
      %scan3A_41 = arith.addi %scan3A, %scan3A_40 : i32
      %scan3A_42 = arith.constant 1 : i32
      scf.for %scan3A_71 = %scan3A to %scan3A_41 step %scan3A_42  : i32 {
        %mul3A_72 = arith.constant 4 : i32
        %mul3A_73 = arith.muli %mul3A_72, %scan3A_71 : i32
        %add3A_74 = arith.constant 0 : i32
        %add3A_75 = arith.addi %mul3A_73, %add3A_74 : i32
        %add3A_76 = arith.constant 2 : i32
        %add3A_77 = arith.addi %add3A_75, %add3A_76 : i32
        %ge3A = arith.constant 4 : i32
        %ge3A_78 = arith.cmpi sge, %add3A_77, %ge3A : i32
        %lt3A = arith.constant 8 : i32
        %lt3A_79 = arith.cmpi slt, %add3A_77, %lt3A : i32
        %and3A = arith.andi %ge3A_78, %lt3A_79 : i1
        %convert_element_type3A = arith.extui %and3A : i1 to i32
        %cond3A = arith.constant 0 : i32
        %cond3A_80 = arith.cmpi ne, %convert_element_type3A, %cond3A : i32
        scf.if %cond3A_80 {
          %sub3A = arith.constant 4 : i32
          %sub3A_191 = arith.subi %add3A_77, %sub3A : i32
          %dma_wait3A_192 = arith.constant 0 : i32
          %dma_wait3A_193 = tpu.memref_slice %arg8[%sub3A_191, %dma_wait3A_192] : memref<8x64xi32, #tpu.memory_space<vmem>> -> memref<1x64xi32, #tpu.memory_space<vmem>>
          %dma_wait3A_194 = tpu.memref_squeeze %dma_wait3A_193 : memref<1x64xi32, #tpu.memory_space<vmem>> -> memref<64xi32, #tpu.memory_space<vmem>>
          %dma_wait3A_195 = arith.constant 0 : i32
          %dma_wait3A_196 = arith.constant 0 : i32
          %dma_wait3A_197 = tpu.memref_slice %arg13[%dma_wait3A_195, %dma_wait3A_196] : memref<10240x128xf32, #tpu.memory_space<vmem_shared>> -> memref<10240x128xf32, #tpu.memory_space<vmem_shared>>
          tpu.wait_indirect_dma semaphore(%arg20 : memref<!tpu.dma_semaphore, #tpu.memory_space<semaphore_mem>>) src(%arg11 : memref<64x128xf32, #tpu.memory_space<vmem>>) dst(%dma_wait3A_197 : memref<10240x128xf32, #tpu.memory_space<vmem_shared>>)
        } else {
        }
        %lt3A_81 = arith.constant 8 : i32
        %lt3A_82 = arith.cmpi slt, %add3A_77, %lt3A_81 : i32
        %convert_element_type3A_83 = arith.extui %lt3A_82 : i1 to i32
        %cond3A_84 = arith.constant 0 : i32
        %cond3A_85 = arith.cmpi ne, %convert_element_type3A_83, %cond3A_84 : i32
        scf.if %cond3A_85 {
          %dma_start3A_191 = arith.constant 0 : i32
          %dma_start3A_192 = tpu.memref_slice %arg7[%add3A_77, %dma_start3A_191] : memref<8x64xi32, #tpu.memory_space<vmem>> -> memref<1x64xi32, #tpu.memory_space<vmem>>
          %dma_start3A_193 = tpu.memref_squeeze %dma_start3A_192 : memref<1x64xi32, #tpu.memory_space<vmem>> -> memref<64xi32, #tpu.memory_space<vmem>>
          %dma_start3A_194 = arith.constant 0 : i32
          %dma_start3A_195 = arith.constant 0 : i32
          %dma_start3A_196 = tpu.memref_slice %arg2[%dma_start3A_194, %dma_start3A_195] : memref<10240x128xf32, #tpu.memory_space<hbm>> -> memref<10240x128xf32, #tpu.memory_space<hbm>>
          tpu.enqueue_indirect_dma source(%dma_start3A_196 : memref<10240x128xf32, #tpu.memory_space<hbm>>) target(%arg11 : memref<64x128xf32, #tpu.memory_space<vmem>>) offsets(%dma_start3A_193 : memref<64xi32, #tpu.memory_space<vmem>>) semaphore(%arg16 : memref<!tpu.dma_semaphore, #tpu.memory_space<semaphore_mem>>)
        } else {
        }
        %dma_wait3A_86 = arith.constant 0 : i32
        %dma_wait3A_87 = tpu.memref_slice %arg7[%add3A_75, %dma_wait3A_86] : memref<8x64xi32, #tpu.memory_space<vmem>> -> memref<1x64xi32, #tpu.memory_space<vmem>>
        %dma_wait3A_88 = tpu.memref_squeeze %dma_wait3A_87 : memref<1x64xi32, #tpu.memory_space<vmem>> -> memref<64xi32, #tpu.memory_space<vmem>>
        %dma_wait3A_89 = arith.constant 0 : i32
        %dma_wait3A_90 = arith.constant 0 : i32
        %dma_wait3A_91 = tpu.memref_slice %arg2[%dma_wait3A_89, %dma_wait3A_90] : memref<10240x128xf32, #tpu.memory_space<hbm>> -> memref<10240x128xf32, #tpu.memory_space<hbm>>
        tpu.wait_indirect_dma semaphore(%arg14 : memref<!tpu.dma_semaphore, #tpu.memory_space<semaphore_mem>>) src(%dma_wait3A_91 : memref<10240x128xf32, #tpu.memory_space<hbm>>) dst(%arg9 : memref<64x128xf32, #tpu.memory_space<vmem>>)
        %dma_start3A_92 = arith.constant 0 : i32
        %dma_start3A_93 = tpu.memref_slice %arg8[%add3A_75, %dma_start3A_92] : memref<8x64xi32, #tpu.memory_space<vmem>> -> memref<1x64xi32, #tpu.memory_space<vmem>>
        %dma_start3A_94 = tpu.memref_squeeze %dma_start3A_93 : memref<1x64xi32, #tpu.memory_space<vmem>> -> memref<64xi32, #tpu.memory_space<vmem>>
        %dma_start3A_95 = arith.constant 0 : i32
        %dma_start3A_96 = arith.constant 0 : i32
        %dma_start3A_97 = tpu.memref_slice %arg13[%dma_start3A_95, %dma_start3A_96] : memref<10240x128xf32, #tpu.memory_space<vmem_shared>> -> memref<10240x128xf32, #tpu.memory_space<vmem_shared>>
        tpu.enqueue_indirect_dma source(%arg9 : memref<64x128xf32, #tpu.memory_space<vmem>>) target(%dma_start3A_97 : memref<10240x128xf32, #tpu.memory_space<vmem_shared>>) offsets(%dma_start3A_94 : memref<64xi32, #tpu.memory_space<vmem>>) semaphore(%arg18 : memref<!tpu.dma_semaphore, #tpu.memory_space<semaphore_mem>>) {add = true}
        %mul3A_98 = arith.constant 4 : i32
        %mul3A_99 = arith.muli %mul3A_98, %scan3A_71 : i32
        %add3A_100 = arith.constant 1 : i32
        %add3A_101 = arith.addi %mul3A_99, %add3A_100 : i32
        %add3A_102 = arith.constant 2 : i32
        %add3A_103 = arith.addi %add3A_101, %add3A_102 : i32
        %ge3A_104 = arith.constant 4 : i32
        %ge3A_105 = arith.cmpi sge, %add3A_103, %ge3A_104 : i32
        %lt3A_106 = arith.constant 8 : i32
        %lt3A_107 = arith.cmpi slt, %add3A_103, %lt3A_106 : i32
        %and3A_108 = arith.andi %ge3A_105, %lt3A_107 : i1
        %convert_element_type3A_109 = arith.extui %and3A_108 : i1 to i32
        %cond3A_110 = arith.constant 0 : i32
        %cond3A_111 = arith.cmpi ne, %convert_element_type3A_109, %cond3A_110 : i32
        scf.if %cond3A_111 {
          %sub3A = arith.constant 4 : i32
          %sub3A_191 = arith.subi %add3A_103, %sub3A : i32
          %dma_wait3A_192 = arith.constant 0 : i32
          %dma_wait3A_193 = tpu.memref_slice %arg8[%sub3A_191, %dma_wait3A_192] : memref<8x64xi32, #tpu.memory_space<vmem>> -> memref<1x64xi32, #tpu.memory_space<vmem>>
          %dma_wait3A_194 = tpu.memref_squeeze %dma_wait3A_193 : memref<1x64xi32, #tpu.memory_space<vmem>> -> memref<64xi32, #tpu.memory_space<vmem>>
          %dma_wait3A_195 = arith.constant 0 : i32
          %dma_wait3A_196 = arith.constant 0 : i32
          %dma_wait3A_197 = tpu.memref_slice %arg13[%dma_wait3A_195, %dma_wait3A_196] : memref<10240x128xf32, #tpu.memory_space<vmem_shared>> -> memref<10240x128xf32, #tpu.memory_space<vmem_shared>>
          tpu.wait_indirect_dma semaphore(%arg21 : memref<!tpu.dma_semaphore, #tpu.memory_space<semaphore_mem>>) src(%arg12 : memref<64x128xf32, #tpu.memory_space<vmem>>) dst(%dma_wait3A_197 : memref<10240x128xf32, #tpu.memory_space<vmem_shared>>)
        } else {
        }
        %lt3A_112 = arith.constant 8 : i32
        %lt3A_113 = arith.cmpi slt, %add3A_103, %lt3A_112 : i32
        %convert_element_type3A_114 = arith.extui %lt3A_113 : i1 to i32
        %cond3A_115 = arith.constant 0 : i32
        %cond3A_116 = arith.cmpi ne, %convert_element_type3A_114, %cond3A_115 : i32
        scf.if %cond3A_116 {
          %dma_start3A_191 = arith.constant 0 : i32
          %dma_start3A_192 = tpu.memref_slice %arg7[%add3A_103, %dma_start3A_191] : memref<8x64xi32, #tpu.memory_space<vmem>> -> memref<1x64xi32, #tpu.memory_space<vmem>>
          %dma_start3A_193 = tpu.memref_squeeze %dma_start3A_192 : memref<1x64xi32, #tpu.memory_space<vmem>> -> memref<64xi32, #tpu.memory_space<vmem>>
          %dma_start3A_194 = arith.constant 0 : i32
          %dma_start3A_195 = arith.constant 0 : i32
          %dma_start3A_196 = tpu.memref_slice %arg2[%dma_start3A_194, %dma_start3A_195] : memref<10240x128xf32, #tpu.memory_space<hbm>> -> memref<10240x128xf32, #tpu.memory_space<hbm>>
          tpu.enqueue_indirect_dma source(%dma_start3A_196 : memref<10240x128xf32, #tpu.memory_space<hbm>>) target(%arg12 : memref<64x128xf32, #tpu.memory_space<vmem>>) offsets(%dma_start3A_193 : memref<64xi32, #tpu.memory_space<vmem>>) semaphore(%arg17 : memref<!tpu.dma_semaphore, #tpu.memory_space<semaphore_mem>>)
        } else {
        }
        %dma_wait3A_117 = arith.constant 0 : i32
        %dma_wait3A_118 = tpu.memref_slice %arg7[%add3A_101, %dma_wait3A_117] : memref<8x64xi32, #tpu.memory_space<vmem>> -> memref<1x64xi32, #tpu.memory_space<vmem>>
        %dma_wait3A_119 = tpu.memref_squeeze %dma_wait3A_118 : memref<1x64xi32, #tpu.memory_space<vmem>> -> memref<64xi32, #tpu.memory_space<vmem>>
        %dma_wait3A_120 = arith.constant 0 : i32
        %dma_wait3A_121 = arith.constant 0 : i32
        %dma_wait3A_122 = tpu.memref_slice %arg2[%dma_wait3A_120, %dma_wait3A_121] : memref<10240x128xf32, #tpu.memory_space<hbm>> -> memref<10240x128xf32, #tpu.memory_space<hbm>>
        tpu.wait_indirect_dma semaphore(%arg15 : memref<!tpu.dma_semaphore, #tpu.memory_space<semaphore_mem>>) src(%dma_wait3A_122 : memref<10240x128xf32, #tpu.memory_space<hbm>>) dst(%arg10 : memref<64x128xf32, #tpu.memory_space<vmem>>)
        %dma_start3A_123 = arith.constant 0 : i32
        %dma_start3A_124 = tpu.memref_slice %arg8[%add3A_101, %dma_start3A_123] : memref<8x64xi32, #tpu.memory_space<vmem>> -> memref<1x64xi32, #tpu.memory_space<vmem>>
        %dma_start3A_125 = tpu.memref_squeeze %dma_start3A_124 : memref<1x64xi32, #tpu.memory_space<vmem>> -> memref<64xi32, #tpu.memory_space<vmem>>
        %dma_start3A_126 = arith.constant 0 : i32
        %dma_start3A_127 = arith.constant 0 : i32
        %dma_start3A_128 = tpu.memref_slice %arg13[%dma_start3A_126, %dma_start3A_127] : memref<10240x128xf32, #tpu.memory_space<vmem_shared>> -> memref<10240x128xf32, #tpu.memory_space<vmem_shared>>
        tpu.enqueue_indirect_dma source(%arg10 : memref<64x128xf32, #tpu.memory_space<vmem>>) target(%dma_start3A_128 : memref<10240x128xf32, #tpu.memory_space<vmem_shared>>) offsets(%dma_start3A_125 : memref<64xi32, #tpu.memory_space<vmem>>) semaphore(%arg19 : memref<!tpu.dma_semaphore, #tpu.memory_space<semaphore_mem>>) {add = true}
        %mul3A_129 = arith.constant 4 : i32
        %mul3A_130 = arith.muli %mul3A_129, %scan3A_71 : i32
        %add3A_131 = arith.constant 2 : i32
        %add3A_132 = arith.addi %mul3A_130, %add3A_131 : i32
        %add3A_133 = arith.constant 2 : i32
        %add3A_134 = arith.addi %add3A_132, %add3A_133 : i32
        %ge3A_135 = arith.constant 4 : i32
        %ge3A_136 = arith.cmpi sge, %add3A_134, %ge3A_135 : i32
        %lt3A_137 = arith.constant 8 : i32
        %lt3A_138 = arith.cmpi slt, %add3A_134, %lt3A_137 : i32
        %and3A_139 = arith.andi %ge3A_136, %lt3A_138 : i1
        %convert_element_type3A_140 = arith.extui %and3A_139 : i1 to i32
        %cond3A_141 = arith.constant 0 : i32
        %cond3A_142 = arith.cmpi ne, %convert_element_type3A_140, %cond3A_141 : i32
        scf.if %cond3A_142 {
          %sub3A = arith.constant 4 : i32
          %sub3A_191 = arith.subi %add3A_134, %sub3A : i32
          %dma_wait3A_192 = arith.constant 0 : i32
          %dma_wait3A_193 = tpu.memref_slice %arg8[%sub3A_191, %dma_wait3A_192] : memref<8x64xi32, #tpu.memory_space<vmem>> -> memref<1x64xi32, #tpu.memory_space<vmem>>
          %dma_wait3A_194 = tpu.memref_squeeze %dma_wait3A_193 : memref<1x64xi32, #tpu.memory_space<vmem>> -> memref<64xi32, #tpu.memory_space<vmem>>
          %dma_wait3A_195 = arith.constant 0 : i32
          %dma_wait3A_196 = arith.constant 0 : i32
          %dma_wait3A_197 = tpu.memref_slice %arg13[%dma_wait3A_195, %dma_wait3A_196] : memref<10240x128xf32, #tpu.memory_space<vmem_shared>> -> memref<10240x128xf32, #tpu.memory_space<vmem_shared>>
          tpu.wait_indirect_dma semaphore(%arg18 : memref<!tpu.dma_semaphore, #tpu.memory_space<semaphore_mem>>) src(%arg9 : memref<64x128xf32, #tpu.memory_space<vmem>>) dst(%dma_wait3A_197 : memref<10240x128xf32, #tpu.memory_space<vmem_shared>>)
        } else {
        }
        %lt3A_143 = arith.constant 8 : i32
        %lt3A_144 = arith.cmpi slt, %add3A_134, %lt3A_143 : i32
        %convert_element_type3A_145 = arith.extui %lt3A_144 : i1 to i32
        %cond3A_146 = arith.constant 0 : i32
        %cond3A_147 = arith.cmpi ne, %convert_element_type3A_145, %cond3A_146 : i32
        scf.if %cond3A_147 {
          %dma_start3A_191 = arith.constant 0 : i32
          %dma_start3A_192 = tpu.memref_slice %arg7[%add3A_134, %dma_start3A_191] : memref<8x64xi32, #tpu.memory_space<vmem>> -> memref<1x64xi32, #tpu.memory_space<vmem>>
          %dma_start3A_193 = tpu.memref_squeeze %dma_start3A_192 : memref<1x64xi32, #tpu.memory_space<vmem>> -> memref<64xi32, #tpu.memory_space<vmem>>
          %dma_start3A_194 = arith.constant 0 : i32
          %dma_start3A_195 = arith.constant 0 : i32
          %dma_start3A_196 = tpu.memref_slice %arg2[%dma_start3A_194, %dma_start3A_195] : memref<10240x128xf32, #tpu.memory_space<hbm>> -> memref<10240x128xf32, #tpu.memory_space<hbm>>
          tpu.enqueue_indirect_dma source(%dma_start3A_196 : memref<10240x128xf32, #tpu.memory_space<hbm>>) target(%arg9 : memref<64x128xf32, #tpu.memory_space<vmem>>) offsets(%dma_start3A_193 : memref<64xi32, #tpu.memory_space<vmem>>) semaphore(%arg14 : memref<!tpu.dma_semaphore, #tpu.memory_space<semaphore_mem>>)
        } else {
        }
        %dma_wait3A_148 = arith.constant 0 : i32
        %dma_wait3A_149 = tpu.memref_slice %arg7[%add3A_132, %dma_wait3A_148] : memref<8x64xi32, #tpu.memory_space<vmem>> -> memref<1x64xi32, #tpu.memory_space<vmem>>
        %dma_wait3A_150 = tpu.memref_squeeze %dma_wait3A_149 : memref<1x64xi32, #tpu.memory_space<vmem>> -> memref<64xi32, #tpu.memory_space<vmem>>
        %dma_wait3A_151 = arith.constant 0 : i32
        %dma_wait3A_152 = arith.constant 0 : i32
        %dma_wait3A_153 = tpu.memref_slice %arg2[%dma_wait3A_151, %dma_wait3A_152] : memref<10240x128xf32, #tpu.memory_space<hbm>> -> memref<10240x128xf32, #tpu.memory_space<hbm>>
        tpu.wait_indirect_dma semaphore(%arg16 : memref<!tpu.dma_semaphore, #tpu.memory_space<semaphore_mem>>) src(%dma_wait3A_153 : memref<10240x128xf32, #tpu.memory_space<hbm>>) dst(%arg11 : memref<64x128xf32, #tpu.memory_space<vmem>>)
        %dma_start3A_154 = arith.constant 0 : i32
        %dma_start3A_155 = tpu.memref_slice %arg8[%add3A_132, %dma_start3A_154] : memref<8x64xi32, #tpu.memory_space<vmem>> -> memref<1x64xi32, #tpu.memory_space<vmem>>
        %dma_start3A_156 = tpu.memref_squeeze %dma_start3A_155 : memref<1x64xi32, #tpu.memory_space<vmem>> -> memref<64xi32, #tpu.memory_space<vmem>>
        %dma_start3A_157 = arith.constant 0 : i32
        %dma_start3A_158 = arith.constant 0 : i32
        %dma_start3A_159 = tpu.memref_slice %arg13[%dma_start3A_157, %dma_start3A_158] : memref<10240x128xf32, #tpu.memory_space<vmem_shared>> -> memref<10240x128xf32, #tpu.memory_space<vmem_shared>>
        tpu.enqueue_indirect_dma source(%arg11 : memref<64x128xf32, #tpu.memory_space<vmem>>) target(%dma_start3A_159 : memref<10240x128xf32, #tpu.memory_space<vmem_shared>>) offsets(%dma_start3A_156 : memref<64xi32, #tpu.memory_space<vmem>>) semaphore(%arg20 : memref<!tpu.dma_semaphore, #tpu.memory_space<semaphore_mem>>) {add = true}
        %mul3A_160 = arith.constant 4 : i32
        %mul3A_161 = arith.muli %mul3A_160, %scan3A_71 : i32
        %add3A_162 = arith.constant 3 : i32
        %add3A_163 = arith.addi %mul3A_161, %add3A_162 : i32
        %add3A_164 = arith.constant 2 : i32
        %add3A_165 = arith.addi %add3A_163, %add3A_164 : i32
        %ge3A_166 = arith.constant 4 : i32
        %ge3A_167 = arith.cmpi sge, %add3A_165, %ge3A_166 : i32
        %lt3A_168 = arith.constant 8 : i32
        %lt3A_169 = arith.cmpi slt, %add3A_165, %lt3A_168 : i32
        %and3A_170 = arith.andi %ge3A_167, %lt3A_169 : i1
        %convert_element_type3A_171 = arith.extui %and3A_170 : i1 to i32
        %cond3A_172 = arith.constant 0 : i32
        %cond3A_173 = arith.cmpi ne, %convert_element_type3A_171, %cond3A_172 : i32
        scf.if %cond3A_173 {
          %sub3A = arith.constant 4 : i32
          %sub3A_191 = arith.subi %add3A_165, %sub3A : i32
          %dma_wait3A_192 = arith.constant 0 : i32
          %dma_wait3A_193 = tpu.memref_slice %arg8[%sub3A_191, %dma_wait3A_192] : memref<8x64xi32, #tpu.memory_space<vmem>> -> memref<1x64xi32, #tpu.memory_space<vmem>>
          %dma_wait3A_194 = tpu.memref_squeeze %dma_wait3A_193 : memref<1x64xi32, #tpu.memory_space<vmem>> -> memref<64xi32, #tpu.memory_space<vmem>>
          %dma_wait3A_195 = arith.constant 0 : i32
          %dma_wait3A_196 = arith.constant 0 : i32
          %dma_wait3A_197 = tpu.memref_slice %arg13[%dma_wait3A_195, %dma_wait3A_196] : memref<10240x128xf32, #tpu.memory_space<vmem_shared>> -> memref<10240x128xf32, #tpu.memory_space<vmem_shared>>
          tpu.wait_indirect_dma semaphore(%arg19 : memref<!tpu.dma_semaphore, #tpu.memory_space<semaphore_mem>>) src(%arg10 : memref<64x128xf32, #tpu.memory_space<vmem>>) dst(%dma_wait3A_197 : memref<10240x128xf32, #tpu.memory_space<vmem_shared>>)
        } else {
        }
        %lt3A_174 = arith.constant 8 : i32
        %lt3A_175 = arith.cmpi slt, %add3A_165, %lt3A_174 : i32
        %convert_element_type3A_176 = arith.extui %lt3A_175 : i1 to i32
        %cond3A_177 = arith.constant 0 : i32
        %cond3A_178 = arith.cmpi ne, %convert_element_type3A_176, %cond3A_177 : i32
        scf.if %cond3A_178 {
          %dma_start3A_191 = arith.constant 0 : i32
          %dma_start3A_192 = tpu.memref_slice %arg7[%add3A_165, %dma_start3A_191] : memref<8x64xi32, #tpu.memory_space<vmem>> -> memref<1x64xi32, #tpu.memory_space<vmem>>
          %dma_start3A_193 = tpu.memref_squeeze %dma_start3A_192 : memref<1x64xi32, #tpu.memory_space<vmem>> -> memref<64xi32, #tpu.memory_space<vmem>>
          %dma_start3A_194 = arith.constant 0 : i32
          %dma_start3A_195 = arith.constant 0 : i32
          %dma_start3A_196 = tpu.memref_slice %arg2[%dma_start3A_194, %dma_start3A_195] : memref<10240x128xf32, #tpu.memory_space<hbm>> -> memref<10240x128xf32, #tpu.memory_space<hbm>>
          tpu.enqueue_indirect_dma source(%dma_start3A_196 : memref<10240x128xf32, #tpu.memory_space<hbm>>) target(%arg10 : memref<64x128xf32, #tpu.memory_space<vmem>>) offsets(%dma_start3A_193 : memref<64xi32, #tpu.memory_space<vmem>>) semaphore(%arg15 : memref<!tpu.dma_semaphore, #tpu.memory_space<semaphore_mem>>)
        } else {
        }
        %dma_wait3A_179 = arith.constant 0 : i32
        %dma_wait3A_180 = tpu.memref_slice %arg7[%add3A_163, %dma_wait3A_179] : memref<8x64xi32, #tpu.memory_space<vmem>> -> memref<1x64xi32, #tpu.memory_space<vmem>>
        %dma_wait3A_181 = tpu.memref_squeeze %dma_wait3A_180 : memref<1x64xi32, #tpu.memory_space<vmem>> -> memref<64xi32, #tpu.memory_space<vmem>>
        %dma_wait3A_182 = arith.constant 0 : i32
        %dma_wait3A_183 = arith.constant 0 : i32
        %dma_wait3A_184 = tpu.memref_slice %arg2[%dma_wait3A_182, %dma_wait3A_183] : memref<10240x128xf32, #tpu.memory_space<hbm>> -> memref<10240x128xf32, #tpu.memory_space<hbm>>
        tpu.wait_indirect_dma semaphore(%arg17 : memref<!tpu.dma_semaphore, #tpu.memory_space<semaphore_mem>>) src(%dma_wait3A_184 : memref<10240x128xf32, #tpu.memory_space<hbm>>) dst(%arg12 : memref<64x128xf32, #tpu.memory_space<vmem>>)
        %dma_start3A_185 = arith.constant 0 : i32
        %dma_start3A_186 = tpu.memref_slice %arg8[%add3A_163, %dma_start3A_185] : memref<8x64xi32, #tpu.memory_space<vmem>> -> memref<1x64xi32, #tpu.memory_space<vmem>>
        %dma_start3A_187 = tpu.memref_squeeze %dma_start3A_186 : memref<1x64xi32, #tpu.memory_space<vmem>> -> memref<64xi32, #tpu.memory_space<vmem>>
        %dma_start3A_188 = arith.constant 0 : i32
        %dma_start3A_189 = arith.constant 0 : i32
        %dma_start3A_190 = tpu.memref_slice %arg13[%dma_start3A_188, %dma_start3A_189] : memref<10240x128xf32, #tpu.memory_space<vmem_shared>> -> memref<10240x128xf32, #tpu.memory_space<vmem_shared>>
        tpu.enqueue_indirect_dma source(%arg12 : memref<64x128xf32, #tpu.memory_space<vmem>>) target(%dma_start3A_190 : memref<10240x128xf32, #tpu.memory_space<vmem_shared>>) offsets(%dma_start3A_187 : memref<64xi32, #tpu.memory_space<vmem>>) semaphore(%arg21 : memref<!tpu.dma_semaphore, #tpu.memory_space<semaphore_mem>>) {add = true}
      }
      %scan3A_43 = arith.constant 2 : i32
      %dma_wait3A = arith.constant 4 : i32
      %dma_wait3A_44 = arith.constant 0 : i32
      %dma_wait3A_45 = tpu.memref_slice %arg8[%dma_wait3A, %dma_wait3A_44] : memref<8x64xi32, #tpu.memory_space<vmem>> -> memref<1x64xi32, #tpu.memory_space<vmem>>
      %dma_wait3A_46 = tpu.memref_squeeze %dma_wait3A_45 : memref<1x64xi32, #tpu.memory_space<vmem>> -> memref<64xi32, #tpu.memory_space<vmem>>
      %dma_wait3A_47 = arith.constant 0 : i32
      %dma_wait3A_48 = arith.constant 0 : i32
      %dma_wait3A_49 = tpu.memref_slice %arg13[%dma_wait3A_47, %dma_wait3A_48] : memref<10240x128xf32, #tpu.memory_space<vmem_shared>> -> memref<10240x128xf32, #tpu.memory_space<vmem_shared>>
      tpu.wait_indirect_dma semaphore(%arg18 : memref<!tpu.dma_semaphore, #tpu.memory_space<semaphore_mem>>) src(%arg9 : memref<64x128xf32, #tpu.memory_space<vmem>>) dst(%dma_wait3A_49 : memref<10240x128xf32, #tpu.memory_space<vmem_shared>>)
      %dma_wait3A_50 = arith.constant 5 : i32
      %dma_wait3A_51 = arith.constant 0 : i32
      %dma_wait3A_52 = tpu.memref_slice %arg8[%dma_wait3A_50, %dma_wait3A_51] : memref<8x64xi32, #tpu.memory_space<vmem>> -> memref<1x64xi32, #tpu.memory_space<vmem>>
      %dma_wait3A_53 = tpu.memref_squeeze %dma_wait3A_52 : memref<1x64xi32, #tpu.memory_space<vmem>> -> memref<64xi32, #tpu.memory_space<vmem>>
      %dma_wait3A_54 = arith.constant 0 : i32
      %dma_wait3A_55 = arith.constant 0 : i32
      %dma_wait3A_56 = tpu.memref_slice %arg13[%dma_wait3A_54, %dma_wait3A_55] : memref<10240x128xf32, #tpu.memory_space<vmem_shared>> -> memref<10240x128xf32, #tpu.memory_space<vmem_shared>>
      tpu.wait_indirect_dma semaphore(%arg19 : memref<!tpu.dma_semaphore, #tpu.memory_space<semaphore_mem>>) src(%arg10 : memref<64x128xf32, #tpu.memory_space<vmem>>) dst(%dma_wait3A_56 : memref<10240x128xf32, #tpu.memory_space<vmem_shared>>)
      %dma_wait3A_57 = arith.constant 6 : i32
      %dma_wait3A_58 = arith.constant 0 : i32
      %dma_wait3A_59 = tpu.memref_slice %arg8[%dma_wait3A_57, %dma_wait3A_58] : memref<8x64xi32, #tpu.memory_space<vmem>> -> memref<1x64xi32, #tpu.memory_space<vmem>>
      %dma_wait3A_60 = tpu.memref_squeeze %dma_wait3A_59 : memref<1x64xi32, #tpu.memory_space<vmem>> -> memref<64xi32, #tpu.memory_space<vmem>>
      %dma_wait3A_61 = arith.constant 0 : i32
      %dma_wait3A_62 = arith.constant 0 : i32
      %dma_wait3A_63 = tpu.memref_slice %arg13[%dma_wait3A_61, %dma_wait3A_62] : memref<10240x128xf32, #tpu.memory_space<vmem_shared>> -> memref<10240x128xf32, #tpu.memory_space<vmem_shared>>
      tpu.wait_indirect_dma semaphore(%arg20 : memref<!tpu.dma_semaphore, #tpu.memory_space<semaphore_mem>>) src(%arg11 : memref<64x128xf32, #tpu.memory_space<vmem>>) dst(%dma_wait3A_63 : memref<10240x128xf32, #tpu.memory_space<vmem_shared>>)
      %dma_wait3A_64 = arith.constant 7 : i32
      %dma_wait3A_65 = arith.constant 0 : i32
      %dma_wait3A_66 = tpu.memref_slice %arg8[%dma_wait3A_64, %dma_wait3A_65] : memref<8x64xi32, #tpu.memory_space<vmem>> -> memref<1x64xi32, #tpu.memory_space<vmem>>
      %dma_wait3A_67 = tpu.memref_squeeze %dma_wait3A_66 : memref<1x64xi32, #tpu.memory_space<vmem>> -> memref<64xi32, #tpu.memory_space<vmem>>
      %dma_wait3A_68 = arith.constant 0 : i32
      %dma_wait3A_69 = arith.constant 0 : i32
      %dma_wait3A_70 = tpu.memref_slice %arg13[%dma_wait3A_68, %dma_wait3A_69] : memref<10240x128xf32, #tpu.memory_space<vmem_shared>> -> memref<10240x128xf32, #tpu.memory_space<vmem_shared>>
      tpu.wait_indirect_dma semaphore(%arg21 : memref<!tpu.dma_semaphore, #tpu.memory_space<semaphore_mem>>) src(%arg12 : memref<64x128xf32, #tpu.memory_space<vmem>>) dst(%dma_wait3A_70 : memref<10240x128xf32, #tpu.memory_space<vmem_shared>>)
    }
    %while3A_18 = arith.constant 1 : i32
    scf.for %while3A_20 = %while3A_16 to %while3A_12 step %while3A_18  : i32 {
      %mul3A_21 = arith.constant 8 : i32
      %mul3A_22 = arith.muli %while3A_20, %mul3A_21 : i32
      %add3A_23 = arith.addi %select_n3A_10, %mul3A_22 : i32
      "tpu.region"() ({
        %run_scoped3A = tpu.sem_alloc : memref<!tpu.dma_semaphore, #tpu.memory_space<semaphore_mem>>
        %dma_start3A_71 = arith.constant 0 : i32
        %dma_start3A_72 = tpu.memref_slice %arg3[%add3A_23, %dma_start3A_71] : memref<5120x64xi32, #tpu.memory_space<hbm>> -> memref<8x64xi32, #tpu.memory_space<hbm>>
        %dma_start3A_73 = arith.constant 0 : i32
        %dma_start3A_74 = tpu.memref_slice %arg3[%add3A_23, %dma_start3A_73] : memref<5120x64xi32, #tpu.memory_space<hbm>> -> memref<8x64xi32, #tpu.memory_space<hbm>>
        tpu.enqueue_dma source(%dma_start3A_74 : memref<8x64xi32, #tpu.memory_space<hbm>>) target(%arg7 : memref<8x64xi32, #tpu.memory_space<vmem>>) target_semaphore(%run_scoped3A : memref<!tpu.dma_semaphore, #tpu.memory_space<semaphore_mem>>)
        %dma_wait3A_75 = arith.constant 0 : i32
        %dma_wait3A_76 = tpu.memref_slice %arg3[%add3A_23, %dma_wait3A_75] : memref<5120x64xi32, #tpu.memory_space<hbm>> -> memref<8x64xi32, #tpu.memory_space<hbm>>
        %dma_wait3A_77 = arith.constant 0 : i32
        %dma_wait3A_78 = tpu.memref_slice %arg3[%add3A_23, %dma_wait3A_77] : memref<5120x64xi32, #tpu.memory_space<hbm>> -> memref<8x64xi32, #tpu.memory_space<hbm>>
        tpu.wait_dma2 semaphore(%run_scoped3A : memref<!tpu.dma_semaphore, #tpu.memory_space<semaphore_mem>>) src(%dma_wait3A_78 : memref<8x64xi32, #tpu.memory_space<hbm>>) dst(%arg7 : memref<8x64xi32, #tpu.memory_space<vmem>>)
        tpu.yield
      }) : () -> ()
      %mul3A_24 = arith.constant 8 : i32
      %mul3A_25 = arith.muli %while3A_20, %mul3A_24 : i32
      %add3A_26 = arith.addi %select_n3A_10, %mul3A_25 : i32
      "tpu.region"() ({
        %run_scoped3A = tpu.sem_alloc : memref<!tpu.dma_semaphore, #tpu.memory_space<semaphore_mem>>
        %dma_start3A_71 = arith.constant 0 : i32
        %dma_start3A_72 = tpu.memref_slice %arg4[%add3A_26, %dma_start3A_71] : memref<5120x64xi32, #tpu.memory_space<hbm>> -> memref<8x64xi32, #tpu.memory_space<hbm>>
        %dma_start3A_73 = arith.constant 0 : i32
        %dma_start3A_74 = tpu.memref_slice %arg4[%add3A_26, %dma_start3A_73] : memref<5120x64xi32, #tpu.memory_space<hbm>> -> memref<8x64xi32, #tpu.memory_space<hbm>>
        tpu.enqueue_dma source(%dma_start3A_74 : memref<8x64xi32, #tpu.memory_space<hbm>>) target(%arg8 : memref<8x64xi32, #tpu.memory_space<vmem>>) target_semaphore(%run_scoped3A : memref<!tpu.dma_semaphore, #tpu.memory_space<semaphore_mem>>)
        %dma_wait3A_75 = arith.constant 0 : i32
        %dma_wait3A_76 = tpu.memref_slice %arg4[%add3A_26, %dma_wait3A_75] : memref<5120x64xi32, #tpu.memory_space<hbm>> -> memref<8x64xi32, #tpu.memory_space<hbm>>
        %dma_wait3A_77 = arith.constant 0 : i32
        %dma_wait3A_78 = tpu.memref_slice %arg4[%add3A_26, %dma_wait3A_77] : memref<5120x64xi32, #tpu.memory_space<hbm>> -> memref<8x64xi32, #tpu.memory_space<hbm>>
        tpu.wait_dma2 semaphore(%run_scoped3A : memref<!tpu.dma_semaphore, #tpu.memory_space<semaphore_mem>>) src(%dma_wait3A_78 : memref<8x64xi32, #tpu.memory_space<hbm>>) dst(%arg8 : memref<8x64xi32, #tpu.memory_space<vmem>>)
        tpu.yield
      }) : () -> ()
      %dma_start3A = arith.constant 0 : i32
      %dma_start3A_27 = arith.constant 0 : i32
      %dma_start3A_28 = tpu.memref_slice %arg7[%dma_start3A, %dma_start3A_27] : memref<8x64xi32, #tpu.memory_space<vmem>> -> memref<1x64xi32, #tpu.memory_space<vmem>>
      %dma_start3A_29 = tpu.memref_squeeze %dma_start3A_28 : memref<1x64xi32, #tpu.memory_space<vmem>> -> memref<64xi32, #tpu.memory_space<vmem>>
      %dma_start3A_30 = arith.constant 0 : i32
      %dma_start3A_31 = arith.constant 0 : i32
      %dma_start3A_32 = tpu.memref_slice %arg2[%dma_start3A_30, %dma_start3A_31] : memref<10240x128xf32, #tpu.memory_space<hbm>> -> memref<10240x128xf32, #tpu.memory_space<hbm>>
      tpu.enqueue_indirect_dma source(%dma_start3A_32 : memref<10240x128xf32, #tpu.memory_space<hbm>>) target(%arg9 : memref<64x128xf32, #tpu.memory_space<vmem>>) offsets(%dma_start3A_29 : memref<64xi32, #tpu.memory_space<vmem>>) semaphore(%arg14 : memref<!tpu.dma_semaphore, #tpu.memory_space<semaphore_mem>>)
      %dma_start3A_33 = arith.constant 1 : i32
      %dma_start3A_34 = arith.constant 0 : i32
      %dma_start3A_35 = tpu.memref_slice %arg7[%dma_start3A_33, %dma_start3A_34] : memref<8x64xi32, #tpu.memory_space<vmem>> -> memref<1x64xi32, #tpu.memory_space<vmem>>
      %dma_start3A_36 = tpu.memref_squeeze %dma_start3A_35 : memref<1x64xi32, #tpu.memory_space<vmem>> -> memref<64xi32, #tpu.memory_space<vmem>>
      %dma_start3A_37 = arith.constant 0 : i32
      %dma_start3A_38 = arith.constant 0 : i32
      %dma_start3A_39 = tpu.memref_slice %arg2[%dma_start3A_37, %dma_start3A_38] : memref<10240x128xf32, #tpu.memory_space<hbm>> -> memref<10240x128xf32, #tpu.memory_space<hbm>>
      tpu.enqueue_indirect_dma source(%dma_start3A_39 : memref<10240x128xf32, #tpu.memory_space<hbm>>) target(%arg10 : memref<64x128xf32, #tpu.memory_space<vmem>>) offsets(%dma_start3A_36 : memref<64xi32, #tpu.memory_space<vmem>>) semaphore(%arg15 : memref<!tpu.dma_semaphore, #tpu.memory_space<semaphore_mem>>)
      %scan3A = arith.constant 0 : i32
      %scan3A_40 = arith.constant 2 : i32
      %scan3A_41 = arith.addi %scan3A, %scan3A_40 : i32
      %scan3A_42 = arith.constant 1 : i32
      scf.for %scan3A_71 = %scan3A to %scan3A_41 step %scan3A_42  : i32 {
        %mul3A_72 = arith.constant 4 : i32
        %mul3A_73 = arith.muli %mul3A_72, %scan3A_71 : i32
        %add3A_74 = arith.constant 0 : i32
        %add3A_75 = arith.addi %mul3A_73, %add3A_74 : i32
        %add3A_76 = arith.constant 2 : i32
        %add3A_77 = arith.addi %add3A_75, %add3A_76 : i32
        %ge3A = arith.constant 4 : i32
        %ge3A_78 = arith.cmpi sge, %add3A_77, %ge3A : i32
        %lt3A = arith.constant 8 : i32
        %lt3A_79 = arith.cmpi slt, %add3A_77, %lt3A : i32
        %and3A = arith.andi %ge3A_78, %lt3A_79 : i1
        %convert_element_type3A = arith.extui %and3A : i1 to i32
        %cond3A = arith.constant 0 : i32
        %cond3A_80 = arith.cmpi ne, %convert_element_type3A, %cond3A : i32
        scf.if %cond3A_80 {
          %sub3A = arith.constant 4 : i32
          %sub3A_191 = arith.subi %add3A_77, %sub3A : i32
          %dma_wait3A_192 = arith.constant 0 : i32
          %dma_wait3A_193 = tpu.memref_slice %arg8[%sub3A_191, %dma_wait3A_192] : memref<8x64xi32, #tpu.memory_space<vmem>> -> memref<1x64xi32, #tpu.memory_space<vmem>>
          %dma_wait3A_194 = tpu.memref_squeeze %dma_wait3A_193 : memref<1x64xi32, #tpu.memory_space<vmem>> -> memref<64xi32, #tpu.memory_space<vmem>>
          %dma_wait3A_195 = arith.constant 0 : i32
          %dma_wait3A_196 = arith.constant 0 : i32
          %dma_wait3A_197 = tpu.memref_slice %arg13[%dma_wait3A_195, %dma_wait3A_196] : memref<10240x128xf32, #tpu.memory_space<vmem_shared>> -> memref<10240x128xf32, #tpu.memory_space<vmem_shared>>
          tpu.wait_indirect_dma semaphore(%arg20 : memref<!tpu.dma_semaphore, #tpu.memory_space<semaphore_mem>>) src(%arg11 : memref<64x128xf32, #tpu.memory_space<vmem>>) dst(%dma_wait3A_197 : memref<10240x128xf32, #tpu.memory_space<vmem_shared>>)
        } else {
        }
        %lt3A_81 = arith.constant 8 : i32
        %lt3A_82 = arith.cmpi slt, %add3A_77, %lt3A_81 : i32
        %convert_element_type3A_83 = arith.extui %lt3A_82 : i1 to i32
        %cond3A_84 = arith.constant 0 : i32
        %cond3A_85 = arith.cmpi ne, %convert_element_type3A_83, %cond3A_84 : i32
        scf.if %cond3A_85 {
          %dma_start3A_191 = arith.constant 0 : i32
          %dma_start3A_192 = tpu.memref_slice %arg7[%add3A_77, %dma_start3A_191] : memref<8x64xi32, #tpu.memory_space<vmem>> -> memref<1x64xi32, #tpu.memory_space<vmem>>
          %dma_start3A_193 = tpu.memref_squeeze %dma_start3A_192 : memref<1x64xi32, #tpu.memory_space<vmem>> -> memref<64xi32, #tpu.memory_space<vmem>>
          %dma_start3A_194 = arith.constant 0 : i32
          %dma_start3A_195 = arith.constant 0 : i32
          %dma_start3A_196 = tpu.memref_slice %arg2[%dma_start3A_194, %dma_start3A_195] : memref<10240x128xf32, #tpu.memory_space<hbm>> -> memref<10240x128xf32, #tpu.memory_space<hbm>>
          tpu.enqueue_indirect_dma source(%dma_start3A_196 : memref<10240x128xf32, #tpu.memory_space<hbm>>) target(%arg11 : memref<64x128xf32, #tpu.memory_space<vmem>>) offsets(%dma_start3A_193 : memref<64xi32, #tpu.memory_space<vmem>>) semaphore(%arg16 : memref<!tpu.dma_semaphore, #tpu.memory_space<semaphore_mem>>)
        } else {
        }
        %dma_wait3A_86 = arith.constant 0 : i32
        %dma_wait3A_87 = tpu.memref_slice %arg7[%add3A_75, %dma_wait3A_86] : memref<8x64xi32, #tpu.memory_space<vmem>> -> memref<1x64xi32, #tpu.memory_space<vmem>>
        %dma_wait3A_88 = tpu.memref_squeeze %dma_wait3A_87 : memref<1x64xi32, #tpu.memory_space<vmem>> -> memref<64xi32, #tpu.memory_space<vmem>>
        %dma_wait3A_89 = arith.constant 0 : i32
        %dma_wait3A_90 = arith.constant 0 : i32
        %dma_wait3A_91 = tpu.memref_slice %arg2[%dma_wait3A_89, %dma_wait3A_90] : memref<10240x128xf32, #tpu.memory_space<hbm>> -> memref<10240x128xf32, #tpu.memory_space<hbm>>
        tpu.wait_indirect_dma semaphore(%arg14 : memref<!tpu.dma_semaphore, #tpu.memory_space<semaphore_mem>>) src(%dma_wait3A_91 : memref<10240x128xf32, #tpu.memory_space<hbm>>) dst(%arg9 : memref<64x128xf32, #tpu.memory_space<vmem>>)
        %dma_start3A_92 = arith.constant 0 : i32
        %dma_start3A_93 = tpu.memref_slice %arg8[%add3A_75, %dma_start3A_92] : memref<8x64xi32, #tpu.memory_space<vmem>> -> memref<1x64xi32, #tpu.memory_space<vmem>>
        %dma_start3A_94 = tpu.memref_squeeze %dma_start3A_93 : memref<1x64xi32, #tpu.memory_space<vmem>> -> memref<64xi32, #tpu.memory_space<vmem>>
        %dma_start3A_95 = arith.constant 0 : i32
        %dma_start3A_96 = arith.constant 0 : i32
        %dma_start3A_97 = tpu.memref_slice %arg13[%dma_start3A_95, %dma_start3A_96] : memref<10240x128xf32, #tpu.memory_space<vmem_shared>> -> memref<10240x128xf32, #tpu.memory_space<vmem_shared>>
        tpu.enqueue_indirect_dma source(%arg9 : memref<64x128xf32, #tpu.memory_space<vmem>>) target(%dma_start3A_97 : memref<10240x128xf32, #tpu.memory_space<vmem_shared>>) offsets(%dma_start3A_94 : memref<64xi32, #tpu.memory_space<vmem>>) semaphore(%arg18 : memref<!tpu.dma_semaphore, #tpu.memory_space<semaphore_mem>>) {add = true}
        %mul3A_98 = arith.constant 4 : i32
        %mul3A_99 = arith.muli %mul3A_98, %scan3A_71 : i32
        %add3A_100 = arith.constant 1 : i32
        %add3A_101 = arith.addi %mul3A_99, %add3A_100 : i32
        %add3A_102 = arith.constant 2 : i32
        %add3A_103 = arith.addi %add3A_101, %add3A_102 : i32
        %ge3A_104 = arith.constant 4 : i32
        %ge3A_105 = arith.cmpi sge, %add3A_103, %ge3A_104 : i32
        %lt3A_106 = arith.constant 8 : i32
        %lt3A_107 = arith.cmpi slt, %add3A_103, %lt3A_106 : i32
        %and3A_108 = arith.andi %ge3A_105, %lt3A_107 : i1
        %convert_element_type3A_109 = arith.extui %and3A_108 : i1 to i32
        %cond3A_110 = arith.constant 0 : i32
        %cond3A_111 = arith.cmpi ne, %convert_element_type3A_109, %cond3A_110 : i32
        scf.if %cond3A_111 {
          %sub3A = arith.constant 4 : i32
          %sub3A_191 = arith.subi %add3A_103, %sub3A : i32
          %dma_wait3A_192 = arith.constant 0 : i32
          %dma_wait3A_193 = tpu.memref_slice %arg8[%sub3A_191, %dma_wait3A_192] : memref<8x64xi32, #tpu.memory_space<vmem>> -> memref<1x64xi32, #tpu.memory_space<vmem>>
          %dma_wait3A_194 = tpu.memref_squeeze %dma_wait3A_193 : memref<1x64xi32, #tpu.memory_space<vmem>> -> memref<64xi32, #tpu.memory_space<vmem>>
          %dma_wait3A_195 = arith.constant 0 : i32
          %dma_wait3A_196 = arith.constant 0 : i32
          %dma_wait3A_197 = tpu.memref_slice %arg13[%dma_wait3A_195, %dma_wait3A_196] : memref<10240x128xf32, #tpu.memory_space<vmem_shared>> -> memref<10240x128xf32, #tpu.memory_space<vmem_shared>>
          tpu.wait_indirect_dma semaphore(%arg21 : memref<!tpu.dma_semaphore, #tpu.memory_space<semaphore_mem>>) src(%arg12 : memref<64x128xf32, #tpu.memory_space<vmem>>) dst(%dma_wait3A_197 : memref<10240x128xf32, #tpu.memory_space<vmem_shared>>)
        } else {
        }
        %lt3A_112 = arith.constant 8 : i32
        %lt3A_113 = arith.cmpi slt, %add3A_103, %lt3A_112 : i32
        %convert_element_type3A_114 = arith.extui %lt3A_113 : i1 to i32
        %cond3A_115 = arith.constant 0 : i32
        %cond3A_116 = arith.cmpi ne, %convert_element_type3A_114, %cond3A_115 : i32
        scf.if %cond3A_116 {
          %dma_start3A_191 = arith.constant 0 : i32
          %dma_start3A_192 = tpu.memref_slice %arg7[%add3A_103, %dma_start3A_191] : memref<8x64xi32, #tpu.memory_space<vmem>> -> memref<1x64xi32, #tpu.memory_space<vmem>>
          %dma_start3A_193 = tpu.memref_squeeze %dma_start3A_192 : memref<1x64xi32, #tpu.memory_space<vmem>> -> memref<64xi32, #tpu.memory_space<vmem>>
          %dma_start3A_194 = arith.constant 0 : i32
          %dma_start3A_195 = arith.constant 0 : i32
          %dma_start3A_196 = tpu.memref_slice %arg2[%dma_start3A_194, %dma_start3A_195] : memref<10240x128xf32, #tpu.memory_space<hbm>> -> memref<10240x128xf32, #tpu.memory_space<hbm>>
          tpu.enqueue_indirect_dma source(%dma_start3A_196 : memref<10240x128xf32, #tpu.memory_space<hbm>>) target(%arg12 : memref<64x128xf32, #tpu.memory_space<vmem>>) offsets(%dma_start3A_193 : memref<64xi32, #tpu.memory_space<vmem>>) semaphore(%arg17 : memref<!tpu.dma_semaphore, #tpu.memory_space<semaphore_mem>>)
        } else {
        }
        %dma_wait3A_117 = arith.constant 0 : i32
        %dma_wait3A_118 = tpu.memref_slice %arg7[%add3A_101, %dma_wait3A_117] : memref<8x64xi32, #tpu.memory_space<vmem>> -> memref<1x64xi32, #tpu.memory_space<vmem>>
        %dma_wait3A_119 = tpu.memref_squeeze %dma_wait3A_118 : memref<1x64xi32, #tpu.memory_space<vmem>> -> memref<64xi32, #tpu.memory_space<vmem>>
        %dma_wait3A_120 = arith.constant 0 : i32
        %dma_wait3A_121 = arith.constant 0 : i32
        %dma_wait3A_122 = tpu.memref_slice %arg2[%dma_wait3A_120, %dma_wait3A_121] : memref<10240x128xf32, #tpu.memory_space<hbm>> -> memref<10240x128xf32, #tpu.memory_space<hbm>>
        tpu.wait_indirect_dma semaphore(%arg15 : memref<!tpu.dma_semaphore, #tpu.memory_space<semaphore_mem>>) src(%dma_wait3A_122 : memref<10240x128xf32, #tpu.memory_space<hbm>>) dst(%arg10 : memref<64x128xf32, #tpu.memory_space<vmem>>)
        %dma_start3A_123 = arith.constant 0 : i32
        %dma_start3A_124 = tpu.memref_slice %arg8[%add3A_101, %dma_start3A_123] : memref<8x64xi32, #tpu.memory_space<vmem>> -> memref<1x64xi32, #tpu.memory_space<vmem>>
        %dma_start3A_125 = tpu.memref_squeeze %dma_start3A_124 : memref<1x64xi32, #tpu.memory_space<vmem>> -> memref<64xi32, #tpu.memory_space<vmem>>
        %dma_start3A_126 = arith.constant 0 : i32
        %dma_start3A_127 = arith.constant 0 : i32
        %dma_start3A_128 = tpu.memref_slice %arg13[%dma_start3A_126, %dma_start3A_127] : memref<10240x128xf32, #tpu.memory_space<vmem_shared>> -> memref<10240x128xf32, #tpu.memory_space<vmem_shared>>
        tpu.enqueue_indirect_dma source(%arg10 : memref<64x128xf32, #tpu.memory_space<vmem>>) target(%dma_start3A_128 : memref<10240x128xf32, #tpu.memory_space<vmem_shared>>) offsets(%dma_start3A_125 : memref<64xi32, #tpu.memory_space<vmem>>) semaphore(%arg19 : memref<!tpu.dma_semaphore, #tpu.memory_space<semaphore_mem>>) {add = true}
        %mul3A_129 = arith.constant 4 : i32
        %mul3A_130 = arith.muli %mul3A_129, %scan3A_71 : i32
        %add3A_131 = arith.constant 2 : i32
        %add3A_132 = arith.addi %mul3A_130, %add3A_131 : i32
        %add3A_133 = arith.constant 2 : i32
        %add3A_134 = arith.addi %add3A_132, %add3A_133 : i32
        %ge3A_135 = arith.constant 4 : i32
        %ge3A_136 = arith.cmpi sge, %add3A_134, %ge3A_135 : i32
        %lt3A_137 = arith.constant 8 : i32
        %lt3A_138 = arith.cmpi slt, %add3A_134, %lt3A_137 : i32
        %and3A_139 = arith.andi %ge3A_136, %lt3A_138 : i1
        %convert_element_type3A_140 = arith.extui %and3A_139 : i1 to i32
        %cond3A_141 = arith.constant 0 : i32
        %cond3A_142 = arith.cmpi ne, %convert_element_type3A_140, %cond3A_141 : i32
        scf.if %cond3A_142 {
          %sub3A = arith.constant 4 : i32
          %sub3A_191 = arith.subi %add3A_134, %sub3A : i32
          %dma_wait3A_192 = arith.constant 0 : i32
          %dma_wait3A_193 = tpu.memref_slice %arg8[%sub3A_191, %dma_wait3A_192] : memref<8x64xi32, #tpu.memory_space<vmem>> -> memref<1x64xi32, #tpu.memory_space<vmem>>
          %dma_wait3A_194 = tpu.memref_squeeze %dma_wait3A_193 : memref<1x64xi32, #tpu.memory_space<vmem>> -> memref<64xi32, #tpu.memory_space<vmem>>
          %dma_wait3A_195 = arith.constant 0 : i32
          %dma_wait3A_196 = arith.constant 0 : i32
          %dma_wait3A_197 = tpu.memref_slice %arg13[%dma_wait3A_195, %dma_wait3A_196] : memref<10240x128xf32, #tpu.memory_space<vmem_shared>> -> memref<10240x128xf32, #tpu.memory_space<vmem_shared>>
          tpu.wait_indirect_dma semaphore(%arg18 : memref<!tpu.dma_semaphore, #tpu.memory_space<semaphore_mem>>) src(%arg9 : memref<64x128xf32, #tpu.memory_space<vmem>>) dst(%dma_wait3A_197 : memref<10240x128xf32, #tpu.memory_space<vmem_shared>>)
        } else {
        }
        %lt3A_143 = arith.constant 8 : i32
        %lt3A_144 = arith.cmpi slt, %add3A_134, %lt3A_143 : i32
        %convert_element_type3A_145 = arith.extui %lt3A_144 : i1 to i32
        %cond3A_146 = arith.constant 0 : i32
        %cond3A_147 = arith.cmpi ne, %convert_element_type3A_145, %cond3A_146 : i32
        scf.if %cond3A_147 {
          %dma_start3A_191 = arith.constant 0 : i32
          %dma_start3A_192 = tpu.memref_slice %arg7[%add3A_134, %dma_start3A_191] : memref<8x64xi32, #tpu.memory_space<vmem>> -> memref<1x64xi32, #tpu.memory_space<vmem>>
          %dma_start3A_193 = tpu.memref_squeeze %dma_start3A_192 : memref<1x64xi32, #tpu.memory_space<vmem>> -> memref<64xi32, #tpu.memory_space<vmem>>
          %dma_start3A_194 = arith.constant 0 : i32
          %dma_start3A_195 = arith.constant 0 : i32
          %dma_start3A_196 = tpu.memref_slice %arg2[%dma_start3A_194, %dma_start3A_195] : memref<10240x128xf32, #tpu.memory_space<hbm>> -> memref<10240x128xf32, #tpu.memory_space<hbm>>
          tpu.enqueue_indirect_dma source(%dma_start3A_196 : memref<10240x128xf32, #tpu.memory_space<hbm>>) target(%arg9 : memref<64x128xf32, #tpu.memory_space<vmem>>) offsets(%dma_start3A_193 : memref<64xi32, #tpu.memory_space<vmem>>) semaphore(%arg14 : memref<!tpu.dma_semaphore, #tpu.memory_space<semaphore_mem>>)
        } else {
        }
        %dma_wait3A_148 = arith.constant 0 : i32
        %dma_wait3A_149 = tpu.memref_slice %arg7[%add3A_132, %dma_wait3A_148] : memref<8x64xi32, #tpu.memory_space<vmem>> -> memref<1x64xi32, #tpu.memory_space<vmem>>
        %dma_wait3A_150 = tpu.memref_squeeze %dma_wait3A_149 : memref<1x64xi32, #tpu.memory_space<vmem>> -> memref<64xi32, #tpu.memory_space<vmem>>
        %dma_wait3A_151 = arith.constant 0 : i32
        %dma_wait3A_152 = arith.constant 0 : i32
        %dma_wait3A_153 = tpu.memref_slice %arg2[%dma_wait3A_151, %dma_wait3A_152] : memref<10240x128xf32, #tpu.memory_space<hbm>> -> memref<10240x128xf32, #tpu.memory_space<hbm>>
        tpu.wait_indirect_dma semaphore(%arg16 : memref<!tpu.dma_semaphore, #tpu.memory_space<semaphore_mem>>) src(%dma_wait3A_153 : memref<10240x128xf32, #tpu.memory_space<hbm>>) dst(%arg11 : memref<64x128xf32, #tpu.memory_space<vmem>>)
        %dma_start3A_154 = arith.constant 0 : i32
        %dma_start3A_155 = tpu.memref_slice %arg8[%add3A_132, %dma_start3A_154] : memref<8x64xi32, #tpu.memory_space<vmem>> -> memref<1x64xi32, #tpu.memory_space<vmem>>
        %dma_start3A_156 = tpu.memref_squeeze %dma_start3A_155 : memref<1x64xi32, #tpu.memory_space<vmem>> -> memref<64xi32, #tpu.memory_space<vmem>>
        %dma_start3A_157 = arith.constant 0 : i32
        %dma_start3A_158 = arith.constant 0 : i32
        %dma_start3A_159 = tpu.memref_slice %arg13[%dma_start3A_157, %dma_start3A_158] : memref<10240x128xf32, #tpu.memory_space<vmem_shared>> -> memref<10240x128xf32, #tpu.memory_space<vmem_shared>>
        tpu.enqueue_indirect_dma source(%arg11 : memref<64x128xf32, #tpu.memory_space<vmem>>) target(%dma_start3A_159 : memref<10240x128xf32, #tpu.memory_space<vmem_shared>>) offsets(%dma_start3A_156 : memref<64xi32, #tpu.memory_space<vmem>>) semaphore(%arg20 : memref<!tpu.dma_semaphore, #tpu.memory_space<semaphore_mem>>) {add = true}
        %mul3A_160 = arith.constant 4 : i32
        %mul3A_161 = arith.muli %mul3A_160, %scan3A_71 : i32
        %add3A_162 = arith.constant 3 : i32
        %add3A_163 = arith.addi %mul3A_161, %add3A_162 : i32
        %add3A_164 = arith.constant 2 : i32
        %add3A_165 = arith.addi %add3A_163, %add3A_164 : i32
        %ge3A_166 = arith.constant 4 : i32
        %ge3A_167 = arith.cmpi sge, %add3A_165, %ge3A_166 : i32
        %lt3A_168 = arith.constant 8 : i32
        %lt3A_169 = arith.cmpi slt, %add3A_165, %lt3A_168 : i32
        %and3A_170 = arith.andi %ge3A_167, %lt3A_169 : i1
        %convert_element_type3A_171 = arith.extui %and3A_170 : i1 to i32
        %cond3A_172 = arith.constant 0 : i32
        %cond3A_173 = arith.cmpi ne, %convert_element_type3A_171, %cond3A_172 : i32
        scf.if %cond3A_173 {
          %sub3A = arith.constant 4 : i32
          %sub3A_191 = arith.subi %add3A_165, %sub3A : i32
          %dma_wait3A_192 = arith.constant 0 : i32
          %dma_wait3A_193 = tpu.memref_slice %arg8[%sub3A_191, %dma_wait3A_192] : memref<8x64xi32, #tpu.memory_space<vmem>> -> memref<1x64xi32, #tpu.memory_space<vmem>>
          %dma_wait3A_194 = tpu.memref_squeeze %dma_wait3A_193 : memref<1x64xi32, #tpu.memory_space<vmem>> -> memref<64xi32, #tpu.memory_space<vmem>>
          %dma_wait3A_195 = arith.constant 0 : i32
          %dma_wait3A_196 = arith.constant 0 : i32
          %dma_wait3A_197 = tpu.memref_slice %arg13[%dma_wait3A_195, %dma_wait3A_196] : memref<10240x128xf32, #tpu.memory_space<vmem_shared>> -> memref<10240x128xf32, #tpu.memory_space<vmem_shared>>
          tpu.wait_indirect_dma semaphore(%arg19 : memref<!tpu.dma_semaphore, #tpu.memory_space<semaphore_mem>>) src(%arg10 : memref<64x128xf32, #tpu.memory_space<vmem>>) dst(%dma_wait3A_197 : memref<10240x128xf32, #tpu.memory_space<vmem_shared>>)
        } else {
        }
        %lt3A_174 = arith.constant 8 : i32
        %lt3A_175 = arith.cmpi slt, %add3A_165, %lt3A_174 : i32
        %convert_element_type3A_176 = arith.extui %lt3A_175 : i1 to i32
        %cond3A_177 = arith.constant 0 : i32
        %cond3A_178 = arith.cmpi ne, %convert_element_type3A_176, %cond3A_177 : i32
        scf.if %cond3A_178 {
          %dma_start3A_191 = arith.constant 0 : i32
          %dma_start3A_192 = tpu.memref_slice %arg7[%add3A_165, %dma_start3A_191] : memref<8x64xi32, #tpu.memory_space<vmem>> -> memref<1x64xi32, #tpu.memory_space<vmem>>
          %dma_start3A_193 = tpu.memref_squeeze %dma_start3A_192 : memref<1x64xi32, #tpu.memory_space<vmem>> -> memref<64xi32, #tpu.memory_space<vmem>>
          %dma_start3A_194 = arith.constant 0 : i32
          %dma_start3A_195 = arith.constant 0 : i32
          %dma_start3A_196 = tpu.memref_slice %arg2[%dma_start3A_194, %dma_start3A_195] : memref<10240x128xf32, #tpu.memory_space<hbm>> -> memref<10240x128xf32, #tpu.memory_space<hbm>>
          tpu.enqueue_indirect_dma source(%dma_start3A_196 : memref<10240x128xf32, #tpu.memory_space<hbm>>) target(%arg10 : memref<64x128xf32, #tpu.memory_space<vmem>>) offsets(%dma_start3A_193 : memref<64xi32, #tpu.memory_space<vmem>>) semaphore(%arg15 : memref<!tpu.dma_semaphore, #tpu.memory_space<semaphore_mem>>)
        } else {
        }
        %dma_wait3A_179 = arith.constant 0 : i32
        %dma_wait3A_180 = tpu.memref_slice %arg7[%add3A_163, %dma_wait3A_179] : memref<8x64xi32, #tpu.memory_space<vmem>> -> memref<1x64xi32, #tpu.memory_space<vmem>>
        %dma_wait3A_181 = tpu.memref_squeeze %dma_wait3A_180 : memref<1x64xi32, #tpu.memory_space<vmem>> -> memref<64xi32, #tpu.memory_space<vmem>>
        %dma_wait3A_182 = arith.constant 0 : i32
        %dma_wait3A_183 = arith.constant 0 : i32
        %dma_wait3A_184 = tpu.memref_slice %arg2[%dma_wait3A_182, %dma_wait3A_183] : memref<10240x128xf32, #tpu.memory_space<hbm>> -> memref<10240x128xf32, #tpu.memory_space<hbm>>
        tpu.wait_indirect_dma semaphore(%arg17 : memref<!tpu.dma_semaphore, #tpu.memory_space<semaphore_mem>>) src(%dma_wait3A_184 : memref<10240x128xf32, #tpu.memory_space<hbm>>) dst(%arg12 : memref<64x128xf32, #tpu.memory_space<vmem>>)
        %dma_start3A_185 = arith.constant 0 : i32
        %dma_start3A_186 = tpu.memref_slice %arg8[%add3A_163, %dma_start3A_185] : memref<8x64xi32, #tpu.memory_space<vmem>> -> memref<1x64xi32, #tpu.memory_space<vmem>>
        %dma_start3A_187 = tpu.memref_squeeze %dma_start3A_186 : memref<1x64xi32, #tpu.memory_space<vmem>> -> memref<64xi32, #tpu.memory_space<vmem>>
        %dma_start3A_188 = arith.constant 0 : i32
        %dma_start3A_189 = arith.constant 0 : i32
        %dma_start3A_190 = tpu.memref_slice %arg13[%dma_start3A_188, %dma_start3A_189] : memref<10240x128xf32, #tpu.memory_space<vmem_shared>> -> memref<10240x128xf32, #tpu.memory_space<vmem_shared>>
        tpu.enqueue_indirect_dma source(%arg12 : memref<64x128xf32, #tpu.memory_space<vmem>>) target(%dma_start3A_190 : memref<10240x128xf32, #tpu.memory_space<vmem_shared>>) offsets(%dma_start3A_187 : memref<64xi32, #tpu.memory_space<vmem>>) semaphore(%arg21 : memref<!tpu.dma_semaphore, #tpu.memory_space<semaphore_mem>>) {add = true}
      }
      %scan3A_43 = arith.constant 2 : i32
      %dma_wait3A = arith.constant 4 : i32
      %dma_wait3A_44 = arith.constant 0 : i32
      %dma_wait3A_45 = tpu.memref_slice %arg8[%dma_wait3A, %dma_wait3A_44] : memref<8x64xi32, #tpu.memory_space<vmem>> -> memref<1x64xi32, #tpu.memory_space<vmem>>
      %dma_wait3A_46 = tpu.memref_squeeze %dma_wait3A_45 : memref<1x64xi32, #tpu.memory_space<vmem>> -> memref<64xi32, #tpu.memory_space<vmem>>
      %dma_wait3A_47 = arith.constant 0 : i32
      %dma_wait3A_48 = arith.constant 0 : i32
      %dma_wait3A_49 = tpu.memref_slice %arg13[%dma_wait3A_47, %dma_wait3A_48] : memref<10240x128xf32, #tpu.memory_space<vmem_shared>> -> memref<10240x128xf32, #tpu.memory_space<vmem_shared>>
      tpu.wait_indirect_dma semaphore(%arg18 : memref<!tpu.dma_semaphore, #tpu.memory_space<semaphore_mem>>) src(%arg9 : memref<64x128xf32, #tpu.memory_space<vmem>>) dst(%dma_wait3A_49 : memref<10240x128xf32, #tpu.memory_space<vmem_shared>>)
      %dma_wait3A_50 = arith.constant 5 : i32
      %dma_wait3A_51 = arith.constant 0 : i32
      %dma_wait3A_52 = tpu.memref_slice %arg8[%dma_wait3A_50, %dma_wait3A_51] : memref<8x64xi32, #tpu.memory_space<vmem>> -> memref<1x64xi32, #tpu.memory_space<vmem>>
      %dma_wait3A_53 = tpu.memref_squeeze %dma_wait3A_52 : memref<1x64xi32, #tpu.memory_space<vmem>> -> memref<64xi32, #tpu.memory_space<vmem>>
      %dma_wait3A_54 = arith.constant 0 : i32
      %dma_wait3A_55 = arith.constant 0 : i32
      %dma_wait3A_56 = tpu.memref_slice %arg13[%dma_wait3A_54, %dma_wait3A_55] : memref<10240x128xf32, #tpu.memory_space<vmem_shared>> -> memref<10240x128xf32, #tpu.memory_space<vmem_shared>>
      tpu.wait_indirect_dma semaphore(%arg19 : memref<!tpu.dma_semaphore, #tpu.memory_space<semaphore_mem>>) src(%arg10 : memref<64x128xf32, #tpu.memory_space<vmem>>) dst(%dma_wait3A_56 : memref<10240x128xf32, #tpu.memory_space<vmem_shared>>)
      %dma_wait3A_57 = arith.constant 6 : i32
      %dma_wait3A_58 = arith.constant 0 : i32
      %dma_wait3A_59 = tpu.memref_slice %arg8[%dma_wait3A_57, %dma_wait3A_58] : memref<8x64xi32, #tpu.memory_space<vmem>> -> memref<1x64xi32, #tpu.memory_space<vmem>>
      %dma_wait3A_60 = tpu.memref_squeeze %dma_wait3A_59 : memref<1x64xi32, #tpu.memory_space<vmem>> -> memref<64xi32, #tpu.memory_space<vmem>>
      %dma_wait3A_61 = arith.constant 0 : i32
      %dma_wait3A_62 = arith.constant 0 : i32
      %dma_wait3A_63 = tpu.memref_slice %arg13[%dma_wait3A_61, %dma_wait3A_62] : memref<10240x128xf32, #tpu.memory_space<vmem_shared>> -> memref<10240x128xf32, #tpu.memory_space<vmem_shared>>
      tpu.wait_indirect_dma semaphore(%arg20 : memref<!tpu.dma_semaphore, #tpu.memory_space<semaphore_mem>>) src(%arg11 : memref<64x128xf32, #tpu.memory_space<vmem>>) dst(%dma_wait3A_63 : memref<10240x128xf32, #tpu.memory_space<vmem_shared>>)
      %dma_wait3A_64 = arith.constant 7 : i32
      %dma_wait3A_65 = arith.constant 0 : i32
      %dma_wait3A_66 = tpu.memref_slice %arg8[%dma_wait3A_64, %dma_wait3A_65] : memref<8x64xi32, #tpu.memory_space<vmem>> -> memref<1x64xi32, #tpu.memory_space<vmem>>
      %dma_wait3A_67 = tpu.memref_squeeze %dma_wait3A_66 : memref<1x64xi32, #tpu.memory_space<vmem>> -> memref<64xi32, #tpu.memory_space<vmem>>
      %dma_wait3A_68 = arith.constant 0 : i32
      %dma_wait3A_69 = arith.constant 0 : i32
      %dma_wait3A_70 = tpu.memref_slice %arg13[%dma_wait3A_68, %dma_wait3A_69] : memref<10240x128xf32, #tpu.memory_space<vmem_shared>> -> memref<10240x128xf32, #tpu.memory_space<vmem_shared>>
      tpu.wait_indirect_dma semaphore(%arg21 : memref<!tpu.dma_semaphore, #tpu.memory_space<semaphore_mem>>) src(%arg12 : memref<64x128xf32, #tpu.memory_space<vmem>>) dst(%dma_wait3A_70 : memref<10240x128xf32, #tpu.memory_space<vmem_shared>>)
    }
    %barrier3A_19 = arith.constant 0 : index
    tpu.barrier barrier_id(%barrier3A_19)
    "tpu.region"() ({
      %run_scoped3A = tpu.sem_alloc : memref<!tpu.dma_semaphore, #tpu.memory_space<semaphore_mem>>
      %dma_start3A = arith.constant 0 : i32
      %dma_start3A_20 = tpu.memref_slice %arg6[%arg0, %mul3A_0, %dma_start3A] : memref<2x10240x128xf32, #tpu.memory_space<hbm>> -> memref<1x640x128xf32, #tpu.memory_space<hbm>>
      %dma_start3A_21 = tpu.memref_squeeze %dma_start3A_20 : memref<1x640x128xf32, #tpu.memory_space<hbm>> -> memref<640x128xf32, #tpu.memory_space<hbm>>
      %dma_start3A_22 = arith.constant 0 : i32
      %dma_start3A_23 = tpu.memref_slice %arg13[%mul3A_0, %dma_start3A_22] : memref<10240x128xf32, #tpu.memory_space<vmem_shared>> -> memref<640x128xf32, #tpu.memory_space<vmem_shared>>
      tpu.enqueue_dma source(%dma_start3A_23 : memref<640x128xf32, #tpu.memory_space<vmem_shared>>) target(%dma_start3A_21 : memref<640x128xf32, #tpu.memory_space<hbm>>) target_semaphore(%run_scoped3A : memref<!tpu.dma_semaphore, #tpu.memory_space<semaphore_mem>>)
      %dma_wait3A = arith.constant 0 : i32
      %dma_wait3A_24 = tpu.memref_slice %arg6[%arg0, %mul3A_0, %dma_wait3A] : memref<2x10240x128xf32, #tpu.memory_space<hbm>> -> memref<1x640x128xf32, #tpu.memory_space<hbm>>
      %dma_wait3A_25 = tpu.memref_squeeze %dma_wait3A_24 : memref<1x640x128xf32, #tpu.memory_space<hbm>> -> memref<640x128xf32, #tpu.memory_space<hbm>>
      %dma_wait3A_26 = arith.constant 0 : i32
      %dma_wait3A_27 = tpu.memref_slice %arg13[%mul3A_0, %dma_wait3A_26] : memref<10240x128xf32, #tpu.memory_space<vmem_shared>> -> memref<640x128xf32, #tpu.memory_space<vmem_shared>>
      tpu.wait_dma2 semaphore(%run_scoped3A : memref<!tpu.dma_semaphore, #tpu.memory_space<semaphore_mem>>) src(%dma_wait3A_27 : memref<640x128xf32, #tpu.memory_space<vmem_shared>>) dst(%dma_wait3A_25 : memref<640x128xf32, #tpu.memory_space<hbm>>)
      tpu.yield
    }) : () -> ()
    return
  }
}

#map = affine_map<(d0, d1) -> (0, 0)>
#map1 = affine_map<(d0, d1) -> (0, 0, 0)>
module attributes {stable_mosaic.version = 14 : i64} {
  func.func @_sc_edge_agg(%arg0: i32, %arg1: i32, %arg2: memref<10240x128xf32, #tpu.memory_space<hbm>>, %arg3: memref<5120x64xi32, #tpu.memory_space<hbm>>, %arg4: memref<5120x64xi32, #tpu.memory_space<hbm>>, %arg5: memref<640x128xf32, #tpu.memory_space<hbm>>, %arg6: memref<2x10240x128xf32, #tpu.memory_space<hbm>>, %arg7: memref<8x64xi32, #tpu.memory_space<vmem>>, %arg8: memref<8x64xi32, #tpu.memory_space<vmem>>, %arg9: memref<64x128xf32, #tpu.memory_space<vmem>>, %arg10: memref<64x128xf32, #tpu.memory_space<vmem>>, %arg11: memref<64x128xf32, #tpu.memory_space<vmem>>, %arg12: memref<64x128xf32, #tpu.memory_space<vmem>>, %arg13: memref<10240x128xf32, #tpu.memory_space<vmem_shared>>, %arg14: memref<!tpu.dma_semaphore, #tpu.memory_space<semaphore_mem>>, %arg15: memref<!tpu.dma_semaphore, #tpu.memory_space<semaphore_mem>>, %arg16: memref<!tpu.dma_semaphore, #tpu.memory_space<semaphore_mem>>, %arg17: memref<!tpu.dma_semaphore, #tpu.memory_space<semaphore_mem>>, %arg18: memref<!tpu.dma_semaphore, #tpu.memory_space<semaphore_mem>>, %arg19: memref<!tpu.dma_semaphore, #tpu.memory_space<semaphore_mem>>, %arg20: memref<!tpu.dma_semaphore, #tpu.memory_space<semaphore_mem>>, %arg21: memref<!tpu.dma_semaphore, #tpu.memory_space<semaphore_mem>>) attributes {dimension_semantics = [#tpu.dimension_semantics<core_parallel>, #tpu.dimension_semantics<subcore_parallel>], iteration_bounds = array<i64: 2, 16>, scalar_prefetch = 0 : i64, scratch_operands = 15 : i64, tpu.core_type = #tpu.core_type<sc_vector_subcore>, window_params = [{transform_indices = #map}, {transform_indices = #map}, {transform_indices = #map}, {transform_indices = #map}, {transform_indices = #map1}]} {
    %mul3A = arith.constant 640 : i32
    %mul3A_0 = arith.muli %arg1, %mul3A : i32
    %eq3A = arith.constant 0 : i32
    %eq3A_1 = arith.cmpi eq, %arg0, %eq3A : i32
    %jit3A = arith.constant 39 : i32
    %jit3A_2 = arith.constant 1 : i32
    %select_n3A = arith.select %eq3A_1, %jit3A, %jit3A_2 : i32
    %eq3A_3 = arith.constant 0 : i32
    %eq3A_4 = arith.cmpi eq, %arg0, %eq3A_3 : i32
    %mul3A_5 = arith.constant 312 : i32
    %mul3A_6 = arith.muli %arg1, %mul3A_5 : i32
    %mul3A_7 = arith.constant 8 : i32
    %mul3A_8 = arith.muli %arg1, %mul3A_7 : i32
    %add3A = arith.constant 4992 : i32
    %add3A_9 = arith.addi %add3A, %mul3A_8 : i32
    %select_n3A_10 = arith.select %eq3A_4, %mul3A_6, %add3A_9 : i32
    "tpu.region"() ({
      %run_scoped3A = tpu.sem_alloc : memref<!tpu.dma_semaphore, #tpu.memory_space<semaphore_mem>>
      %dma_start3A = arith.constant 0 : i32
      %dma_start3A_20 = tpu.memref_slice %arg13[%mul3A_0, %dma_start3A] : memref<10240x128xf32, #tpu.memory_space<vmem_shared>> -> memref<640x128xf32, #tpu.memory_space<vmem_shared>>
      tpu.enqueue_dma source(%arg5 : memref<640x128xf32, #tpu.memory_space<hbm>>) target(%dma_start3A_20 : memref<640x128xf32, #tpu.memory_space<vmem_shared>>) target_semaphore(%run_scoped3A : memref<!tpu.dma_semaphore, #tpu.memory_space<semaphore_mem>>)
      %dma_wait3A = arith.constant 0 : i32
      %dma_wait3A_21 = tpu.memref_slice %arg13[%mul3A_0, %dma_wait3A] : memref<10240x128xf32, #tpu.memory_space<vmem_shared>> -> memref<640x128xf32, #tpu.memory_space<vmem_shared>>
      tpu.wait_dma2 semaphore(%run_scoped3A : memref<!tpu.dma_semaphore, #tpu.memory_space<semaphore_mem>>) src(%arg5 : memref<640x128xf32, #tpu.memory_space<hbm>>) dst(%dma_wait3A_21 : memref<640x128xf32, #tpu.memory_space<vmem_shared>>)
      tpu.yield
    }) : () -> ()
    %barrier3A = arith.constant 0 : index
    tpu.barrier barrier_id(%barrier3A)
    %while3A = arith.constant 0 : i32
    %while3A_11 = arith.subi %select_n3A, %while3A : i32
    %while3A_12 = arith.addi %while3A, %while3A_11 : i32
    %while3A_13 = arith.constant 1 : i32
    %while3A_14 = arith.divsi %while3A_11, %while3A_13 : i32
    %while3A_15 = arith.muli %while3A_14, %while3A_13 : i32
    %while3A_16 = arith.addi %while3A, %while3A_15 : i32
    %while3A_17 = arith.constant 1 : i32
    scf.for %while3A_20 = %while3A to %while3A_16 step %while3A_17  : i32 {
      %mul3A_21 = arith.constant 8 : i32
      %mul3A_22 = arith.muli %while3A_20, %mul3A_21 : i32
      %add3A_23 = arith.addi %select_n3A_10, %mul3A_22 : i32
      "tpu.region"() ({
        %run_scoped3A = tpu.sem_alloc : memref<!tpu.dma_semaphore, #tpu.memory_space<semaphore_mem>>
        %dma_start3A_71 = arith.constant 0 : i32
        %dma_start3A_72 = tpu.memref_slice %arg3[%add3A_23, %dma_start3A_71] : memref<5120x64xi32, #tpu.memory_space<hbm>> -> memref<8x64xi32, #tpu.memory_space<hbm>>
        %dma_start3A_73 = arith.constant 0 : i32
        %dma_start3A_74 = tpu.memref_slice %arg3[%add3A_23, %dma_start3A_73] : memref<5120x64xi32, #tpu.memory_space<hbm>> -> memref<8x64xi32, #tpu.memory_space<hbm>>
        tpu.enqueue_dma source(%dma_start3A_74 : memref<8x64xi32, #tpu.memory_space<hbm>>) target(%arg7 : memref<8x64xi32, #tpu.memory_space<vmem>>) target_semaphore(%run_scoped3A : memref<!tpu.dma_semaphore, #tpu.memory_space<semaphore_mem>>)
        %dma_wait3A_75 = arith.constant 0 : i32
        %dma_wait3A_76 = tpu.memref_slice %arg3[%add3A_23, %dma_wait3A_75] : memref<5120x64xi32, #tpu.memory_space<hbm>> -> memref<8x64xi32, #tpu.memory_space<hbm>>
        %dma_wait3A_77 = arith.constant 0 : i32
        %dma_wait3A_78 = tpu.memref_slice %arg3[%add3A_23, %dma_wait3A_77] : memref<5120x64xi32, #tpu.memory_space<hbm>> -> memref<8x64xi32, #tpu.memory_space<hbm>>
        tpu.wait_dma2 semaphore(%run_scoped3A : memref<!tpu.dma_semaphore, #tpu.memory_space<semaphore_mem>>) src(%dma_wait3A_78 : memref<8x64xi32, #tpu.memory_space<hbm>>) dst(%arg7 : memref<8x64xi32, #tpu.memory_space<vmem>>)
        tpu.yield
      }) : () -> ()
      %mul3A_24 = arith.constant 8 : i32
      %mul3A_25 = arith.muli %while3A_20, %mul3A_24 : i32
      %add3A_26 = arith.addi %select_n3A_10, %mul3A_25 : i32
      "tpu.region"() ({
        %run_scoped3A = tpu.sem_alloc : memref<!tpu.dma_semaphore, #tpu.memory_space<semaphore_mem>>
        %dma_start3A_71 = arith.constant 0 : i32
        %dma_start3A_72 = tpu.memref_slice %arg4[%add3A_26, %dma_start3A_71] : memref<5120x64xi32, #tpu.memory_space<hbm>> -> memref<8x64xi32, #tpu.memory_space<hbm>>
        %dma_start3A_73 = arith.constant 0 : i32
        %dma_start3A_74 = tpu.memref_slice %arg4[%add3A_26, %dma_start3A_73] : memref<5120x64xi32, #tpu.memory_space<hbm>> -> memref<8x64xi32, #tpu.memory_space<hbm>>
        tpu.enqueue_dma source(%dma_start3A_74 : memref<8x64xi32, #tpu.memory_space<hbm>>) target(%arg8 : memref<8x64xi32, #tpu.memory_space<vmem>>) target_semaphore(%run_scoped3A : memref<!tpu.dma_semaphore, #tpu.memory_space<semaphore_mem>>)
        %dma_wait3A_75 = arith.constant 0 : i32
        %dma_wait3A_76 = tpu.memref_slice %arg4[%add3A_26, %dma_wait3A_75] : memref<5120x64xi32, #tpu.memory_space<hbm>> -> memref<8x64xi32, #tpu.memory_space<hbm>>
        %dma_wait3A_77 = arith.constant 0 : i32
        %dma_wait3A_78 = tpu.memref_slice %arg4[%add3A_26, %dma_wait3A_77] : memref<5120x64xi32, #tpu.memory_space<hbm>> -> memref<8x64xi32, #tpu.memory_space<hbm>>
        tpu.wait_dma2 semaphore(%run_scoped3A : memref<!tpu.dma_semaphore, #tpu.memory_space<semaphore_mem>>) src(%dma_wait3A_78 : memref<8x64xi32, #tpu.memory_space<hbm>>) dst(%arg8 : memref<8x64xi32, #tpu.memory_space<vmem>>)
        tpu.yield
      }) : () -> ()
      %dma_start3A = arith.constant 0 : i32
      %dma_start3A_27 = arith.constant 0 : i32
      %dma_start3A_28 = tpu.memref_slice %arg7[%dma_start3A, %dma_start3A_27] : memref<8x64xi32, #tpu.memory_space<vmem>> -> memref<1x64xi32, #tpu.memory_space<vmem>>
      %dma_start3A_29 = tpu.memref_squeeze %dma_start3A_28 : memref<1x64xi32, #tpu.memory_space<vmem>> -> memref<64xi32, #tpu.memory_space<vmem>>
      %dma_start3A_30 = arith.constant 0 : i32
      %dma_start3A_31 = arith.constant 0 : i32
      %dma_start3A_32 = tpu.memref_slice %arg2[%dma_start3A_30, %dma_start3A_31] : memref<10240x128xf32, #tpu.memory_space<hbm>> -> memref<10240x128xf32, #tpu.memory_space<hbm>>
      tpu.enqueue_indirect_dma source(%dma_start3A_32 : memref<10240x128xf32, #tpu.memory_space<hbm>>) target(%arg9 : memref<64x128xf32, #tpu.memory_space<vmem>>) offsets(%dma_start3A_29 : memref<64xi32, #tpu.memory_space<vmem>>) semaphore(%arg14 : memref<!tpu.dma_semaphore, #tpu.memory_space<semaphore_mem>>)
      %dma_start3A_33 = arith.constant 1 : i32
      %dma_start3A_34 = arith.constant 0 : i32
      %dma_start3A_35 = tpu.memref_slice %arg7[%dma_start3A_33, %dma_start3A_34] : memref<8x64xi32, #tpu.memory_space<vmem>> -> memref<1x64xi32, #tpu.memory_space<vmem>>
      %dma_start3A_36 = tpu.memref_squeeze %dma_start3A_35 : memref<1x64xi32, #tpu.memory_space<vmem>> -> memref<64xi32, #tpu.memory_space<vmem>>
      %dma_start3A_37 = arith.constant 0 : i32
      %dma_start3A_38 = arith.constant 0 : i32
      %dma_start3A_39 = tpu.memref_slice %arg2[%dma_start3A_37, %dma_start3A_38] : memref<10240x128xf32, #tpu.memory_space<hbm>> -> memref<10240x128xf32, #tpu.memory_space<hbm>>
      tpu.enqueue_indirect_dma source(%dma_start3A_39 : memref<10240x128xf32, #tpu.memory_space<hbm>>) target(%arg10 : memref<64x128xf32, #tpu.memory_space<vmem>>) offsets(%dma_start3A_36 : memref<64xi32, #tpu.memory_space<vmem>>) semaphore(%arg15 : memref<!tpu.dma_semaphore, #tpu.memory_space<semaphore_mem>>)
      %scan3A = arith.constant 0 : i32
      %scan3A_40 = arith.constant 2 : i32
      %scan3A_41 = arith.addi %scan3A, %scan3A_40 : i32
      %scan3A_42 = arith.constant 1 : i32
      scf.for %scan3A_71 = %scan3A to %scan3A_41 step %scan3A_42  : i32 {
        %mul3A_72 = arith.constant 4 : i32
        %mul3A_73 = arith.muli %mul3A_72, %scan3A_71 : i32
        %add3A_74 = arith.constant 0 : i32
        %add3A_75 = arith.addi %mul3A_73, %add3A_74 : i32
        %add3A_76 = arith.constant 2 : i32
        %add3A_77 = arith.addi %add3A_75, %add3A_76 : i32
        %ge3A = arith.constant 4 : i32
        %ge3A_78 = arith.cmpi sge, %add3A_77, %ge3A : i32
        %lt3A = arith.constant 8 : i32
        %lt3A_79 = arith.cmpi slt, %add3A_77, %lt3A : i32
        %and3A = arith.andi %ge3A_78, %lt3A_79 : i1
        %convert_element_type3A = arith.extui %and3A : i1 to i32
        %cond3A = arith.constant 0 : i32
        %cond3A_80 = arith.cmpi ne, %convert_element_type3A, %cond3A : i32
        scf.if %cond3A_80 {
          %sub3A = arith.constant 4 : i32
          %sub3A_191 = arith.subi %add3A_77, %sub3A : i32
          %dma_wait3A_192 = arith.constant 0 : i32
          %dma_wait3A_193 = tpu.memref_slice %arg8[%sub3A_191, %dma_wait3A_192] : memref<8x64xi32, #tpu.memory_space<vmem>> -> memref<1x64xi32, #tpu.memory_space<vmem>>
          %dma_wait3A_194 = tpu.memref_squeeze %dma_wait3A_193 : memref<1x64xi32, #tpu.memory_space<vmem>> -> memref<64xi32, #tpu.memory_space<vmem>>
          %dma_wait3A_195 = arith.constant 0 : i32
          %dma_wait3A_196 = arith.constant 0 : i32
          %dma_wait3A_197 = tpu.memref_slice %arg13[%dma_wait3A_195, %dma_wait3A_196] : memref<10240x128xf32, #tpu.memory_space<vmem_shared>> -> memref<10240x128xf32, #tpu.memory_space<vmem_shared>>
          tpu.wait_indirect_dma semaphore(%arg20 : memref<!tpu.dma_semaphore, #tpu.memory_space<semaphore_mem>>) src(%arg11 : memref<64x128xf32, #tpu.memory_space<vmem>>) dst(%dma_wait3A_197 : memref<10240x128xf32, #tpu.memory_space<vmem_shared>>)
        } else {
        }
        %lt3A_81 = arith.constant 8 : i32
        %lt3A_82 = arith.cmpi slt, %add3A_77, %lt3A_81 : i32
        %convert_element_type3A_83 = arith.extui %lt3A_82 : i1 to i32
        %cond3A_84 = arith.constant 0 : i32
        %cond3A_85 = arith.cmpi ne, %convert_element_type3A_83, %cond3A_84 : i32
        scf.if %cond3A_85 {
          %dma_start3A_191 = arith.constant 0 : i32
          %dma_start3A_192 = tpu.memref_slice %arg7[%add3A_77, %dma_start3A_191] : memref<8x64xi32, #tpu.memory_space<vmem>> -> memref<1x64xi32, #tpu.memory_space<vmem>>
          %dma_start3A_193 = tpu.memref_squeeze %dma_start3A_192 : memref<1x64xi32, #tpu.memory_space<vmem>> -> memref<64xi32, #tpu.memory_space<vmem>>
          %dma_start3A_194 = arith.constant 0 : i32
          %dma_start3A_195 = arith.constant 0 : i32
          %dma_start3A_196 = tpu.memref_slice %arg2[%dma_start3A_194, %dma_start3A_195] : memref<10240x128xf32, #tpu.memory_space<hbm>> -> memref<10240x128xf32, #tpu.memory_space<hbm>>
          tpu.enqueue_indirect_dma source(%dma_start3A_196 : memref<10240x128xf32, #tpu.memory_space<hbm>>) target(%arg11 : memref<64x128xf32, #tpu.memory_space<vmem>>) offsets(%dma_start3A_193 : memref<64xi32, #tpu.memory_space<vmem>>) semaphore(%arg16 : memref<!tpu.dma_semaphore, #tpu.memory_space<semaphore_mem>>)
        } else {
        }
        %dma_wait3A_86 = arith.constant 0 : i32
        %dma_wait3A_87 = tpu.memref_slice %arg7[%add3A_75, %dma_wait3A_86] : memref<8x64xi32, #tpu.memory_space<vmem>> -> memref<1x64xi32, #tpu.memory_space<vmem>>
        %dma_wait3A_88 = tpu.memref_squeeze %dma_wait3A_87 : memref<1x64xi32, #tpu.memory_space<vmem>> -> memref<64xi32, #tpu.memory_space<vmem>>
        %dma_wait3A_89 = arith.constant 0 : i32
        %dma_wait3A_90 = arith.constant 0 : i32
        %dma_wait3A_91 = tpu.memref_slice %arg2[%dma_wait3A_89, %dma_wait3A_90] : memref<10240x128xf32, #tpu.memory_space<hbm>> -> memref<10240x128xf32, #tpu.memory_space<hbm>>
        tpu.wait_indirect_dma semaphore(%arg14 : memref<!tpu.dma_semaphore, #tpu.memory_space<semaphore_mem>>) src(%dma_wait3A_91 : memref<10240x128xf32, #tpu.memory_space<hbm>>) dst(%arg9 : memref<64x128xf32, #tpu.memory_space<vmem>>)
        %dma_start3A_92 = arith.constant 0 : i32
        %dma_start3A_93 = tpu.memref_slice %arg8[%add3A_75, %dma_start3A_92] : memref<8x64xi32, #tpu.memory_space<vmem>> -> memref<1x64xi32, #tpu.memory_space<vmem>>
        %dma_start3A_94 = tpu.memref_squeeze %dma_start3A_93 : memref<1x64xi32, #tpu.memory_space<vmem>> -> memref<64xi32, #tpu.memory_space<vmem>>
        %dma_start3A_95 = arith.constant 0 : i32
        %dma_start3A_96 = arith.constant 0 : i32
        %dma_start3A_97 = tpu.memref_slice %arg13[%dma_start3A_95, %dma_start3A_96] : memref<10240x128xf32, #tpu.memory_space<vmem_shared>> -> memref<10240x128xf32, #tpu.memory_space<vmem_shared>>
        tpu.enqueue_indirect_dma source(%arg9 : memref<64x128xf32, #tpu.memory_space<vmem>>) target(%dma_start3A_97 : memref<10240x128xf32, #tpu.memory_space<vmem_shared>>) offsets(%dma_start3A_94 : memref<64xi32, #tpu.memory_space<vmem>>) semaphore(%arg18 : memref<!tpu.dma_semaphore, #tpu.memory_space<semaphore_mem>>) {add = true}
        %mul3A_98 = arith.constant 4 : i32
        %mul3A_99 = arith.muli %mul3A_98, %scan3A_71 : i32
        %add3A_100 = arith.constant 1 : i32
        %add3A_101 = arith.addi %mul3A_99, %add3A_100 : i32
        %add3A_102 = arith.constant 2 : i32
        %add3A_103 = arith.addi %add3A_101, %add3A_102 : i32
        %ge3A_104 = arith.constant 4 : i32
        %ge3A_105 = arith.cmpi sge, %add3A_103, %ge3A_104 : i32
        %lt3A_106 = arith.constant 8 : i32
        %lt3A_107 = arith.cmpi slt, %add3A_103, %lt3A_106 : i32
        %and3A_108 = arith.andi %ge3A_105, %lt3A_107 : i1
        %convert_element_type3A_109 = arith.extui %and3A_108 : i1 to i32
        %cond3A_110 = arith.constant 0 : i32
        %cond3A_111 = arith.cmpi ne, %convert_element_type3A_109, %cond3A_110 : i32
        scf.if %cond3A_111 {
          %sub3A = arith.constant 4 : i32
          %sub3A_191 = arith.subi %add3A_103, %sub3A : i32
          %dma_wait3A_192 = arith.constant 0 : i32
          %dma_wait3A_193 = tpu.memref_slice %arg8[%sub3A_191, %dma_wait3A_192] : memref<8x64xi32, #tpu.memory_space<vmem>> -> memref<1x64xi32, #tpu.memory_space<vmem>>
          %dma_wait3A_194 = tpu.memref_squeeze %dma_wait3A_193 : memref<1x64xi32, #tpu.memory_space<vmem>> -> memref<64xi32, #tpu.memory_space<vmem>>
          %dma_wait3A_195 = arith.constant 0 : i32
          %dma_wait3A_196 = arith.constant 0 : i32
          %dma_wait3A_197 = tpu.memref_slice %arg13[%dma_wait3A_195, %dma_wait3A_196] : memref<10240x128xf32, #tpu.memory_space<vmem_shared>> -> memref<10240x128xf32, #tpu.memory_space<vmem_shared>>
          tpu.wait_indirect_dma semaphore(%arg21 : memref<!tpu.dma_semaphore, #tpu.memory_space<semaphore_mem>>) src(%arg12 : memref<64x128xf32, #tpu.memory_space<vmem>>) dst(%dma_wait3A_197 : memref<10240x128xf32, #tpu.memory_space<vmem_shared>>)
        } else {
        }
        %lt3A_112 = arith.constant 8 : i32
        %lt3A_113 = arith.cmpi slt, %add3A_103, %lt3A_112 : i32
        %convert_element_type3A_114 = arith.extui %lt3A_113 : i1 to i32
        %cond3A_115 = arith.constant 0 : i32
        %cond3A_116 = arith.cmpi ne, %convert_element_type3A_114, %cond3A_115 : i32
        scf.if %cond3A_116 {
          %dma_start3A_191 = arith.constant 0 : i32
          %dma_start3A_192 = tpu.memref_slice %arg7[%add3A_103, %dma_start3A_191] : memref<8x64xi32, #tpu.memory_space<vmem>> -> memref<1x64xi32, #tpu.memory_space<vmem>>
          %dma_start3A_193 = tpu.memref_squeeze %dma_start3A_192 : memref<1x64xi32, #tpu.memory_space<vmem>> -> memref<64xi32, #tpu.memory_space<vmem>>
          %dma_start3A_194 = arith.constant 0 : i32
          %dma_start3A_195 = arith.constant 0 : i32
          %dma_start3A_196 = tpu.memref_slice %arg2[%dma_start3A_194, %dma_start3A_195] : memref<10240x128xf32, #tpu.memory_space<hbm>> -> memref<10240x128xf32, #tpu.memory_space<hbm>>
          tpu.enqueue_indirect_dma source(%dma_start3A_196 : memref<10240x128xf32, #tpu.memory_space<hbm>>) target(%arg12 : memref<64x128xf32, #tpu.memory_space<vmem>>) offsets(%dma_start3A_193 : memref<64xi32, #tpu.memory_space<vmem>>) semaphore(%arg17 : memref<!tpu.dma_semaphore, #tpu.memory_space<semaphore_mem>>)
        } else {
        }
        %dma_wait3A_117 = arith.constant 0 : i32
        %dma_wait3A_118 = tpu.memref_slice %arg7[%add3A_101, %dma_wait3A_117] : memref<8x64xi32, #tpu.memory_space<vmem>> -> memref<1x64xi32, #tpu.memory_space<vmem>>
        %dma_wait3A_119 = tpu.memref_squeeze %dma_wait3A_118 : memref<1x64xi32, #tpu.memory_space<vmem>> -> memref<64xi32, #tpu.memory_space<vmem>>
        %dma_wait3A_120 = arith.constant 0 : i32
        %dma_wait3A_121 = arith.constant 0 : i32
        %dma_wait3A_122 = tpu.memref_slice %arg2[%dma_wait3A_120, %dma_wait3A_121] : memref<10240x128xf32, #tpu.memory_space<hbm>> -> memref<10240x128xf32, #tpu.memory_space<hbm>>
        tpu.wait_indirect_dma semaphore(%arg15 : memref<!tpu.dma_semaphore, #tpu.memory_space<semaphore_mem>>) src(%dma_wait3A_122 : memref<10240x128xf32, #tpu.memory_space<hbm>>) dst(%arg10 : memref<64x128xf32, #tpu.memory_space<vmem>>)
        %dma_start3A_123 = arith.constant 0 : i32
        %dma_start3A_124 = tpu.memref_slice %arg8[%add3A_101, %dma_start3A_123] : memref<8x64xi32, #tpu.memory_space<vmem>> -> memref<1x64xi32, #tpu.memory_space<vmem>>
        %dma_start3A_125 = tpu.memref_squeeze %dma_start3A_124 : memref<1x64xi32, #tpu.memory_space<vmem>> -> memref<64xi32, #tpu.memory_space<vmem>>
        %dma_start3A_126 = arith.constant 0 : i32
        %dma_start3A_127 = arith.constant 0 : i32
        %dma_start3A_128 = tpu.memref_slice %arg13[%dma_start3A_126, %dma_start3A_127] : memref<10240x128xf32, #tpu.memory_space<vmem_shared>> -> memref<10240x128xf32, #tpu.memory_space<vmem_shared>>
        tpu.enqueue_indirect_dma source(%arg10 : memref<64x128xf32, #tpu.memory_space<vmem>>) target(%dma_start3A_128 : memref<10240x128xf32, #tpu.memory_space<vmem_shared>>) offsets(%dma_start3A_125 : memref<64xi32, #tpu.memory_space<vmem>>) semaphore(%arg19 : memref<!tpu.dma_semaphore, #tpu.memory_space<semaphore_mem>>) {add = true}
        %mul3A_129 = arith.constant 4 : i32
        %mul3A_130 = arith.muli %mul3A_129, %scan3A_71 : i32
        %add3A_131 = arith.constant 2 : i32
        %add3A_132 = arith.addi %mul3A_130, %add3A_131 : i32
        %add3A_133 = arith.constant 2 : i32
        %add3A_134 = arith.addi %add3A_132, %add3A_133 : i32
        %ge3A_135 = arith.constant 4 : i32
        %ge3A_136 = arith.cmpi sge, %add3A_134, %ge3A_135 : i32
        %lt3A_137 = arith.constant 8 : i32
        %lt3A_138 = arith.cmpi slt, %add3A_134, %lt3A_137 : i32
        %and3A_139 = arith.andi %ge3A_136, %lt3A_138 : i1
        %convert_element_type3A_140 = arith.extui %and3A_139 : i1 to i32
        %cond3A_141 = arith.constant 0 : i32
        %cond3A_142 = arith.cmpi ne, %convert_element_type3A_140, %cond3A_141 : i32
        scf.if %cond3A_142 {
          %sub3A = arith.constant 4 : i32
          %sub3A_191 = arith.subi %add3A_134, %sub3A : i32
          %dma_wait3A_192 = arith.constant 0 : i32
          %dma_wait3A_193 = tpu.memref_slice %arg8[%sub3A_191, %dma_wait3A_192] : memref<8x64xi32, #tpu.memory_space<vmem>> -> memref<1x64xi32, #tpu.memory_space<vmem>>
          %dma_wait3A_194 = tpu.memref_squeeze %dma_wait3A_193 : memref<1x64xi32, #tpu.memory_space<vmem>> -> memref<64xi32, #tpu.memory_space<vmem>>
          %dma_wait3A_195 = arith.constant 0 : i32
          %dma_wait3A_196 = arith.constant 0 : i32
          %dma_wait3A_197 = tpu.memref_slice %arg13[%dma_wait3A_195, %dma_wait3A_196] : memref<10240x128xf32, #tpu.memory_space<vmem_shared>> -> memref<10240x128xf32, #tpu.memory_space<vmem_shared>>
          tpu.wait_indirect_dma semaphore(%arg18 : memref<!tpu.dma_semaphore, #tpu.memory_space<semaphore_mem>>) src(%arg9 : memref<64x128xf32, #tpu.memory_space<vmem>>) dst(%dma_wait3A_197 : memref<10240x128xf32, #tpu.memory_space<vmem_shared>>)
        } else {
        }
        %lt3A_143 = arith.constant 8 : i32
        %lt3A_144 = arith.cmpi slt, %add3A_134, %lt3A_143 : i32
        %convert_element_type3A_145 = arith.extui %lt3A_144 : i1 to i32
        %cond3A_146 = arith.constant 0 : i32
        %cond3A_147 = arith.cmpi ne, %convert_element_type3A_145, %cond3A_146 : i32
        scf.if %cond3A_147 {
          %dma_start3A_191 = arith.constant 0 : i32
          %dma_start3A_192 = tpu.memref_slice %arg7[%add3A_134, %dma_start3A_191] : memref<8x64xi32, #tpu.memory_space<vmem>> -> memref<1x64xi32, #tpu.memory_space<vmem>>
          %dma_start3A_193 = tpu.memref_squeeze %dma_start3A_192 : memref<1x64xi32, #tpu.memory_space<vmem>> -> memref<64xi32, #tpu.memory_space<vmem>>
          %dma_start3A_194 = arith.constant 0 : i32
          %dma_start3A_195 = arith.constant 0 : i32
          %dma_start3A_196 = tpu.memref_slice %arg2[%dma_start3A_194, %dma_start3A_195] : memref<10240x128xf32, #tpu.memory_space<hbm>> -> memref<10240x128xf32, #tpu.memory_space<hbm>>
          tpu.enqueue_indirect_dma source(%dma_start3A_196 : memref<10240x128xf32, #tpu.memory_space<hbm>>) target(%arg9 : memref<64x128xf32, #tpu.memory_space<vmem>>) offsets(%dma_start3A_193 : memref<64xi32, #tpu.memory_space<vmem>>) semaphore(%arg14 : memref<!tpu.dma_semaphore, #tpu.memory_space<semaphore_mem>>)
        } else {
        }
        %dma_wait3A_148 = arith.constant 0 : i32
        %dma_wait3A_149 = tpu.memref_slice %arg7[%add3A_132, %dma_wait3A_148] : memref<8x64xi32, #tpu.memory_space<vmem>> -> memref<1x64xi32, #tpu.memory_space<vmem>>
        %dma_wait3A_150 = tpu.memref_squeeze %dma_wait3A_149 : memref<1x64xi32, #tpu.memory_space<vmem>> -> memref<64xi32, #tpu.memory_space<vmem>>
        %dma_wait3A_151 = arith.constant 0 : i32
        %dma_wait3A_152 = arith.constant 0 : i32
        %dma_wait3A_153 = tpu.memref_slice %arg2[%dma_wait3A_151, %dma_wait3A_152] : memref<10240x128xf32, #tpu.memory_space<hbm>> -> memref<10240x128xf32, #tpu.memory_space<hbm>>
        tpu.wait_indirect_dma semaphore(%arg16 : memref<!tpu.dma_semaphore, #tpu.memory_space<semaphore_mem>>) src(%dma_wait3A_153 : memref<10240x128xf32, #tpu.memory_space<hbm>>) dst(%arg11 : memref<64x128xf32, #tpu.memory_space<vmem>>)
        %dma_start3A_154 = arith.constant 0 : i32
        %dma_start3A_155 = tpu.memref_slice %arg8[%add3A_132, %dma_start3A_154] : memref<8x64xi32, #tpu.memory_space<vmem>> -> memref<1x64xi32, #tpu.memory_space<vmem>>
        %dma_start3A_156 = tpu.memref_squeeze %dma_start3A_155 : memref<1x64xi32, #tpu.memory_space<vmem>> -> memref<64xi32, #tpu.memory_space<vmem>>
        %dma_start3A_157 = arith.constant 0 : i32
        %dma_start3A_158 = arith.constant 0 : i32
        %dma_start3A_159 = tpu.memref_slice %arg13[%dma_start3A_157, %dma_start3A_158] : memref<10240x128xf32, #tpu.memory_space<vmem_shared>> -> memref<10240x128xf32, #tpu.memory_space<vmem_shared>>
        tpu.enqueue_indirect_dma source(%arg11 : memref<64x128xf32, #tpu.memory_space<vmem>>) target(%dma_start3A_159 : memref<10240x128xf32, #tpu.memory_space<vmem_shared>>) offsets(%dma_start3A_156 : memref<64xi32, #tpu.memory_space<vmem>>) semaphore(%arg20 : memref<!tpu.dma_semaphore, #tpu.memory_space<semaphore_mem>>) {add = true}
        %mul3A_160 = arith.constant 4 : i32
        %mul3A_161 = arith.muli %mul3A_160, %scan3A_71 : i32
        %add3A_162 = arith.constant 3 : i32
        %add3A_163 = arith.addi %mul3A_161, %add3A_162 : i32
        %add3A_164 = arith.constant 2 : i32
        %add3A_165 = arith.addi %add3A_163, %add3A_164 : i32
        %ge3A_166 = arith.constant 4 : i32
        %ge3A_167 = arith.cmpi sge, %add3A_165, %ge3A_166 : i32
        %lt3A_168 = arith.constant 8 : i32
        %lt3A_169 = arith.cmpi slt, %add3A_165, %lt3A_168 : i32
        %and3A_170 = arith.andi %ge3A_167, %lt3A_169 : i1
        %convert_element_type3A_171 = arith.extui %and3A_170 : i1 to i32
        %cond3A_172 = arith.constant 0 : i32
        %cond3A_173 = arith.cmpi ne, %convert_element_type3A_171, %cond3A_172 : i32
        scf.if %cond3A_173 {
          %sub3A = arith.constant 4 : i32
          %sub3A_191 = arith.subi %add3A_165, %sub3A : i32
          %dma_wait3A_192 = arith.constant 0 : i32
          %dma_wait3A_193 = tpu.memref_slice %arg8[%sub3A_191, %dma_wait3A_192] : memref<8x64xi32, #tpu.memory_space<vmem>> -> memref<1x64xi32, #tpu.memory_space<vmem>>
          %dma_wait3A_194 = tpu.memref_squeeze %dma_wait3A_193 : memref<1x64xi32, #tpu.memory_space<vmem>> -> memref<64xi32, #tpu.memory_space<vmem>>
          %dma_wait3A_195 = arith.constant 0 : i32
          %dma_wait3A_196 = arith.constant 0 : i32
          %dma_wait3A_197 = tpu.memref_slice %arg13[%dma_wait3A_195, %dma_wait3A_196] : memref<10240x128xf32, #tpu.memory_space<vmem_shared>> -> memref<10240x128xf32, #tpu.memory_space<vmem_shared>>
          tpu.wait_indirect_dma semaphore(%arg19 : memref<!tpu.dma_semaphore, #tpu.memory_space<semaphore_mem>>) src(%arg10 : memref<64x128xf32, #tpu.memory_space<vmem>>) dst(%dma_wait3A_197 : memref<10240x128xf32, #tpu.memory_space<vmem_shared>>)
        } else {
        }
        %lt3A_174 = arith.constant 8 : i32
        %lt3A_175 = arith.cmpi slt, %add3A_165, %lt3A_174 : i32
        %convert_element_type3A_176 = arith.extui %lt3A_175 : i1 to i32
        %cond3A_177 = arith.constant 0 : i32
        %cond3A_178 = arith.cmpi ne, %convert_element_type3A_176, %cond3A_177 : i32
        scf.if %cond3A_178 {
          %dma_start3A_191 = arith.constant 0 : i32
          %dma_start3A_192 = tpu.memref_slice %arg7[%add3A_165, %dma_start3A_191] : memref<8x64xi32, #tpu.memory_space<vmem>> -> memref<1x64xi32, #tpu.memory_space<vmem>>
          %dma_start3A_193 = tpu.memref_squeeze %dma_start3A_192 : memref<1x64xi32, #tpu.memory_space<vmem>> -> memref<64xi32, #tpu.memory_space<vmem>>
          %dma_start3A_194 = arith.constant 0 : i32
          %dma_start3A_195 = arith.constant 0 : i32
          %dma_start3A_196 = tpu.memref_slice %arg2[%dma_start3A_194, %dma_start3A_195] : memref<10240x128xf32, #tpu.memory_space<hbm>> -> memref<10240x128xf32, #tpu.memory_space<hbm>>
          tpu.enqueue_indirect_dma source(%dma_start3A_196 : memref<10240x128xf32, #tpu.memory_space<hbm>>) target(%arg10 : memref<64x128xf32, #tpu.memory_space<vmem>>) offsets(%dma_start3A_193 : memref<64xi32, #tpu.memory_space<vmem>>) semaphore(%arg15 : memref<!tpu.dma_semaphore, #tpu.memory_space<semaphore_mem>>)
        } else {
        }
        %dma_wait3A_179 = arith.constant 0 : i32
        %dma_wait3A_180 = tpu.memref_slice %arg7[%add3A_163, %dma_wait3A_179] : memref<8x64xi32, #tpu.memory_space<vmem>> -> memref<1x64xi32, #tpu.memory_space<vmem>>
        %dma_wait3A_181 = tpu.memref_squeeze %dma_wait3A_180 : memref<1x64xi32, #tpu.memory_space<vmem>> -> memref<64xi32, #tpu.memory_space<vmem>>
        %dma_wait3A_182 = arith.constant 0 : i32
        %dma_wait3A_183 = arith.constant 0 : i32
        %dma_wait3A_184 = tpu.memref_slice %arg2[%dma_wait3A_182, %dma_wait3A_183] : memref<10240x128xf32, #tpu.memory_space<hbm>> -> memref<10240x128xf32, #tpu.memory_space<hbm>>
        tpu.wait_indirect_dma semaphore(%arg17 : memref<!tpu.dma_semaphore, #tpu.memory_space<semaphore_mem>>) src(%dma_wait3A_184 : memref<10240x128xf32, #tpu.memory_space<hbm>>) dst(%arg12 : memref<64x128xf32, #tpu.memory_space<vmem>>)
        %dma_start3A_185 = arith.constant 0 : i32
        %dma_start3A_186 = tpu.memref_slice %arg8[%add3A_163, %dma_start3A_185] : memref<8x64xi32, #tpu.memory_space<vmem>> -> memref<1x64xi32, #tpu.memory_space<vmem>>
        %dma_start3A_187 = tpu.memref_squeeze %dma_start3A_186 : memref<1x64xi32, #tpu.memory_space<vmem>> -> memref<64xi32, #tpu.memory_space<vmem>>
        %dma_start3A_188 = arith.constant 0 : i32
        %dma_start3A_189 = arith.constant 0 : i32
        %dma_start3A_190 = tpu.memref_slice %arg13[%dma_start3A_188, %dma_start3A_189] : memref<10240x128xf32, #tpu.memory_space<vmem_shared>> -> memref<10240x128xf32, #tpu.memory_space<vmem_shared>>
        tpu.enqueue_indirect_dma source(%arg12 : memref<64x128xf32, #tpu.memory_space<vmem>>) target(%dma_start3A_190 : memref<10240x128xf32, #tpu.memory_space<vmem_shared>>) offsets(%dma_start3A_187 : memref<64xi32, #tpu.memory_space<vmem>>) semaphore(%arg21 : memref<!tpu.dma_semaphore, #tpu.memory_space<semaphore_mem>>) {add = true}
      }
      %scan3A_43 = arith.constant 2 : i32
      %dma_wait3A = arith.constant 4 : i32
      %dma_wait3A_44 = arith.constant 0 : i32
      %dma_wait3A_45 = tpu.memref_slice %arg8[%dma_wait3A, %dma_wait3A_44] : memref<8x64xi32, #tpu.memory_space<vmem>> -> memref<1x64xi32, #tpu.memory_space<vmem>>
      %dma_wait3A_46 = tpu.memref_squeeze %dma_wait3A_45 : memref<1x64xi32, #tpu.memory_space<vmem>> -> memref<64xi32, #tpu.memory_space<vmem>>
      %dma_wait3A_47 = arith.constant 0 : i32
      %dma_wait3A_48 = arith.constant 0 : i32
      %dma_wait3A_49 = tpu.memref_slice %arg13[%dma_wait3A_47, %dma_wait3A_48] : memref<10240x128xf32, #tpu.memory_space<vmem_shared>> -> memref<10240x128xf32, #tpu.memory_space<vmem_shared>>
      tpu.wait_indirect_dma semaphore(%arg18 : memref<!tpu.dma_semaphore, #tpu.memory_space<semaphore_mem>>) src(%arg9 : memref<64x128xf32, #tpu.memory_space<vmem>>) dst(%dma_wait3A_49 : memref<10240x128xf32, #tpu.memory_space<vmem_shared>>)
      %dma_wait3A_50 = arith.constant 5 : i32
      %dma_wait3A_51 = arith.constant 0 : i32
      %dma_wait3A_52 = tpu.memref_slice %arg8[%dma_wait3A_50, %dma_wait3A_51] : memref<8x64xi32, #tpu.memory_space<vmem>> -> memref<1x64xi32, #tpu.memory_space<vmem>>
      %dma_wait3A_53 = tpu.memref_squeeze %dma_wait3A_52 : memref<1x64xi32, #tpu.memory_space<vmem>> -> memref<64xi32, #tpu.memory_space<vmem>>
      %dma_wait3A_54 = arith.constant 0 : i32
      %dma_wait3A_55 = arith.constant 0 : i32
      %dma_wait3A_56 = tpu.memref_slice %arg13[%dma_wait3A_54, %dma_wait3A_55] : memref<10240x128xf32, #tpu.memory_space<vmem_shared>> -> memref<10240x128xf32, #tpu.memory_space<vmem_shared>>
      tpu.wait_indirect_dma semaphore(%arg19 : memref<!tpu.dma_semaphore, #tpu.memory_space<semaphore_mem>>) src(%arg10 : memref<64x128xf32, #tpu.memory_space<vmem>>) dst(%dma_wait3A_56 : memref<10240x128xf32, #tpu.memory_space<vmem_shared>>)
      %dma_wait3A_57 = arith.constant 6 : i32
      %dma_wait3A_58 = arith.constant 0 : i32
      %dma_wait3A_59 = tpu.memref_slice %arg8[%dma_wait3A_57, %dma_wait3A_58] : memref<8x64xi32, #tpu.memory_space<vmem>> -> memref<1x64xi32, #tpu.memory_space<vmem>>
      %dma_wait3A_60 = tpu.memref_squeeze %dma_wait3A_59 : memref<1x64xi32, #tpu.memory_space<vmem>> -> memref<64xi32, #tpu.memory_space<vmem>>
      %dma_wait3A_61 = arith.constant 0 : i32
      %dma_wait3A_62 = arith.constant 0 : i32
      %dma_wait3A_63 = tpu.memref_slice %arg13[%dma_wait3A_61, %dma_wait3A_62] : memref<10240x128xf32, #tpu.memory_space<vmem_shared>> -> memref<10240x128xf32, #tpu.memory_space<vmem_shared>>
      tpu.wait_indirect_dma semaphore(%arg20 : memref<!tpu.dma_semaphore, #tpu.memory_space<semaphore_mem>>) src(%arg11 : memref<64x128xf32, #tpu.memory_space<vmem>>) dst(%dma_wait3A_63 : memref<10240x128xf32, #tpu.memory_space<vmem_shared>>)
      %dma_wait3A_64 = arith.constant 7 : i32
      %dma_wait3A_65 = arith.constant 0 : i32
      %dma_wait3A_66 = tpu.memref_slice %arg8[%dma_wait3A_64, %dma_wait3A_65] : memref<8x64xi32, #tpu.memory_space<vmem>> -> memref<1x64xi32, #tpu.memory_space<vmem>>
      %dma_wait3A_67 = tpu.memref_squeeze %dma_wait3A_66 : memref<1x64xi32, #tpu.memory_space<vmem>> -> memref<64xi32, #tpu.memory_space<vmem>>
      %dma_wait3A_68 = arith.constant 0 : i32
      %dma_wait3A_69 = arith.constant 0 : i32
      %dma_wait3A_70 = tpu.memref_slice %arg13[%dma_wait3A_68, %dma_wait3A_69] : memref<10240x128xf32, #tpu.memory_space<vmem_shared>> -> memref<10240x128xf32, #tpu.memory_space<vmem_shared>>
      tpu.wait_indirect_dma semaphore(%arg21 : memref<!tpu.dma_semaphore, #tpu.memory_space<semaphore_mem>>) src(%arg12 : memref<64x128xf32, #tpu.memory_space<vmem>>) dst(%dma_wait3A_70 : memref<10240x128xf32, #tpu.memory_space<vmem_shared>>)
    }
    %while3A_18 = arith.constant 1 : i32
    scf.for %while3A_20 = %while3A_16 to %while3A_12 step %while3A_18  : i32 {
      %mul3A_21 = arith.constant 8 : i32
      %mul3A_22 = arith.muli %while3A_20, %mul3A_21 : i32
      %add3A_23 = arith.addi %select_n3A_10, %mul3A_22 : i32
      "tpu.region"() ({
        %run_scoped3A = tpu.sem_alloc : memref<!tpu.dma_semaphore, #tpu.memory_space<semaphore_mem>>
        %dma_start3A_71 = arith.constant 0 : i32
        %dma_start3A_72 = tpu.memref_slice %arg3[%add3A_23, %dma_start3A_71] : memref<5120x64xi32, #tpu.memory_space<hbm>> -> memref<8x64xi32, #tpu.memory_space<hbm>>
        %dma_start3A_73 = arith.constant 0 : i32
        %dma_start3A_74 = tpu.memref_slice %arg3[%add3A_23, %dma_start3A_73] : memref<5120x64xi32, #tpu.memory_space<hbm>> -> memref<8x64xi32, #tpu.memory_space<hbm>>
        tpu.enqueue_dma source(%dma_start3A_74 : memref<8x64xi32, #tpu.memory_space<hbm>>) target(%arg7 : memref<8x64xi32, #tpu.memory_space<vmem>>) target_semaphore(%run_scoped3A : memref<!tpu.dma_semaphore, #tpu.memory_space<semaphore_mem>>)
        %dma_wait3A_75 = arith.constant 0 : i32
        %dma_wait3A_76 = tpu.memref_slice %arg3[%add3A_23, %dma_wait3A_75] : memref<5120x64xi32, #tpu.memory_space<hbm>> -> memref<8x64xi32, #tpu.memory_space<hbm>>
        %dma_wait3A_77 = arith.constant 0 : i32
        %dma_wait3A_78 = tpu.memref_slice %arg3[%add3A_23, %dma_wait3A_77] : memref<5120x64xi32, #tpu.memory_space<hbm>> -> memref<8x64xi32, #tpu.memory_space<hbm>>
        tpu.wait_dma2 semaphore(%run_scoped3A : memref<!tpu.dma_semaphore, #tpu.memory_space<semaphore_mem>>) src(%dma_wait3A_78 : memref<8x64xi32, #tpu.memory_space<hbm>>) dst(%arg7 : memref<8x64xi32, #tpu.memory_space<vmem>>)
        tpu.yield
      }) : () -> ()
      %mul3A_24 = arith.constant 8 : i32
      %mul3A_25 = arith.muli %while3A_20, %mul3A_24 : i32
      %add3A_26 = arith.addi %select_n3A_10, %mul3A_25 : i32
      "tpu.region"() ({
        %run_scoped3A = tpu.sem_alloc : memref<!tpu.dma_semaphore, #tpu.memory_space<semaphore_mem>>
        %dma_start3A_71 = arith.constant 0 : i32
        %dma_start3A_72 = tpu.memref_slice %arg4[%add3A_26, %dma_start3A_71] : memref<5120x64xi32, #tpu.memory_space<hbm>> -> memref<8x64xi32, #tpu.memory_space<hbm>>
        %dma_start3A_73 = arith.constant 0 : i32
        %dma_start3A_74 = tpu.memref_slice %arg4[%add3A_26, %dma_start3A_73] : memref<5120x64xi32, #tpu.memory_space<hbm>> -> memref<8x64xi32, #tpu.memory_space<hbm>>
        tpu.enqueue_dma source(%dma_start3A_74 : memref<8x64xi32, #tpu.memory_space<hbm>>) target(%arg8 : memref<8x64xi32, #tpu.memory_space<vmem>>) target_semaphore(%run_scoped3A : memref<!tpu.dma_semaphore, #tpu.memory_space<semaphore_mem>>)
        %dma_wait3A_75 = arith.constant 0 : i32
        %dma_wait3A_76 = tpu.memref_slice %arg4[%add3A_26, %dma_wait3A_75] : memref<5120x64xi32, #tpu.memory_space<hbm>> -> memref<8x64xi32, #tpu.memory_space<hbm>>
        %dma_wait3A_77 = arith.constant 0 : i32
        %dma_wait3A_78 = tpu.memref_slice %arg4[%add3A_26, %dma_wait3A_77] : memref<5120x64xi32, #tpu.memory_space<hbm>> -> memref<8x64xi32, #tpu.memory_space<hbm>>
        tpu.wait_dma2 semaphore(%run_scoped3A : memref<!tpu.dma_semaphore, #tpu.memory_space<semaphore_mem>>) src(%dma_wait3A_78 : memref<8x64xi32, #tpu.memory_space<hbm>>) dst(%arg8 : memref<8x64xi32, #tpu.memory_space<vmem>>)
        tpu.yield
      }) : () -> ()
      %dma_start3A = arith.constant 0 : i32
      %dma_start3A_27 = arith.constant 0 : i32
      %dma_start3A_28 = tpu.memref_slice %arg7[%dma_start3A, %dma_start3A_27] : memref<8x64xi32, #tpu.memory_space<vmem>> -> memref<1x64xi32, #tpu.memory_space<vmem>>
      %dma_start3A_29 = tpu.memref_squeeze %dma_start3A_28 : memref<1x64xi32, #tpu.memory_space<vmem>> -> memref<64xi32, #tpu.memory_space<vmem>>
      %dma_start3A_30 = arith.constant 0 : i32
      %dma_start3A_31 = arith.constant 0 : i32
      %dma_start3A_32 = tpu.memref_slice %arg2[%dma_start3A_30, %dma_start3A_31] : memref<10240x128xf32, #tpu.memory_space<hbm>> -> memref<10240x128xf32, #tpu.memory_space<hbm>>
      tpu.enqueue_indirect_dma source(%dma_start3A_32 : memref<10240x128xf32, #tpu.memory_space<hbm>>) target(%arg9 : memref<64x128xf32, #tpu.memory_space<vmem>>) offsets(%dma_start3A_29 : memref<64xi32, #tpu.memory_space<vmem>>) semaphore(%arg14 : memref<!tpu.dma_semaphore, #tpu.memory_space<semaphore_mem>>)
      %dma_start3A_33 = arith.constant 1 : i32
      %dma_start3A_34 = arith.constant 0 : i32
      %dma_start3A_35 = tpu.memref_slice %arg7[%dma_start3A_33, %dma_start3A_34] : memref<8x64xi32, #tpu.memory_space<vmem>> -> memref<1x64xi32, #tpu.memory_space<vmem>>
      %dma_start3A_36 = tpu.memref_squeeze %dma_start3A_35 : memref<1x64xi32, #tpu.memory_space<vmem>> -> memref<64xi32, #tpu.memory_space<vmem>>
      %dma_start3A_37 = arith.constant 0 : i32
      %dma_start3A_38 = arith.constant 0 : i32
      %dma_start3A_39 = tpu.memref_slice %arg2[%dma_start3A_37, %dma_start3A_38] : memref<10240x128xf32, #tpu.memory_space<hbm>> -> memref<10240x128xf32, #tpu.memory_space<hbm>>
      tpu.enqueue_indirect_dma source(%dma_start3A_39 : memref<10240x128xf32, #tpu.memory_space<hbm>>) target(%arg10 : memref<64x128xf32, #tpu.memory_space<vmem>>) offsets(%dma_start3A_36 : memref<64xi32, #tpu.memory_space<vmem>>) semaphore(%arg15 : memref<!tpu.dma_semaphore, #tpu.memory_space<semaphore_mem>>)
      %scan3A = arith.constant 0 : i32
      %scan3A_40 = arith.constant 2 : i32
      %scan3A_41 = arith.addi %scan3A, %scan3A_40 : i32
      %scan3A_42 = arith.constant 1 : i32
      scf.for %scan3A_71 = %scan3A to %scan3A_41 step %scan3A_42  : i32 {
        %mul3A_72 = arith.constant 4 : i32
        %mul3A_73 = arith.muli %mul3A_72, %scan3A_71 : i32
        %add3A_74 = arith.constant 0 : i32
        %add3A_75 = arith.addi %mul3A_73, %add3A_74 : i32
        %add3A_76 = arith.constant 2 : i32
        %add3A_77 = arith.addi %add3A_75, %add3A_76 : i32
        %ge3A = arith.constant 4 : i32
        %ge3A_78 = arith.cmpi sge, %add3A_77, %ge3A : i32
        %lt3A = arith.constant 8 : i32
        %lt3A_79 = arith.cmpi slt, %add3A_77, %lt3A : i32
        %and3A = arith.andi %ge3A_78, %lt3A_79 : i1
        %convert_element_type3A = arith.extui %and3A : i1 to i32
        %cond3A = arith.constant 0 : i32
        %cond3A_80 = arith.cmpi ne, %convert_element_type3A, %cond3A : i32
        scf.if %cond3A_80 {
          %sub3A = arith.constant 4 : i32
          %sub3A_191 = arith.subi %add3A_77, %sub3A : i32
          %dma_wait3A_192 = arith.constant 0 : i32
          %dma_wait3A_193 = tpu.memref_slice %arg8[%sub3A_191, %dma_wait3A_192] : memref<8x64xi32, #tpu.memory_space<vmem>> -> memref<1x64xi32, #tpu.memory_space<vmem>>
          %dma_wait3A_194 = tpu.memref_squeeze %dma_wait3A_193 : memref<1x64xi32, #tpu.memory_space<vmem>> -> memref<64xi32, #tpu.memory_space<vmem>>
          %dma_wait3A_195 = arith.constant 0 : i32
          %dma_wait3A_196 = arith.constant 0 : i32
          %dma_wait3A_197 = tpu.memref_slice %arg13[%dma_wait3A_195, %dma_wait3A_196] : memref<10240x128xf32, #tpu.memory_space<vmem_shared>> -> memref<10240x128xf32, #tpu.memory_space<vmem_shared>>
          tpu.wait_indirect_dma semaphore(%arg20 : memref<!tpu.dma_semaphore, #tpu.memory_space<semaphore_mem>>) src(%arg11 : memref<64x128xf32, #tpu.memory_space<vmem>>) dst(%dma_wait3A_197 : memref<10240x128xf32, #tpu.memory_space<vmem_shared>>)
        } else {
        }
        %lt3A_81 = arith.constant 8 : i32
        %lt3A_82 = arith.cmpi slt, %add3A_77, %lt3A_81 : i32
        %convert_element_type3A_83 = arith.extui %lt3A_82 : i1 to i32
        %cond3A_84 = arith.constant 0 : i32
        %cond3A_85 = arith.cmpi ne, %convert_element_type3A_83, %cond3A_84 : i32
        scf.if %cond3A_85 {
          %dma_start3A_191 = arith.constant 0 : i32
          %dma_start3A_192 = tpu.memref_slice %arg7[%add3A_77, %dma_start3A_191] : memref<8x64xi32, #tpu.memory_space<vmem>> -> memref<1x64xi32, #tpu.memory_space<vmem>>
          %dma_start3A_193 = tpu.memref_squeeze %dma_start3A_192 : memref<1x64xi32, #tpu.memory_space<vmem>> -> memref<64xi32, #tpu.memory_space<vmem>>
          %dma_start3A_194 = arith.constant 0 : i32
          %dma_start3A_195 = arith.constant 0 : i32
          %dma_start3A_196 = tpu.memref_slice %arg2[%dma_start3A_194, %dma_start3A_195] : memref<10240x128xf32, #tpu.memory_space<hbm>> -> memref<10240x128xf32, #tpu.memory_space<hbm>>
          tpu.enqueue_indirect_dma source(%dma_start3A_196 : memref<10240x128xf32, #tpu.memory_space<hbm>>) target(%arg11 : memref<64x128xf32, #tpu.memory_space<vmem>>) offsets(%dma_start3A_193 : memref<64xi32, #tpu.memory_space<vmem>>) semaphore(%arg16 : memref<!tpu.dma_semaphore, #tpu.memory_space<semaphore_mem>>)
        } else {
        }
        %dma_wait3A_86 = arith.constant 0 : i32
        %dma_wait3A_87 = tpu.memref_slice %arg7[%add3A_75, %dma_wait3A_86] : memref<8x64xi32, #tpu.memory_space<vmem>> -> memref<1x64xi32, #tpu.memory_space<vmem>>
        %dma_wait3A_88 = tpu.memref_squeeze %dma_wait3A_87 : memref<1x64xi32, #tpu.memory_space<vmem>> -> memref<64xi32, #tpu.memory_space<vmem>>
        %dma_wait3A_89 = arith.constant 0 : i32
        %dma_wait3A_90 = arith.constant 0 : i32
        %dma_wait3A_91 = tpu.memref_slice %arg2[%dma_wait3A_89, %dma_wait3A_90] : memref<10240x128xf32, #tpu.memory_space<hbm>> -> memref<10240x128xf32, #tpu.memory_space<hbm>>
        tpu.wait_indirect_dma semaphore(%arg14 : memref<!tpu.dma_semaphore, #tpu.memory_space<semaphore_mem>>) src(%dma_wait3A_91 : memref<10240x128xf32, #tpu.memory_space<hbm>>) dst(%arg9 : memref<64x128xf32, #tpu.memory_space<vmem>>)
        %dma_start3A_92 = arith.constant 0 : i32
        %dma_start3A_93 = tpu.memref_slice %arg8[%add3A_75, %dma_start3A_92] : memref<8x64xi32, #tpu.memory_space<vmem>> -> memref<1x64xi32, #tpu.memory_space<vmem>>
        %dma_start3A_94 = tpu.memref_squeeze %dma_start3A_93 : memref<1x64xi32, #tpu.memory_space<vmem>> -> memref<64xi32, #tpu.memory_space<vmem>>
        %dma_start3A_95 = arith.constant 0 : i32
        %dma_start3A_96 = arith.constant 0 : i32
        %dma_start3A_97 = tpu.memref_slice %arg13[%dma_start3A_95, %dma_start3A_96] : memref<10240x128xf32, #tpu.memory_space<vmem_shared>> -> memref<10240x128xf32, #tpu.memory_space<vmem_shared>>
        tpu.enqueue_indirect_dma source(%arg9 : memref<64x128xf32, #tpu.memory_space<vmem>>) target(%dma_start3A_97 : memref<10240x128xf32, #tpu.memory_space<vmem_shared>>) offsets(%dma_start3A_94 : memref<64xi32, #tpu.memory_space<vmem>>) semaphore(%arg18 : memref<!tpu.dma_semaphore, #tpu.memory_space<semaphore_mem>>) {add = true}
        %mul3A_98 = arith.constant 4 : i32
        %mul3A_99 = arith.muli %mul3A_98, %scan3A_71 : i32
        %add3A_100 = arith.constant 1 : i32
        %add3A_101 = arith.addi %mul3A_99, %add3A_100 : i32
        %add3A_102 = arith.constant 2 : i32
        %add3A_103 = arith.addi %add3A_101, %add3A_102 : i32
        %ge3A_104 = arith.constant 4 : i32
        %ge3A_105 = arith.cmpi sge, %add3A_103, %ge3A_104 : i32
        %lt3A_106 = arith.constant 8 : i32
        %lt3A_107 = arith.cmpi slt, %add3A_103, %lt3A_106 : i32
        %and3A_108 = arith.andi %ge3A_105, %lt3A_107 : i1
        %convert_element_type3A_109 = arith.extui %and3A_108 : i1 to i32
        %cond3A_110 = arith.constant 0 : i32
        %cond3A_111 = arith.cmpi ne, %convert_element_type3A_109, %cond3A_110 : i32
        scf.if %cond3A_111 {
          %sub3A = arith.constant 4 : i32
          %sub3A_191 = arith.subi %add3A_103, %sub3A : i32
          %dma_wait3A_192 = arith.constant 0 : i32
          %dma_wait3A_193 = tpu.memref_slice %arg8[%sub3A_191, %dma_wait3A_192] : memref<8x64xi32, #tpu.memory_space<vmem>> -> memref<1x64xi32, #tpu.memory_space<vmem>>
          %dma_wait3A_194 = tpu.memref_squeeze %dma_wait3A_193 : memref<1x64xi32, #tpu.memory_space<vmem>> -> memref<64xi32, #tpu.memory_space<vmem>>
          %dma_wait3A_195 = arith.constant 0 : i32
          %dma_wait3A_196 = arith.constant 0 : i32
          %dma_wait3A_197 = tpu.memref_slice %arg13[%dma_wait3A_195, %dma_wait3A_196] : memref<10240x128xf32, #tpu.memory_space<vmem_shared>> -> memref<10240x128xf32, #tpu.memory_space<vmem_shared>>
          tpu.wait_indirect_dma semaphore(%arg21 : memref<!tpu.dma_semaphore, #tpu.memory_space<semaphore_mem>>) src(%arg12 : memref<64x128xf32, #tpu.memory_space<vmem>>) dst(%dma_wait3A_197 : memref<10240x128xf32, #tpu.memory_space<vmem_shared>>)
        } else {
        }
        %lt3A_112 = arith.constant 8 : i32
        %lt3A_113 = arith.cmpi slt, %add3A_103, %lt3A_112 : i32
        %convert_element_type3A_114 = arith.extui %lt3A_113 : i1 to i32
        %cond3A_115 = arith.constant 0 : i32
        %cond3A_116 = arith.cmpi ne, %convert_element_type3A_114, %cond3A_115 : i32
        scf.if %cond3A_116 {
          %dma_start3A_191 = arith.constant 0 : i32
          %dma_start3A_192 = tpu.memref_slice %arg7[%add3A_103, %dma_start3A_191] : memref<8x64xi32, #tpu.memory_space<vmem>> -> memref<1x64xi32, #tpu.memory_space<vmem>>
          %dma_start3A_193 = tpu.memref_squeeze %dma_start3A_192 : memref<1x64xi32, #tpu.memory_space<vmem>> -> memref<64xi32, #tpu.memory_space<vmem>>
          %dma_start3A_194 = arith.constant 0 : i32
          %dma_start3A_195 = arith.constant 0 : i32
          %dma_start3A_196 = tpu.memref_slice %arg2[%dma_start3A_194, %dma_start3A_195] : memref<10240x128xf32, #tpu.memory_space<hbm>> -> memref<10240x128xf32, #tpu.memory_space<hbm>>
          tpu.enqueue_indirect_dma source(%dma_start3A_196 : memref<10240x128xf32, #tpu.memory_space<hbm>>) target(%arg12 : memref<64x128xf32, #tpu.memory_space<vmem>>) offsets(%dma_start3A_193 : memref<64xi32, #tpu.memory_space<vmem>>) semaphore(%arg17 : memref<!tpu.dma_semaphore, #tpu.memory_space<semaphore_mem>>)
        } else {
        }
        %dma_wait3A_117 = arith.constant 0 : i32
        %dma_wait3A_118 = tpu.memref_slice %arg7[%add3A_101, %dma_wait3A_117] : memref<8x64xi32, #tpu.memory_space<vmem>> -> memref<1x64xi32, #tpu.memory_space<vmem>>
        %dma_wait3A_119 = tpu.memref_squeeze %dma_wait3A_118 : memref<1x64xi32, #tpu.memory_space<vmem>> -> memref<64xi32, #tpu.memory_space<vmem>>
        %dma_wait3A_120 = arith.constant 0 : i32
        %dma_wait3A_121 = arith.constant 0 : i32
        %dma_wait3A_122 = tpu.memref_slice %arg2[%dma_wait3A_120, %dma_wait3A_121] : memref<10240x128xf32, #tpu.memory_space<hbm>> -> memref<10240x128xf32, #tpu.memory_space<hbm>>
        tpu.wait_indirect_dma semaphore(%arg15 : memref<!tpu.dma_semaphore, #tpu.memory_space<semaphore_mem>>) src(%dma_wait3A_122 : memref<10240x128xf32, #tpu.memory_space<hbm>>) dst(%arg10 : memref<64x128xf32, #tpu.memory_space<vmem>>)
        %dma_start3A_123 = arith.constant 0 : i32
        %dma_start3A_124 = tpu.memref_slice %arg8[%add3A_101, %dma_start3A_123] : memref<8x64xi32, #tpu.memory_space<vmem>> -> memref<1x64xi32, #tpu.memory_space<vmem>>
        %dma_start3A_125 = tpu.memref_squeeze %dma_start3A_124 : memref<1x64xi32, #tpu.memory_space<vmem>> -> memref<64xi32, #tpu.memory_space<vmem>>
        %dma_start3A_126 = arith.constant 0 : i32
        %dma_start3A_127 = arith.constant 0 : i32
        %dma_start3A_128 = tpu.memref_slice %arg13[%dma_start3A_126, %dma_start3A_127] : memref<10240x128xf32, #tpu.memory_space<vmem_shared>> -> memref<10240x128xf32, #tpu.memory_space<vmem_shared>>
        tpu.enqueue_indirect_dma source(%arg10 : memref<64x128xf32, #tpu.memory_space<vmem>>) target(%dma_start3A_128 : memref<10240x128xf32, #tpu.memory_space<vmem_shared>>) offsets(%dma_start3A_125 : memref<64xi32, #tpu.memory_space<vmem>>) semaphore(%arg19 : memref<!tpu.dma_semaphore, #tpu.memory_space<semaphore_mem>>) {add = true}
        %mul3A_129 = arith.constant 4 : i32
        %mul3A_130 = arith.muli %mul3A_129, %scan3A_71 : i32
        %add3A_131 = arith.constant 2 : i32
        %add3A_132 = arith.addi %mul3A_130, %add3A_131 : i32
        %add3A_133 = arith.constant 2 : i32
        %add3A_134 = arith.addi %add3A_132, %add3A_133 : i32
        %ge3A_135 = arith.constant 4 : i32
        %ge3A_136 = arith.cmpi sge, %add3A_134, %ge3A_135 : i32
        %lt3A_137 = arith.constant 8 : i32
        %lt3A_138 = arith.cmpi slt, %add3A_134, %lt3A_137 : i32
        %and3A_139 = arith.andi %ge3A_136, %lt3A_138 : i1
        %convert_element_type3A_140 = arith.extui %and3A_139 : i1 to i32
        %cond3A_141 = arith.constant 0 : i32
        %cond3A_142 = arith.cmpi ne, %convert_element_type3A_140, %cond3A_141 : i32
        scf.if %cond3A_142 {
          %sub3A = arith.constant 4 : i32
          %sub3A_191 = arith.subi %add3A_134, %sub3A : i32
          %dma_wait3A_192 = arith.constant 0 : i32
          %dma_wait3A_193 = tpu.memref_slice %arg8[%sub3A_191, %dma_wait3A_192] : memref<8x64xi32, #tpu.memory_space<vmem>> -> memref<1x64xi32, #tpu.memory_space<vmem>>
          %dma_wait3A_194 = tpu.memref_squeeze %dma_wait3A_193 : memref<1x64xi32, #tpu.memory_space<vmem>> -> memref<64xi32, #tpu.memory_space<vmem>>
          %dma_wait3A_195 = arith.constant 0 : i32
          %dma_wait3A_196 = arith.constant 0 : i32
          %dma_wait3A_197 = tpu.memref_slice %arg13[%dma_wait3A_195, %dma_wait3A_196] : memref<10240x128xf32, #tpu.memory_space<vmem_shared>> -> memref<10240x128xf32, #tpu.memory_space<vmem_shared>>
          tpu.wait_indirect_dma semaphore(%arg18 : memref<!tpu.dma_semaphore, #tpu.memory_space<semaphore_mem>>) src(%arg9 : memref<64x128xf32, #tpu.memory_space<vmem>>) dst(%dma_wait3A_197 : memref<10240x128xf32, #tpu.memory_space<vmem_shared>>)
        } else {
        }
        %lt3A_143 = arith.constant 8 : i32
        %lt3A_144 = arith.cmpi slt, %add3A_134, %lt3A_143 : i32
        %convert_element_type3A_145 = arith.extui %lt3A_144 : i1 to i32
        %cond3A_146 = arith.constant 0 : i32
        %cond3A_147 = arith.cmpi ne, %convert_element_type3A_145, %cond3A_146 : i32
        scf.if %cond3A_147 {
          %dma_start3A_191 = arith.constant 0 : i32
          %dma_start3A_192 = tpu.memref_slice %arg7[%add3A_134, %dma_start3A_191] : memref<8x64xi32, #tpu.memory_space<vmem>> -> memref<1x64xi32, #tpu.memory_space<vmem>>
          %dma_start3A_193 = tpu.memref_squeeze %dma_start3A_192 : memref<1x64xi32, #tpu.memory_space<vmem>> -> memref<64xi32, #tpu.memory_space<vmem>>
          %dma_start3A_194 = arith.constant 0 : i32
          %dma_start3A_195 = arith.constant 0 : i32
          %dma_start3A_196 = tpu.memref_slice %arg2[%dma_start3A_194, %dma_start3A_195] : memref<10240x128xf32, #tpu.memory_space<hbm>> -> memref<10240x128xf32, #tpu.memory_space<hbm>>
          tpu.enqueue_indirect_dma source(%dma_start3A_196 : memref<10240x128xf32, #tpu.memory_space<hbm>>) target(%arg9 : memref<64x128xf32, #tpu.memory_space<vmem>>) offsets(%dma_start3A_193 : memref<64xi32, #tpu.memory_space<vmem>>) semaphore(%arg14 : memref<!tpu.dma_semaphore, #tpu.memory_space<semaphore_mem>>)
        } else {
        }
        %dma_wait3A_148 = arith.constant 0 : i32
        %dma_wait3A_149 = tpu.memref_slice %arg7[%add3A_132, %dma_wait3A_148] : memref<8x64xi32, #tpu.memory_space<vmem>> -> memref<1x64xi32, #tpu.memory_space<vmem>>
        %dma_wait3A_150 = tpu.memref_squeeze %dma_wait3A_149 : memref<1x64xi32, #tpu.memory_space<vmem>> -> memref<64xi32, #tpu.memory_space<vmem>>
        %dma_wait3A_151 = arith.constant 0 : i32
        %dma_wait3A_152 = arith.constant 0 : i32
        %dma_wait3A_153 = tpu.memref_slice %arg2[%dma_wait3A_151, %dma_wait3A_152] : memref<10240x128xf32, #tpu.memory_space<hbm>> -> memref<10240x128xf32, #tpu.memory_space<hbm>>
        tpu.wait_indirect_dma semaphore(%arg16 : memref<!tpu.dma_semaphore, #tpu.memory_space<semaphore_mem>>) src(%dma_wait3A_153 : memref<10240x128xf32, #tpu.memory_space<hbm>>) dst(%arg11 : memref<64x128xf32, #tpu.memory_space<vmem>>)
        %dma_start3A_154 = arith.constant 0 : i32
        %dma_start3A_155 = tpu.memref_slice %arg8[%add3A_132, %dma_start3A_154] : memref<8x64xi32, #tpu.memory_space<vmem>> -> memref<1x64xi32, #tpu.memory_space<vmem>>
        %dma_start3A_156 = tpu.memref_squeeze %dma_start3A_155 : memref<1x64xi32, #tpu.memory_space<vmem>> -> memref<64xi32, #tpu.memory_space<vmem>>
        %dma_start3A_157 = arith.constant 0 : i32
        %dma_start3A_158 = arith.constant 0 : i32
        %dma_start3A_159 = tpu.memref_slice %arg13[%dma_start3A_157, %dma_start3A_158] : memref<10240x128xf32, #tpu.memory_space<vmem_shared>> -> memref<10240x128xf32, #tpu.memory_space<vmem_shared>>
        tpu.enqueue_indirect_dma source(%arg11 : memref<64x128xf32, #tpu.memory_space<vmem>>) target(%dma_start3A_159 : memref<10240x128xf32, #tpu.memory_space<vmem_shared>>) offsets(%dma_start3A_156 : memref<64xi32, #tpu.memory_space<vmem>>) semaphore(%arg20 : memref<!tpu.dma_semaphore, #tpu.memory_space<semaphore_mem>>) {add = true}
        %mul3A_160 = arith.constant 4 : i32
        %mul3A_161 = arith.muli %mul3A_160, %scan3A_71 : i32
        %add3A_162 = arith.constant 3 : i32
        %add3A_163 = arith.addi %mul3A_161, %add3A_162 : i32
        %add3A_164 = arith.constant 2 : i32
        %add3A_165 = arith.addi %add3A_163, %add3A_164 : i32
        %ge3A_166 = arith.constant 4 : i32
        %ge3A_167 = arith.cmpi sge, %add3A_165, %ge3A_166 : i32
        %lt3A_168 = arith.constant 8 : i32
        %lt3A_169 = arith.cmpi slt, %add3A_165, %lt3A_168 : i32
        %and3A_170 = arith.andi %ge3A_167, %lt3A_169 : i1
        %convert_element_type3A_171 = arith.extui %and3A_170 : i1 to i32
        %cond3A_172 = arith.constant 0 : i32
        %cond3A_173 = arith.cmpi ne, %convert_element_type3A_171, %cond3A_172 : i32
        scf.if %cond3A_173 {
          %sub3A = arith.constant 4 : i32
          %sub3A_191 = arith.subi %add3A_165, %sub3A : i32
          %dma_wait3A_192 = arith.constant 0 : i32
          %dma_wait3A_193 = tpu.memref_slice %arg8[%sub3A_191, %dma_wait3A_192] : memref<8x64xi32, #tpu.memory_space<vmem>> -> memref<1x64xi32, #tpu.memory_space<vmem>>
          %dma_wait3A_194 = tpu.memref_squeeze %dma_wait3A_193 : memref<1x64xi32, #tpu.memory_space<vmem>> -> memref<64xi32, #tpu.memory_space<vmem>>
          %dma_wait3A_195 = arith.constant 0 : i32
          %dma_wait3A_196 = arith.constant 0 : i32
          %dma_wait3A_197 = tpu.memref_slice %arg13[%dma_wait3A_195, %dma_wait3A_196] : memref<10240x128xf32, #tpu.memory_space<vmem_shared>> -> memref<10240x128xf32, #tpu.memory_space<vmem_shared>>
          tpu.wait_indirect_dma semaphore(%arg19 : memref<!tpu.dma_semaphore, #tpu.memory_space<semaphore_mem>>) src(%arg10 : memref<64x128xf32, #tpu.memory_space<vmem>>) dst(%dma_wait3A_197 : memref<10240x128xf32, #tpu.memory_space<vmem_shared>>)
        } else {
        }
        %lt3A_174 = arith.constant 8 : i32
        %lt3A_175 = arith.cmpi slt, %add3A_165, %lt3A_174 : i32
        %convert_element_type3A_176 = arith.extui %lt3A_175 : i1 to i32
        %cond3A_177 = arith.constant 0 : i32
        %cond3A_178 = arith.cmpi ne, %convert_element_type3A_176, %cond3A_177 : i32
        scf.if %cond3A_178 {
          %dma_start3A_191 = arith.constant 0 : i32
          %dma_start3A_192 = tpu.memref_slice %arg7[%add3A_165, %dma_start3A_191] : memref<8x64xi32, #tpu.memory_space<vmem>> -> memref<1x64xi32, #tpu.memory_space<vmem>>
          %dma_start3A_193 = tpu.memref_squeeze %dma_start3A_192 : memref<1x64xi32, #tpu.memory_space<vmem>> -> memref<64xi32, #tpu.memory_space<vmem>>
          %dma_start3A_194 = arith.constant 0 : i32
          %dma_start3A_195 = arith.constant 0 : i32
          %dma_start3A_196 = tpu.memref_slice %arg2[%dma_start3A_194, %dma_start3A_195] : memref<10240x128xf32, #tpu.memory_space<hbm>> -> memref<10240x128xf32, #tpu.memory_space<hbm>>
          tpu.enqueue_indirect_dma source(%dma_start3A_196 : memref<10240x128xf32, #tpu.memory_space<hbm>>) target(%arg10 : memref<64x128xf32, #tpu.memory_space<vmem>>) offsets(%dma_start3A_193 : memref<64xi32, #tpu.memory_space<vmem>>) semaphore(%arg15 : memref<!tpu.dma_semaphore, #tpu.memory_space<semaphore_mem>>)
        } else {
        }
        %dma_wait3A_179 = arith.constant 0 : i32
        %dma_wait3A_180 = tpu.memref_slice %arg7[%add3A_163, %dma_wait3A_179] : memref<8x64xi32, #tpu.memory_space<vmem>> -> memref<1x64xi32, #tpu.memory_space<vmem>>
        %dma_wait3A_181 = tpu.memref_squeeze %dma_wait3A_180 : memref<1x64xi32, #tpu.memory_space<vmem>> -> memref<64xi32, #tpu.memory_space<vmem>>
        %dma_wait3A_182 = arith.constant 0 : i32
        %dma_wait3A_183 = arith.constant 0 : i32
        %dma_wait3A_184 = tpu.memref_slice %arg2[%dma_wait3A_182, %dma_wait3A_183] : memref<10240x128xf32, #tpu.memory_space<hbm>> -> memref<10240x128xf32, #tpu.memory_space<hbm>>
        tpu.wait_indirect_dma semaphore(%arg17 : memref<!tpu.dma_semaphore, #tpu.memory_space<semaphore_mem>>) src(%dma_wait3A_184 : memref<10240x128xf32, #tpu.memory_space<hbm>>) dst(%arg12 : memref<64x128xf32, #tpu.memory_space<vmem>>)
        %dma_start3A_185 = arith.constant 0 : i32
        %dma_start3A_186 = tpu.memref_slice %arg8[%add3A_163, %dma_start3A_185] : memref<8x64xi32, #tpu.memory_space<vmem>> -> memref<1x64xi32, #tpu.memory_space<vmem>>
        %dma_start3A_187 = tpu.memref_squeeze %dma_start3A_186 : memref<1x64xi32, #tpu.memory_space<vmem>> -> memref<64xi32, #tpu.memory_space<vmem>>
        %dma_start3A_188 = arith.constant 0 : i32
        %dma_start3A_189 = arith.constant 0 : i32
        %dma_start3A_190 = tpu.memref_slice %arg13[%dma_start3A_188, %dma_start3A_189] : memref<10240x128xf32, #tpu.memory_space<vmem_shared>> -> memref<10240x128xf32, #tpu.memory_space<vmem_shared>>
        tpu.enqueue_indirect_dma source(%arg12 : memref<64x128xf32, #tpu.memory_space<vmem>>) target(%dma_start3A_190 : memref<10240x128xf32, #tpu.memory_space<vmem_shared>>) offsets(%dma_start3A_187 : memref<64xi32, #tpu.memory_space<vmem>>) semaphore(%arg21 : memref<!tpu.dma_semaphore, #tpu.memory_space<semaphore_mem>>) {add = true}
      }
      %scan3A_43 = arith.constant 2 : i32
      %dma_wait3A = arith.constant 4 : i32
      %dma_wait3A_44 = arith.constant 0 : i32
      %dma_wait3A_45 = tpu.memref_slice %arg8[%dma_wait3A, %dma_wait3A_44] : memref<8x64xi32, #tpu.memory_space<vmem>> -> memref<1x64xi32, #tpu.memory_space<vmem>>
      %dma_wait3A_46 = tpu.memref_squeeze %dma_wait3A_45 : memref<1x64xi32, #tpu.memory_space<vmem>> -> memref<64xi32, #tpu.memory_space<vmem>>
      %dma_wait3A_47 = arith.constant 0 : i32
      %dma_wait3A_48 = arith.constant 0 : i32
      %dma_wait3A_49 = tpu.memref_slice %arg13[%dma_wait3A_47, %dma_wait3A_48] : memref<10240x128xf32, #tpu.memory_space<vmem_shared>> -> memref<10240x128xf32, #tpu.memory_space<vmem_shared>>
      tpu.wait_indirect_dma semaphore(%arg18 : memref<!tpu.dma_semaphore, #tpu.memory_space<semaphore_mem>>) src(%arg9 : memref<64x128xf32, #tpu.memory_space<vmem>>) dst(%dma_wait3A_49 : memref<10240x128xf32, #tpu.memory_space<vmem_shared>>)
      %dma_wait3A_50 = arith.constant 5 : i32
      %dma_wait3A_51 = arith.constant 0 : i32
      %dma_wait3A_52 = tpu.memref_slice %arg8[%dma_wait3A_50, %dma_wait3A_51] : memref<8x64xi32, #tpu.memory_space<vmem>> -> memref<1x64xi32, #tpu.memory_space<vmem>>
      %dma_wait3A_53 = tpu.memref_squeeze %dma_wait3A_52 : memref<1x64xi32, #tpu.memory_space<vmem>> -> memref<64xi32, #tpu.memory_space<vmem>>
      %dma_wait3A_54 = arith.constant 0 : i32
      %dma_wait3A_55 = arith.constant 0 : i32
      %dma_wait3A_56 = tpu.memref_slice %arg13[%dma_wait3A_54, %dma_wait3A_55] : memref<10240x128xf32, #tpu.memory_space<vmem_shared>> -> memref<10240x128xf32, #tpu.memory_space<vmem_shared>>
      tpu.wait_indirect_dma semaphore(%arg19 : memref<!tpu.dma_semaphore, #tpu.memory_space<semaphore_mem>>) src(%arg10 : memref<64x128xf32, #tpu.memory_space<vmem>>) dst(%dma_wait3A_56 : memref<10240x128xf32, #tpu.memory_space<vmem_shared>>)
      %dma_wait3A_57 = arith.constant 6 : i32
      %dma_wait3A_58 = arith.constant 0 : i32
      %dma_wait3A_59 = tpu.memref_slice %arg8[%dma_wait3A_57, %dma_wait3A_58] : memref<8x64xi32, #tpu.memory_space<vmem>> -> memref<1x64xi32, #tpu.memory_space<vmem>>
      %dma_wait3A_60 = tpu.memref_squeeze %dma_wait3A_59 : memref<1x64xi32, #tpu.memory_space<vmem>> -> memref<64xi32, #tpu.memory_space<vmem>>
      %dma_wait3A_61 = arith.constant 0 : i32
      %dma_wait3A_62 = arith.constant 0 : i32
      %dma_wait3A_63 = tpu.memref_slice %arg13[%dma_wait3A_61, %dma_wait3A_62] : memref<10240x128xf32, #tpu.memory_space<vmem_shared>> -> memref<10240x128xf32, #tpu.memory_space<vmem_shared>>
      tpu.wait_indirect_dma semaphore(%arg20 : memref<!tpu.dma_semaphore, #tpu.memory_space<semaphore_mem>>) src(%arg11 : memref<64x128xf32, #tpu.memory_space<vmem>>) dst(%dma_wait3A_63 : memref<10240x128xf32, #tpu.memory_space<vmem_shared>>)
      %dma_wait3A_64 = arith.constant 7 : i32
      %dma_wait3A_65 = arith.constant 0 : i32
      %dma_wait3A_66 = tpu.memref_slice %arg8[%dma_wait3A_64, %dma_wait3A_65] : memref<8x64xi32, #tpu.memory_space<vmem>> -> memref<1x64xi32, #tpu.memory_space<vmem>>
      %dma_wait3A_67 = tpu.memref_squeeze %dma_wait3A_66 : memref<1x64xi32, #tpu.memory_space<vmem>> -> memref<64xi32, #tpu.memory_space<vmem>>
      %dma_wait3A_68 = arith.constant 0 : i32
      %dma_wait3A_69 = arith.constant 0 : i32
      %dma_wait3A_70 = tpu.memref_slice %arg13[%dma_wait3A_68, %dma_wait3A_69] : memref<10240x128xf32, #tpu.memory_space<vmem_shared>> -> memref<10240x128xf32, #tpu.memory_space<vmem_shared>>
      tpu.wait_indirect_dma semaphore(%arg21 : memref<!tpu.dma_semaphore, #tpu.memory_space<semaphore_mem>>) src(%arg12 : memref<64x128xf32, #tpu.memory_space<vmem>>) dst(%dma_wait3A_70 : memref<10240x128xf32, #tpu.memory_space<vmem_shared>>)
    }
    %barrier3A_19 = arith.constant 0 : index
    tpu.barrier barrier_id(%barrier3A_19)
    "tpu.region"() ({
      %run_scoped3A = tpu.sem_alloc : memref<!tpu.dma_semaphore, #tpu.memory_space<semaphore_mem>>
      %dma_start3A = arith.constant 0 : i32
      %dma_start3A_20 = tpu.memref_slice %arg6[%arg0, %mul3A_0, %dma_start3A] : memref<2x10240x128xf32, #tpu.memory_space<hbm>> -> memref<1x640x128xf32, #tpu.memory_space<hbm>>
      %dma_start3A_21 = tpu.memref_squeeze %dma_start3A_20 : memref<1x640x128xf32, #tpu.memory_space<hbm>> -> memref<640x128xf32, #tpu.memory_space<hbm>>
      %dma_start3A_22 = arith.constant 0 : i32
      %dma_start3A_23 = tpu.memref_slice %arg13[%mul3A_0, %dma_start3A_22] : memref<10240x128xf32, #tpu.memory_space<vmem_shared>> -> memref<640x128xf32, #tpu.memory_space<vmem_shared>>
      tpu.enqueue_dma source(%dma_start3A_23 : memref<640x128xf32, #tpu.memory_space<vmem_shared>>) target(%dma_start3A_21 : memref<640x128xf32, #tpu.memory_space<hbm>>) target_semaphore(%run_scoped3A : memref<!tpu.dma_semaphore, #tpu.memory_space<semaphore_mem>>)
      %dma_wait3A = arith.constant 0 : i32
      %dma_wait3A_24 = tpu.memref_slice %arg6[%arg0, %mul3A_0, %dma_wait3A] : memref<2x10240x128xf32, #tpu.memory_space<hbm>> -> memref<1x640x128xf32, #tpu.memory_space<hbm>>
      %dma_wait3A_25 = tpu.memref_squeeze %dma_wait3A_24 : memref<1x640x128xf32, #tpu.memory_space<hbm>> -> memref<640x128xf32, #tpu.memory_space<hbm>>
      %dma_wait3A_26 = arith.constant 0 : i32
      %dma_wait3A_27 = tpu.memref_slice %arg13[%mul3A_0, %dma_wait3A_26] : memref<10240x128xf32, #tpu.memory_space<vmem_shared>> -> memref<640x128xf32, #tpu.memory_space<vmem_shared>>
      tpu.wait_dma2 semaphore(%run_scoped3A : memref<!tpu.dma_semaphore, #tpu.memory_space<semaphore_mem>>) src(%dma_wait3A_27 : memref<640x128xf32, #tpu.memory_space<vmem_shared>>) dst(%dma_wait3A_25 : memref<640x128xf32, #tpu.memory_space<hbm>>)
      tpu.yield
    }) : () -> ()
    return
  }
}

#map = affine_map<(d0, d1) -> (0, 0)>
#map1 = affine_map<(d0, d1) -> (0, 0, 0)>
module attributes {stable_mosaic.version = 14 : i64} {
  func.func @_sc_edge_agg(%arg0: i32, %arg1: i32, %arg2: memref<10240x128xf32, #tpu.memory_space<hbm>>, %arg3: memref<5120x64xi32, #tpu.memory_space<hbm>>, %arg4: memref<5120x64xi32, #tpu.memory_space<hbm>>, %arg5: memref<640x128xf32, #tpu.memory_space<hbm>>, %arg6: memref<2x10240x128xf32, #tpu.memory_space<hbm>>, %arg7: memref<8x64xi32, #tpu.memory_space<vmem>>, %arg8: memref<8x64xi32, #tpu.memory_space<vmem>>, %arg9: memref<64x128xf32, #tpu.memory_space<vmem>>, %arg10: memref<64x128xf32, #tpu.memory_space<vmem>>, %arg11: memref<64x128xf32, #tpu.memory_space<vmem>>, %arg12: memref<64x128xf32, #tpu.memory_space<vmem>>, %arg13: memref<10240x128xf32, #tpu.memory_space<vmem_shared>>, %arg14: memref<!tpu.dma_semaphore, #tpu.memory_space<semaphore_mem>>, %arg15: memref<!tpu.dma_semaphore, #tpu.memory_space<semaphore_mem>>, %arg16: memref<!tpu.dma_semaphore, #tpu.memory_space<semaphore_mem>>, %arg17: memref<!tpu.dma_semaphore, #tpu.memory_space<semaphore_mem>>, %arg18: memref<!tpu.dma_semaphore, #tpu.memory_space<semaphore_mem>>, %arg19: memref<!tpu.dma_semaphore, #tpu.memory_space<semaphore_mem>>, %arg20: memref<!tpu.dma_semaphore, #tpu.memory_space<semaphore_mem>>, %arg21: memref<!tpu.dma_semaphore, #tpu.memory_space<semaphore_mem>>) attributes {dimension_semantics = [#tpu.dimension_semantics<core_parallel>, #tpu.dimension_semantics<subcore_parallel>], iteration_bounds = array<i64: 2, 16>, scalar_prefetch = 0 : i64, scratch_operands = 15 : i64, tpu.core_type = #tpu.core_type<sc_vector_subcore>, window_params = [{transform_indices = #map}, {transform_indices = #map}, {transform_indices = #map}, {transform_indices = #map}, {transform_indices = #map1}]} {
    %mul3A = arith.constant 640 : i32
    %mul3A_0 = arith.muli %arg1, %mul3A : i32
    %eq3A = arith.constant 0 : i32
    %eq3A_1 = arith.cmpi eq, %arg0, %eq3A : i32
    %jit3A = arith.constant 39 : i32
    %jit3A_2 = arith.constant 1 : i32
    %select_n3A = arith.select %eq3A_1, %jit3A, %jit3A_2 : i32
    %eq3A_3 = arith.constant 0 : i32
    %eq3A_4 = arith.cmpi eq, %arg0, %eq3A_3 : i32
    %mul3A_5 = arith.constant 312 : i32
    %mul3A_6 = arith.muli %arg1, %mul3A_5 : i32
    %mul3A_7 = arith.constant 8 : i32
    %mul3A_8 = arith.muli %arg1, %mul3A_7 : i32
    %add3A = arith.constant 4992 : i32
    %add3A_9 = arith.addi %add3A, %mul3A_8 : i32
    %select_n3A_10 = arith.select %eq3A_4, %mul3A_6, %add3A_9 : i32
    "tpu.region"() ({
      %run_scoped3A = tpu.sem_alloc : memref<!tpu.dma_semaphore, #tpu.memory_space<semaphore_mem>>
      %dma_start3A = arith.constant 0 : i32
      %dma_start3A_20 = tpu.memref_slice %arg13[%mul3A_0, %dma_start3A] : memref<10240x128xf32, #tpu.memory_space<vmem_shared>> -> memref<640x128xf32, #tpu.memory_space<vmem_shared>>
      tpu.enqueue_dma source(%arg5 : memref<640x128xf32, #tpu.memory_space<hbm>>) target(%dma_start3A_20 : memref<640x128xf32, #tpu.memory_space<vmem_shared>>) target_semaphore(%run_scoped3A : memref<!tpu.dma_semaphore, #tpu.memory_space<semaphore_mem>>)
      %dma_wait3A = arith.constant 0 : i32
      %dma_wait3A_21 = tpu.memref_slice %arg13[%mul3A_0, %dma_wait3A] : memref<10240x128xf32, #tpu.memory_space<vmem_shared>> -> memref<640x128xf32, #tpu.memory_space<vmem_shared>>
      tpu.wait_dma2 semaphore(%run_scoped3A : memref<!tpu.dma_semaphore, #tpu.memory_space<semaphore_mem>>) src(%arg5 : memref<640x128xf32, #tpu.memory_space<hbm>>) dst(%dma_wait3A_21 : memref<640x128xf32, #tpu.memory_space<vmem_shared>>)
      tpu.yield
    }) : () -> ()
    %barrier3A = arith.constant 0 : index
    tpu.barrier barrier_id(%barrier3A)
    %while3A = arith.constant 0 : i32
    %while3A_11 = arith.subi %select_n3A, %while3A : i32
    %while3A_12 = arith.addi %while3A, %while3A_11 : i32
    %while3A_13 = arith.constant 1 : i32
    %while3A_14 = arith.divsi %while3A_11, %while3A_13 : i32
    %while3A_15 = arith.muli %while3A_14, %while3A_13 : i32
    %while3A_16 = arith.addi %while3A, %while3A_15 : i32
    %while3A_17 = arith.constant 1 : i32
    scf.for %while3A_20 = %while3A to %while3A_16 step %while3A_17  : i32 {
      %mul3A_21 = arith.constant 8 : i32
      %mul3A_22 = arith.muli %while3A_20, %mul3A_21 : i32
      %add3A_23 = arith.addi %select_n3A_10, %mul3A_22 : i32
      "tpu.region"() ({
        %run_scoped3A = tpu.sem_alloc : memref<!tpu.dma_semaphore, #tpu.memory_space<semaphore_mem>>
        %dma_start3A_71 = arith.constant 0 : i32
        %dma_start3A_72 = tpu.memref_slice %arg3[%add3A_23, %dma_start3A_71] : memref<5120x64xi32, #tpu.memory_space<hbm>> -> memref<8x64xi32, #tpu.memory_space<hbm>>
        %dma_start3A_73 = arith.constant 0 : i32
        %dma_start3A_74 = tpu.memref_slice %arg3[%add3A_23, %dma_start3A_73] : memref<5120x64xi32, #tpu.memory_space<hbm>> -> memref<8x64xi32, #tpu.memory_space<hbm>>
        tpu.enqueue_dma source(%dma_start3A_74 : memref<8x64xi32, #tpu.memory_space<hbm>>) target(%arg7 : memref<8x64xi32, #tpu.memory_space<vmem>>) target_semaphore(%run_scoped3A : memref<!tpu.dma_semaphore, #tpu.memory_space<semaphore_mem>>)
        %dma_wait3A_75 = arith.constant 0 : i32
        %dma_wait3A_76 = tpu.memref_slice %arg3[%add3A_23, %dma_wait3A_75] : memref<5120x64xi32, #tpu.memory_space<hbm>> -> memref<8x64xi32, #tpu.memory_space<hbm>>
        %dma_wait3A_77 = arith.constant 0 : i32
        %dma_wait3A_78 = tpu.memref_slice %arg3[%add3A_23, %dma_wait3A_77] : memref<5120x64xi32, #tpu.memory_space<hbm>> -> memref<8x64xi32, #tpu.memory_space<hbm>>
        tpu.wait_dma2 semaphore(%run_scoped3A : memref<!tpu.dma_semaphore, #tpu.memory_space<semaphore_mem>>) src(%dma_wait3A_78 : memref<8x64xi32, #tpu.memory_space<hbm>>) dst(%arg7 : memref<8x64xi32, #tpu.memory_space<vmem>>)
        tpu.yield
      }) : () -> ()
      %mul3A_24 = arith.constant 8 : i32
      %mul3A_25 = arith.muli %while3A_20, %mul3A_24 : i32
      %add3A_26 = arith.addi %select_n3A_10, %mul3A_25 : i32
      "tpu.region"() ({
        %run_scoped3A = tpu.sem_alloc : memref<!tpu.dma_semaphore, #tpu.memory_space<semaphore_mem>>
        %dma_start3A_71 = arith.constant 0 : i32
        %dma_start3A_72 = tpu.memref_slice %arg4[%add3A_26, %dma_start3A_71] : memref<5120x64xi32, #tpu.memory_space<hbm>> -> memref<8x64xi32, #tpu.memory_space<hbm>>
        %dma_start3A_73 = arith.constant 0 : i32
        %dma_start3A_74 = tpu.memref_slice %arg4[%add3A_26, %dma_start3A_73] : memref<5120x64xi32, #tpu.memory_space<hbm>> -> memref<8x64xi32, #tpu.memory_space<hbm>>
        tpu.enqueue_dma source(%dma_start3A_74 : memref<8x64xi32, #tpu.memory_space<hbm>>) target(%arg8 : memref<8x64xi32, #tpu.memory_space<vmem>>) target_semaphore(%run_scoped3A : memref<!tpu.dma_semaphore, #tpu.memory_space<semaphore_mem>>)
        %dma_wait3A_75 = arith.constant 0 : i32
        %dma_wait3A_76 = tpu.memref_slice %arg4[%add3A_26, %dma_wait3A_75] : memref<5120x64xi32, #tpu.memory_space<hbm>> -> memref<8x64xi32, #tpu.memory_space<hbm>>
        %dma_wait3A_77 = arith.constant 0 : i32
        %dma_wait3A_78 = tpu.memref_slice %arg4[%add3A_26, %dma_wait3A_77] : memref<5120x64xi32, #tpu.memory_space<hbm>> -> memref<8x64xi32, #tpu.memory_space<hbm>>
        tpu.wait_dma2 semaphore(%run_scoped3A : memref<!tpu.dma_semaphore, #tpu.memory_space<semaphore_mem>>) src(%dma_wait3A_78 : memref<8x64xi32, #tpu.memory_space<hbm>>) dst(%arg8 : memref<8x64xi32, #tpu.memory_space<vmem>>)
        tpu.yield
      }) : () -> ()
      %dma_start3A = arith.constant 0 : i32
      %dma_start3A_27 = arith.constant 0 : i32
      %dma_start3A_28 = tpu.memref_slice %arg7[%dma_start3A, %dma_start3A_27] : memref<8x64xi32, #tpu.memory_space<vmem>> -> memref<1x64xi32, #tpu.memory_space<vmem>>
      %dma_start3A_29 = tpu.memref_squeeze %dma_start3A_28 : memref<1x64xi32, #tpu.memory_space<vmem>> -> memref<64xi32, #tpu.memory_space<vmem>>
      %dma_start3A_30 = arith.constant 0 : i32
      %dma_start3A_31 = arith.constant 0 : i32
      %dma_start3A_32 = tpu.memref_slice %arg2[%dma_start3A_30, %dma_start3A_31] : memref<10240x128xf32, #tpu.memory_space<hbm>> -> memref<10240x128xf32, #tpu.memory_space<hbm>>
      tpu.enqueue_indirect_dma source(%dma_start3A_32 : memref<10240x128xf32, #tpu.memory_space<hbm>>) target(%arg9 : memref<64x128xf32, #tpu.memory_space<vmem>>) offsets(%dma_start3A_29 : memref<64xi32, #tpu.memory_space<vmem>>) semaphore(%arg14 : memref<!tpu.dma_semaphore, #tpu.memory_space<semaphore_mem>>)
      %dma_start3A_33 = arith.constant 1 : i32
      %dma_start3A_34 = arith.constant 0 : i32
      %dma_start3A_35 = tpu.memref_slice %arg7[%dma_start3A_33, %dma_start3A_34] : memref<8x64xi32, #tpu.memory_space<vmem>> -> memref<1x64xi32, #tpu.memory_space<vmem>>
      %dma_start3A_36 = tpu.memref_squeeze %dma_start3A_35 : memref<1x64xi32, #tpu.memory_space<vmem>> -> memref<64xi32, #tpu.memory_space<vmem>>
      %dma_start3A_37 = arith.constant 0 : i32
      %dma_start3A_38 = arith.constant 0 : i32
      %dma_start3A_39 = tpu.memref_slice %arg2[%dma_start3A_37, %dma_start3A_38] : memref<10240x128xf32, #tpu.memory_space<hbm>> -> memref<10240x128xf32, #tpu.memory_space<hbm>>
      tpu.enqueue_indirect_dma source(%dma_start3A_39 : memref<10240x128xf32, #tpu.memory_space<hbm>>) target(%arg10 : memref<64x128xf32, #tpu.memory_space<vmem>>) offsets(%dma_start3A_36 : memref<64xi32, #tpu.memory_space<vmem>>) semaphore(%arg15 : memref<!tpu.dma_semaphore, #tpu.memory_space<semaphore_mem>>)
      %scan3A = arith.constant 0 : i32
      %scan3A_40 = arith.constant 2 : i32
      %scan3A_41 = arith.addi %scan3A, %scan3A_40 : i32
      %scan3A_42 = arith.constant 1 : i32
      scf.for %scan3A_71 = %scan3A to %scan3A_41 step %scan3A_42  : i32 {
        %mul3A_72 = arith.constant 4 : i32
        %mul3A_73 = arith.muli %mul3A_72, %scan3A_71 : i32
        %add3A_74 = arith.constant 0 : i32
        %add3A_75 = arith.addi %mul3A_73, %add3A_74 : i32
        %add3A_76 = arith.constant 2 : i32
        %add3A_77 = arith.addi %add3A_75, %add3A_76 : i32
        %ge3A = arith.constant 4 : i32
        %ge3A_78 = arith.cmpi sge, %add3A_77, %ge3A : i32
        %lt3A = arith.constant 8 : i32
        %lt3A_79 = arith.cmpi slt, %add3A_77, %lt3A : i32
        %and3A = arith.andi %ge3A_78, %lt3A_79 : i1
        %convert_element_type3A = arith.extui %and3A : i1 to i32
        %cond3A = arith.constant 0 : i32
        %cond3A_80 = arith.cmpi ne, %convert_element_type3A, %cond3A : i32
        scf.if %cond3A_80 {
          %sub3A = arith.constant 4 : i32
          %sub3A_191 = arith.subi %add3A_77, %sub3A : i32
          %dma_wait3A_192 = arith.constant 0 : i32
          %dma_wait3A_193 = tpu.memref_slice %arg8[%sub3A_191, %dma_wait3A_192] : memref<8x64xi32, #tpu.memory_space<vmem>> -> memref<1x64xi32, #tpu.memory_space<vmem>>
          %dma_wait3A_194 = tpu.memref_squeeze %dma_wait3A_193 : memref<1x64xi32, #tpu.memory_space<vmem>> -> memref<64xi32, #tpu.memory_space<vmem>>
          %dma_wait3A_195 = arith.constant 0 : i32
          %dma_wait3A_196 = arith.constant 0 : i32
          %dma_wait3A_197 = tpu.memref_slice %arg13[%dma_wait3A_195, %dma_wait3A_196] : memref<10240x128xf32, #tpu.memory_space<vmem_shared>> -> memref<10240x128xf32, #tpu.memory_space<vmem_shared>>
          tpu.wait_indirect_dma semaphore(%arg20 : memref<!tpu.dma_semaphore, #tpu.memory_space<semaphore_mem>>) src(%arg11 : memref<64x128xf32, #tpu.memory_space<vmem>>) dst(%dma_wait3A_197 : memref<10240x128xf32, #tpu.memory_space<vmem_shared>>)
        } else {
        }
        %lt3A_81 = arith.constant 8 : i32
        %lt3A_82 = arith.cmpi slt, %add3A_77, %lt3A_81 : i32
        %convert_element_type3A_83 = arith.extui %lt3A_82 : i1 to i32
        %cond3A_84 = arith.constant 0 : i32
        %cond3A_85 = arith.cmpi ne, %convert_element_type3A_83, %cond3A_84 : i32
        scf.if %cond3A_85 {
          %dma_start3A_191 = arith.constant 0 : i32
          %dma_start3A_192 = tpu.memref_slice %arg7[%add3A_77, %dma_start3A_191] : memref<8x64xi32, #tpu.memory_space<vmem>> -> memref<1x64xi32, #tpu.memory_space<vmem>>
          %dma_start3A_193 = tpu.memref_squeeze %dma_start3A_192 : memref<1x64xi32, #tpu.memory_space<vmem>> -> memref<64xi32, #tpu.memory_space<vmem>>
          %dma_start3A_194 = arith.constant 0 : i32
          %dma_start3A_195 = arith.constant 0 : i32
          %dma_start3A_196 = tpu.memref_slice %arg2[%dma_start3A_194, %dma_start3A_195] : memref<10240x128xf32, #tpu.memory_space<hbm>> -> memref<10240x128xf32, #tpu.memory_space<hbm>>
          tpu.enqueue_indirect_dma source(%dma_start3A_196 : memref<10240x128xf32, #tpu.memory_space<hbm>>) target(%arg11 : memref<64x128xf32, #tpu.memory_space<vmem>>) offsets(%dma_start3A_193 : memref<64xi32, #tpu.memory_space<vmem>>) semaphore(%arg16 : memref<!tpu.dma_semaphore, #tpu.memory_space<semaphore_mem>>)
        } else {
        }
        %dma_wait3A_86 = arith.constant 0 : i32
        %dma_wait3A_87 = tpu.memref_slice %arg7[%add3A_75, %dma_wait3A_86] : memref<8x64xi32, #tpu.memory_space<vmem>> -> memref<1x64xi32, #tpu.memory_space<vmem>>
        %dma_wait3A_88 = tpu.memref_squeeze %dma_wait3A_87 : memref<1x64xi32, #tpu.memory_space<vmem>> -> memref<64xi32, #tpu.memory_space<vmem>>
        %dma_wait3A_89 = arith.constant 0 : i32
        %dma_wait3A_90 = arith.constant 0 : i32
        %dma_wait3A_91 = tpu.memref_slice %arg2[%dma_wait3A_89, %dma_wait3A_90] : memref<10240x128xf32, #tpu.memory_space<hbm>> -> memref<10240x128xf32, #tpu.memory_space<hbm>>
        tpu.wait_indirect_dma semaphore(%arg14 : memref<!tpu.dma_semaphore, #tpu.memory_space<semaphore_mem>>) src(%dma_wait3A_91 : memref<10240x128xf32, #tpu.memory_space<hbm>>) dst(%arg9 : memref<64x128xf32, #tpu.memory_space<vmem>>)
        %dma_start3A_92 = arith.constant 0 : i32
        %dma_start3A_93 = tpu.memref_slice %arg8[%add3A_75, %dma_start3A_92] : memref<8x64xi32, #tpu.memory_space<vmem>> -> memref<1x64xi32, #tpu.memory_space<vmem>>
        %dma_start3A_94 = tpu.memref_squeeze %dma_start3A_93 : memref<1x64xi32, #tpu.memory_space<vmem>> -> memref<64xi32, #tpu.memory_space<vmem>>
        %dma_start3A_95 = arith.constant 0 : i32
        %dma_start3A_96 = arith.constant 0 : i32
        %dma_start3A_97 = tpu.memref_slice %arg13[%dma_start3A_95, %dma_start3A_96] : memref<10240x128xf32, #tpu.memory_space<vmem_shared>> -> memref<10240x128xf32, #tpu.memory_space<vmem_shared>>
        tpu.enqueue_indirect_dma source(%arg9 : memref<64x128xf32, #tpu.memory_space<vmem>>) target(%dma_start3A_97 : memref<10240x128xf32, #tpu.memory_space<vmem_shared>>) offsets(%dma_start3A_94 : memref<64xi32, #tpu.memory_space<vmem>>) semaphore(%arg18 : memref<!tpu.dma_semaphore, #tpu.memory_space<semaphore_mem>>) {add = true}
        %mul3A_98 = arith.constant 4 : i32
        %mul3A_99 = arith.muli %mul3A_98, %scan3A_71 : i32
        %add3A_100 = arith.constant 1 : i32
        %add3A_101 = arith.addi %mul3A_99, %add3A_100 : i32
        %add3A_102 = arith.constant 2 : i32
        %add3A_103 = arith.addi %add3A_101, %add3A_102 : i32
        %ge3A_104 = arith.constant 4 : i32
        %ge3A_105 = arith.cmpi sge, %add3A_103, %ge3A_104 : i32
        %lt3A_106 = arith.constant 8 : i32
        %lt3A_107 = arith.cmpi slt, %add3A_103, %lt3A_106 : i32
        %and3A_108 = arith.andi %ge3A_105, %lt3A_107 : i1
        %convert_element_type3A_109 = arith.extui %and3A_108 : i1 to i32
        %cond3A_110 = arith.constant 0 : i32
        %cond3A_111 = arith.cmpi ne, %convert_element_type3A_109, %cond3A_110 : i32
        scf.if %cond3A_111 {
          %sub3A = arith.constant 4 : i32
          %sub3A_191 = arith.subi %add3A_103, %sub3A : i32
          %dma_wait3A_192 = arith.constant 0 : i32
          %dma_wait3A_193 = tpu.memref_slice %arg8[%sub3A_191, %dma_wait3A_192] : memref<8x64xi32, #tpu.memory_space<vmem>> -> memref<1x64xi32, #tpu.memory_space<vmem>>
          %dma_wait3A_194 = tpu.memref_squeeze %dma_wait3A_193 : memref<1x64xi32, #tpu.memory_space<vmem>> -> memref<64xi32, #tpu.memory_space<vmem>>
          %dma_wait3A_195 = arith.constant 0 : i32
          %dma_wait3A_196 = arith.constant 0 : i32
          %dma_wait3A_197 = tpu.memref_slice %arg13[%dma_wait3A_195, %dma_wait3A_196] : memref<10240x128xf32, #tpu.memory_space<vmem_shared>> -> memref<10240x128xf32, #tpu.memory_space<vmem_shared>>
          tpu.wait_indirect_dma semaphore(%arg21 : memref<!tpu.dma_semaphore, #tpu.memory_space<semaphore_mem>>) src(%arg12 : memref<64x128xf32, #tpu.memory_space<vmem>>) dst(%dma_wait3A_197 : memref<10240x128xf32, #tpu.memory_space<vmem_shared>>)
        } else {
        }
        %lt3A_112 = arith.constant 8 : i32
        %lt3A_113 = arith.cmpi slt, %add3A_103, %lt3A_112 : i32
        %convert_element_type3A_114 = arith.extui %lt3A_113 : i1 to i32
        %cond3A_115 = arith.constant 0 : i32
        %cond3A_116 = arith.cmpi ne, %convert_element_type3A_114, %cond3A_115 : i32
        scf.if %cond3A_116 {
          %dma_start3A_191 = arith.constant 0 : i32
          %dma_start3A_192 = tpu.memref_slice %arg7[%add3A_103, %dma_start3A_191] : memref<8x64xi32, #tpu.memory_space<vmem>> -> memref<1x64xi32, #tpu.memory_space<vmem>>
          %dma_start3A_193 = tpu.memref_squeeze %dma_start3A_192 : memref<1x64xi32, #tpu.memory_space<vmem>> -> memref<64xi32, #tpu.memory_space<vmem>>
          %dma_start3A_194 = arith.constant 0 : i32
          %dma_start3A_195 = arith.constant 0 : i32
          %dma_start3A_196 = tpu.memref_slice %arg2[%dma_start3A_194, %dma_start3A_195] : memref<10240x128xf32, #tpu.memory_space<hbm>> -> memref<10240x128xf32, #tpu.memory_space<hbm>>
          tpu.enqueue_indirect_dma source(%dma_start3A_196 : memref<10240x128xf32, #tpu.memory_space<hbm>>) target(%arg12 : memref<64x128xf32, #tpu.memory_space<vmem>>) offsets(%dma_start3A_193 : memref<64xi32, #tpu.memory_space<vmem>>) semaphore(%arg17 : memref<!tpu.dma_semaphore, #tpu.memory_space<semaphore_mem>>)
        } else {
        }
        %dma_wait3A_117 = arith.constant 0 : i32
        %dma_wait3A_118 = tpu.memref_slice %arg7[%add3A_101, %dma_wait3A_117] : memref<8x64xi32, #tpu.memory_space<vmem>> -> memref<1x64xi32, #tpu.memory_space<vmem>>
        %dma_wait3A_119 = tpu.memref_squeeze %dma_wait3A_118 : memref<1x64xi32, #tpu.memory_space<vmem>> -> memref<64xi32, #tpu.memory_space<vmem>>
        %dma_wait3A_120 = arith.constant 0 : i32
        %dma_wait3A_121 = arith.constant 0 : i32
        %dma_wait3A_122 = tpu.memref_slice %arg2[%dma_wait3A_120, %dma_wait3A_121] : memref<10240x128xf32, #tpu.memory_space<hbm>> -> memref<10240x128xf32, #tpu.memory_space<hbm>>
        tpu.wait_indirect_dma semaphore(%arg15 : memref<!tpu.dma_semaphore, #tpu.memory_space<semaphore_mem>>) src(%dma_wait3A_122 : memref<10240x128xf32, #tpu.memory_space<hbm>>) dst(%arg10 : memref<64x128xf32, #tpu.memory_space<vmem>>)
        %dma_start3A_123 = arith.constant 0 : i32
        %dma_start3A_124 = tpu.memref_slice %arg8[%add3A_101, %dma_start3A_123] : memref<8x64xi32, #tpu.memory_space<vmem>> -> memref<1x64xi32, #tpu.memory_space<vmem>>
        %dma_start3A_125 = tpu.memref_squeeze %dma_start3A_124 : memref<1x64xi32, #tpu.memory_space<vmem>> -> memref<64xi32, #tpu.memory_space<vmem>>
        %dma_start3A_126 = arith.constant 0 : i32
        %dma_start3A_127 = arith.constant 0 : i32
        %dma_start3A_128 = tpu.memref_slice %arg13[%dma_start3A_126, %dma_start3A_127] : memref<10240x128xf32, #tpu.memory_space<vmem_shared>> -> memref<10240x128xf32, #tpu.memory_space<vmem_shared>>
        tpu.enqueue_indirect_dma source(%arg10 : memref<64x128xf32, #tpu.memory_space<vmem>>) target(%dma_start3A_128 : memref<10240x128xf32, #tpu.memory_space<vmem_shared>>) offsets(%dma_start3A_125 : memref<64xi32, #tpu.memory_space<vmem>>) semaphore(%arg19 : memref<!tpu.dma_semaphore, #tpu.memory_space<semaphore_mem>>) {add = true}
        %mul3A_129 = arith.constant 4 : i32
        %mul3A_130 = arith.muli %mul3A_129, %scan3A_71 : i32
        %add3A_131 = arith.constant 2 : i32
        %add3A_132 = arith.addi %mul3A_130, %add3A_131 : i32
        %add3A_133 = arith.constant 2 : i32
        %add3A_134 = arith.addi %add3A_132, %add3A_133 : i32
        %ge3A_135 = arith.constant 4 : i32
        %ge3A_136 = arith.cmpi sge, %add3A_134, %ge3A_135 : i32
        %lt3A_137 = arith.constant 8 : i32
        %lt3A_138 = arith.cmpi slt, %add3A_134, %lt3A_137 : i32
        %and3A_139 = arith.andi %ge3A_136, %lt3A_138 : i1
        %convert_element_type3A_140 = arith.extui %and3A_139 : i1 to i32
        %cond3A_141 = arith.constant 0 : i32
        %cond3A_142 = arith.cmpi ne, %convert_element_type3A_140, %cond3A_141 : i32
        scf.if %cond3A_142 {
          %sub3A = arith.constant 4 : i32
          %sub3A_191 = arith.subi %add3A_134, %sub3A : i32
          %dma_wait3A_192 = arith.constant 0 : i32
          %dma_wait3A_193 = tpu.memref_slice %arg8[%sub3A_191, %dma_wait3A_192] : memref<8x64xi32, #tpu.memory_space<vmem>> -> memref<1x64xi32, #tpu.memory_space<vmem>>
          %dma_wait3A_194 = tpu.memref_squeeze %dma_wait3A_193 : memref<1x64xi32, #tpu.memory_space<vmem>> -> memref<64xi32, #tpu.memory_space<vmem>>
          %dma_wait3A_195 = arith.constant 0 : i32
          %dma_wait3A_196 = arith.constant 0 : i32
          %dma_wait3A_197 = tpu.memref_slice %arg13[%dma_wait3A_195, %dma_wait3A_196] : memref<10240x128xf32, #tpu.memory_space<vmem_shared>> -> memref<10240x128xf32, #tpu.memory_space<vmem_shared>>
          tpu.wait_indirect_dma semaphore(%arg18 : memref<!tpu.dma_semaphore, #tpu.memory_space<semaphore_mem>>) src(%arg9 : memref<64x128xf32, #tpu.memory_space<vmem>>) dst(%dma_wait3A_197 : memref<10240x128xf32, #tpu.memory_space<vmem_shared>>)
        } else {
        }
        %lt3A_143 = arith.constant 8 : i32
        %lt3A_144 = arith.cmpi slt, %add3A_134, %lt3A_143 : i32
        %convert_element_type3A_145 = arith.extui %lt3A_144 : i1 to i32
        %cond3A_146 = arith.constant 0 : i32
        %cond3A_147 = arith.cmpi ne, %convert_element_type3A_145, %cond3A_146 : i32
        scf.if %cond3A_147 {
          %dma_start3A_191 = arith.constant 0 : i32
          %dma_start3A_192 = tpu.memref_slice %arg7[%add3A_134, %dma_start3A_191] : memref<8x64xi32, #tpu.memory_space<vmem>> -> memref<1x64xi32, #tpu.memory_space<vmem>>
          %dma_start3A_193 = tpu.memref_squeeze %dma_start3A_192 : memref<1x64xi32, #tpu.memory_space<vmem>> -> memref<64xi32, #tpu.memory_space<vmem>>
          %dma_start3A_194 = arith.constant 0 : i32
          %dma_start3A_195 = arith.constant 0 : i32
          %dma_start3A_196 = tpu.memref_slice %arg2[%dma_start3A_194, %dma_start3A_195] : memref<10240x128xf32, #tpu.memory_space<hbm>> -> memref<10240x128xf32, #tpu.memory_space<hbm>>
          tpu.enqueue_indirect_dma source(%dma_start3A_196 : memref<10240x128xf32, #tpu.memory_space<hbm>>) target(%arg9 : memref<64x128xf32, #tpu.memory_space<vmem>>) offsets(%dma_start3A_193 : memref<64xi32, #tpu.memory_space<vmem>>) semaphore(%arg14 : memref<!tpu.dma_semaphore, #tpu.memory_space<semaphore_mem>>)
        } else {
        }
        %dma_wait3A_148 = arith.constant 0 : i32
        %dma_wait3A_149 = tpu.memref_slice %arg7[%add3A_132, %dma_wait3A_148] : memref<8x64xi32, #tpu.memory_space<vmem>> -> memref<1x64xi32, #tpu.memory_space<vmem>>
        %dma_wait3A_150 = tpu.memref_squeeze %dma_wait3A_149 : memref<1x64xi32, #tpu.memory_space<vmem>> -> memref<64xi32, #tpu.memory_space<vmem>>
        %dma_wait3A_151 = arith.constant 0 : i32
        %dma_wait3A_152 = arith.constant 0 : i32
        %dma_wait3A_153 = tpu.memref_slice %arg2[%dma_wait3A_151, %dma_wait3A_152] : memref<10240x128xf32, #tpu.memory_space<hbm>> -> memref<10240x128xf32, #tpu.memory_space<hbm>>
        tpu.wait_indirect_dma semaphore(%arg16 : memref<!tpu.dma_semaphore, #tpu.memory_space<semaphore_mem>>) src(%dma_wait3A_153 : memref<10240x128xf32, #tpu.memory_space<hbm>>) dst(%arg11 : memref<64x128xf32, #tpu.memory_space<vmem>>)
        %dma_start3A_154 = arith.constant 0 : i32
        %dma_start3A_155 = tpu.memref_slice %arg8[%add3A_132, %dma_start3A_154] : memref<8x64xi32, #tpu.memory_space<vmem>> -> memref<1x64xi32, #tpu.memory_space<vmem>>
        %dma_start3A_156 = tpu.memref_squeeze %dma_start3A_155 : memref<1x64xi32, #tpu.memory_space<vmem>> -> memref<64xi32, #tpu.memory_space<vmem>>
        %dma_start3A_157 = arith.constant 0 : i32
        %dma_start3A_158 = arith.constant 0 : i32
        %dma_start3A_159 = tpu.memref_slice %arg13[%dma_start3A_157, %dma_start3A_158] : memref<10240x128xf32, #tpu.memory_space<vmem_shared>> -> memref<10240x128xf32, #tpu.memory_space<vmem_shared>>
        tpu.enqueue_indirect_dma source(%arg11 : memref<64x128xf32, #tpu.memory_space<vmem>>) target(%dma_start3A_159 : memref<10240x128xf32, #tpu.memory_space<vmem_shared>>) offsets(%dma_start3A_156 : memref<64xi32, #tpu.memory_space<vmem>>) semaphore(%arg20 : memref<!tpu.dma_semaphore, #tpu.memory_space<semaphore_mem>>) {add = true}
        %mul3A_160 = arith.constant 4 : i32
        %mul3A_161 = arith.muli %mul3A_160, %scan3A_71 : i32
        %add3A_162 = arith.constant 3 : i32
        %add3A_163 = arith.addi %mul3A_161, %add3A_162 : i32
        %add3A_164 = arith.constant 2 : i32
        %add3A_165 = arith.addi %add3A_163, %add3A_164 : i32
        %ge3A_166 = arith.constant 4 : i32
        %ge3A_167 = arith.cmpi sge, %add3A_165, %ge3A_166 : i32
        %lt3A_168 = arith.constant 8 : i32
        %lt3A_169 = arith.cmpi slt, %add3A_165, %lt3A_168 : i32
        %and3A_170 = arith.andi %ge3A_167, %lt3A_169 : i1
        %convert_element_type3A_171 = arith.extui %and3A_170 : i1 to i32
        %cond3A_172 = arith.constant 0 : i32
        %cond3A_173 = arith.cmpi ne, %convert_element_type3A_171, %cond3A_172 : i32
        scf.if %cond3A_173 {
          %sub3A = arith.constant 4 : i32
          %sub3A_191 = arith.subi %add3A_165, %sub3A : i32
          %dma_wait3A_192 = arith.constant 0 : i32
          %dma_wait3A_193 = tpu.memref_slice %arg8[%sub3A_191, %dma_wait3A_192] : memref<8x64xi32, #tpu.memory_space<vmem>> -> memref<1x64xi32, #tpu.memory_space<vmem>>
          %dma_wait3A_194 = tpu.memref_squeeze %dma_wait3A_193 : memref<1x64xi32, #tpu.memory_space<vmem>> -> memref<64xi32, #tpu.memory_space<vmem>>
          %dma_wait3A_195 = arith.constant 0 : i32
          %dma_wait3A_196 = arith.constant 0 : i32
          %dma_wait3A_197 = tpu.memref_slice %arg13[%dma_wait3A_195, %dma_wait3A_196] : memref<10240x128xf32, #tpu.memory_space<vmem_shared>> -> memref<10240x128xf32, #tpu.memory_space<vmem_shared>>
          tpu.wait_indirect_dma semaphore(%arg19 : memref<!tpu.dma_semaphore, #tpu.memory_space<semaphore_mem>>) src(%arg10 : memref<64x128xf32, #tpu.memory_space<vmem>>) dst(%dma_wait3A_197 : memref<10240x128xf32, #tpu.memory_space<vmem_shared>>)
        } else {
        }
        %lt3A_174 = arith.constant 8 : i32
        %lt3A_175 = arith.cmpi slt, %add3A_165, %lt3A_174 : i32
        %convert_element_type3A_176 = arith.extui %lt3A_175 : i1 to i32
        %cond3A_177 = arith.constant 0 : i32
        %cond3A_178 = arith.cmpi ne, %convert_element_type3A_176, %cond3A_177 : i32
        scf.if %cond3A_178 {
          %dma_start3A_191 = arith.constant 0 : i32
          %dma_start3A_192 = tpu.memref_slice %arg7[%add3A_165, %dma_start3A_191] : memref<8x64xi32, #tpu.memory_space<vmem>> -> memref<1x64xi32, #tpu.memory_space<vmem>>
          %dma_start3A_193 = tpu.memref_squeeze %dma_start3A_192 : memref<1x64xi32, #tpu.memory_space<vmem>> -> memref<64xi32, #tpu.memory_space<vmem>>
          %dma_start3A_194 = arith.constant 0 : i32
          %dma_start3A_195 = arith.constant 0 : i32
          %dma_start3A_196 = tpu.memref_slice %arg2[%dma_start3A_194, %dma_start3A_195] : memref<10240x128xf32, #tpu.memory_space<hbm>> -> memref<10240x128xf32, #tpu.memory_space<hbm>>
          tpu.enqueue_indirect_dma source(%dma_start3A_196 : memref<10240x128xf32, #tpu.memory_space<hbm>>) target(%arg10 : memref<64x128xf32, #tpu.memory_space<vmem>>) offsets(%dma_start3A_193 : memref<64xi32, #tpu.memory_space<vmem>>) semaphore(%arg15 : memref<!tpu.dma_semaphore, #tpu.memory_space<semaphore_mem>>)
        } else {
        }
        %dma_wait3A_179 = arith.constant 0 : i32
        %dma_wait3A_180 = tpu.memref_slice %arg7[%add3A_163, %dma_wait3A_179] : memref<8x64xi32, #tpu.memory_space<vmem>> -> memref<1x64xi32, #tpu.memory_space<vmem>>
        %dma_wait3A_181 = tpu.memref_squeeze %dma_wait3A_180 : memref<1x64xi32, #tpu.memory_space<vmem>> -> memref<64xi32, #tpu.memory_space<vmem>>
        %dma_wait3A_182 = arith.constant 0 : i32
        %dma_wait3A_183 = arith.constant 0 : i32
        %dma_wait3A_184 = tpu.memref_slice %arg2[%dma_wait3A_182, %dma_wait3A_183] : memref<10240x128xf32, #tpu.memory_space<hbm>> -> memref<10240x128xf32, #tpu.memory_space<hbm>>
        tpu.wait_indirect_dma semaphore(%arg17 : memref<!tpu.dma_semaphore, #tpu.memory_space<semaphore_mem>>) src(%dma_wait3A_184 : memref<10240x128xf32, #tpu.memory_space<hbm>>) dst(%arg12 : memref<64x128xf32, #tpu.memory_space<vmem>>)
        %dma_start3A_185 = arith.constant 0 : i32
        %dma_start3A_186 = tpu.memref_slice %arg8[%add3A_163, %dma_start3A_185] : memref<8x64xi32, #tpu.memory_space<vmem>> -> memref<1x64xi32, #tpu.memory_space<vmem>>
        %dma_start3A_187 = tpu.memref_squeeze %dma_start3A_186 : memref<1x64xi32, #tpu.memory_space<vmem>> -> memref<64xi32, #tpu.memory_space<vmem>>
        %dma_start3A_188 = arith.constant 0 : i32
        %dma_start3A_189 = arith.constant 0 : i32
        %dma_start3A_190 = tpu.memref_slice %arg13[%dma_start3A_188, %dma_start3A_189] : memref<10240x128xf32, #tpu.memory_space<vmem_shared>> -> memref<10240x128xf32, #tpu.memory_space<vmem_shared>>
        tpu.enqueue_indirect_dma source(%arg12 : memref<64x128xf32, #tpu.memory_space<vmem>>) target(%dma_start3A_190 : memref<10240x128xf32, #tpu.memory_space<vmem_shared>>) offsets(%dma_start3A_187 : memref<64xi32, #tpu.memory_space<vmem>>) semaphore(%arg21 : memref<!tpu.dma_semaphore, #tpu.memory_space<semaphore_mem>>) {add = true}
      }
      %scan3A_43 = arith.constant 2 : i32
      %dma_wait3A = arith.constant 4 : i32
      %dma_wait3A_44 = arith.constant 0 : i32
      %dma_wait3A_45 = tpu.memref_slice %arg8[%dma_wait3A, %dma_wait3A_44] : memref<8x64xi32, #tpu.memory_space<vmem>> -> memref<1x64xi32, #tpu.memory_space<vmem>>
      %dma_wait3A_46 = tpu.memref_squeeze %dma_wait3A_45 : memref<1x64xi32, #tpu.memory_space<vmem>> -> memref<64xi32, #tpu.memory_space<vmem>>
      %dma_wait3A_47 = arith.constant 0 : i32
      %dma_wait3A_48 = arith.constant 0 : i32
      %dma_wait3A_49 = tpu.memref_slice %arg13[%dma_wait3A_47, %dma_wait3A_48] : memref<10240x128xf32, #tpu.memory_space<vmem_shared>> -> memref<10240x128xf32, #tpu.memory_space<vmem_shared>>
      tpu.wait_indirect_dma semaphore(%arg18 : memref<!tpu.dma_semaphore, #tpu.memory_space<semaphore_mem>>) src(%arg9 : memref<64x128xf32, #tpu.memory_space<vmem>>) dst(%dma_wait3A_49 : memref<10240x128xf32, #tpu.memory_space<vmem_shared>>)
      %dma_wait3A_50 = arith.constant 5 : i32
      %dma_wait3A_51 = arith.constant 0 : i32
      %dma_wait3A_52 = tpu.memref_slice %arg8[%dma_wait3A_50, %dma_wait3A_51] : memref<8x64xi32, #tpu.memory_space<vmem>> -> memref<1x64xi32, #tpu.memory_space<vmem>>
      %dma_wait3A_53 = tpu.memref_squeeze %dma_wait3A_52 : memref<1x64xi32, #tpu.memory_space<vmem>> -> memref<64xi32, #tpu.memory_space<vmem>>
      %dma_wait3A_54 = arith.constant 0 : i32
      %dma_wait3A_55 = arith.constant 0 : i32
      %dma_wait3A_56 = tpu.memref_slice %arg13[%dma_wait3A_54, %dma_wait3A_55] : memref<10240x128xf32, #tpu.memory_space<vmem_shared>> -> memref<10240x128xf32, #tpu.memory_space<vmem_shared>>
      tpu.wait_indirect_dma semaphore(%arg19 : memref<!tpu.dma_semaphore, #tpu.memory_space<semaphore_mem>>) src(%arg10 : memref<64x128xf32, #tpu.memory_space<vmem>>) dst(%dma_wait3A_56 : memref<10240x128xf32, #tpu.memory_space<vmem_shared>>)
      %dma_wait3A_57 = arith.constant 6 : i32
      %dma_wait3A_58 = arith.constant 0 : i32
      %dma_wait3A_59 = tpu.memref_slice %arg8[%dma_wait3A_57, %dma_wait3A_58] : memref<8x64xi32, #tpu.memory_space<vmem>> -> memref<1x64xi32, #tpu.memory_space<vmem>>
      %dma_wait3A_60 = tpu.memref_squeeze %dma_wait3A_59 : memref<1x64xi32, #tpu.memory_space<vmem>> -> memref<64xi32, #tpu.memory_space<vmem>>
      %dma_wait3A_61 = arith.constant 0 : i32
      %dma_wait3A_62 = arith.constant 0 : i32
      %dma_wait3A_63 = tpu.memref_slice %arg13[%dma_wait3A_61, %dma_wait3A_62] : memref<10240x128xf32, #tpu.memory_space<vmem_shared>> -> memref<10240x128xf32, #tpu.memory_space<vmem_shared>>
      tpu.wait_indirect_dma semaphore(%arg20 : memref<!tpu.dma_semaphore, #tpu.memory_space<semaphore_mem>>) src(%arg11 : memref<64x128xf32, #tpu.memory_space<vmem>>) dst(%dma_wait3A_63 : memref<10240x128xf32, #tpu.memory_space<vmem_shared>>)
      %dma_wait3A_64 = arith.constant 7 : i32
      %dma_wait3A_65 = arith.constant 0 : i32
      %dma_wait3A_66 = tpu.memref_slice %arg8[%dma_wait3A_64, %dma_wait3A_65] : memref<8x64xi32, #tpu.memory_space<vmem>> -> memref<1x64xi32, #tpu.memory_space<vmem>>
      %dma_wait3A_67 = tpu.memref_squeeze %dma_wait3A_66 : memref<1x64xi32, #tpu.memory_space<vmem>> -> memref<64xi32, #tpu.memory_space<vmem>>
      %dma_wait3A_68 = arith.constant 0 : i32
      %dma_wait3A_69 = arith.constant 0 : i32
      %dma_wait3A_70 = tpu.memref_slice %arg13[%dma_wait3A_68, %dma_wait3A_69] : memref<10240x128xf32, #tpu.memory_space<vmem_shared>> -> memref<10240x128xf32, #tpu.memory_space<vmem_shared>>
      tpu.wait_indirect_dma semaphore(%arg21 : memref<!tpu.dma_semaphore, #tpu.memory_space<semaphore_mem>>) src(%arg12 : memref<64x128xf32, #tpu.memory_space<vmem>>) dst(%dma_wait3A_70 : memref<10240x128xf32, #tpu.memory_space<vmem_shared>>)
    }
    %while3A_18 = arith.constant 1 : i32
    scf.for %while3A_20 = %while3A_16 to %while3A_12 step %while3A_18  : i32 {
      %mul3A_21 = arith.constant 8 : i32
      %mul3A_22 = arith.muli %while3A_20, %mul3A_21 : i32
      %add3A_23 = arith.addi %select_n3A_10, %mul3A_22 : i32
      "tpu.region"() ({
        %run_scoped3A = tpu.sem_alloc : memref<!tpu.dma_semaphore, #tpu.memory_space<semaphore_mem>>
        %dma_start3A_71 = arith.constant 0 : i32
        %dma_start3A_72 = tpu.memref_slice %arg3[%add3A_23, %dma_start3A_71] : memref<5120x64xi32, #tpu.memory_space<hbm>> -> memref<8x64xi32, #tpu.memory_space<hbm>>
        %dma_start3A_73 = arith.constant 0 : i32
        %dma_start3A_74 = tpu.memref_slice %arg3[%add3A_23, %dma_start3A_73] : memref<5120x64xi32, #tpu.memory_space<hbm>> -> memref<8x64xi32, #tpu.memory_space<hbm>>
        tpu.enqueue_dma source(%dma_start3A_74 : memref<8x64xi32, #tpu.memory_space<hbm>>) target(%arg7 : memref<8x64xi32, #tpu.memory_space<vmem>>) target_semaphore(%run_scoped3A : memref<!tpu.dma_semaphore, #tpu.memory_space<semaphore_mem>>)
        %dma_wait3A_75 = arith.constant 0 : i32
        %dma_wait3A_76 = tpu.memref_slice %arg3[%add3A_23, %dma_wait3A_75] : memref<5120x64xi32, #tpu.memory_space<hbm>> -> memref<8x64xi32, #tpu.memory_space<hbm>>
        %dma_wait3A_77 = arith.constant 0 : i32
        %dma_wait3A_78 = tpu.memref_slice %arg3[%add3A_23, %dma_wait3A_77] : memref<5120x64xi32, #tpu.memory_space<hbm>> -> memref<8x64xi32, #tpu.memory_space<hbm>>
        tpu.wait_dma2 semaphore(%run_scoped3A : memref<!tpu.dma_semaphore, #tpu.memory_space<semaphore_mem>>) src(%dma_wait3A_78 : memref<8x64xi32, #tpu.memory_space<hbm>>) dst(%arg7 : memref<8x64xi32, #tpu.memory_space<vmem>>)
        tpu.yield
      }) : () -> ()
      %mul3A_24 = arith.constant 8 : i32
      %mul3A_25 = arith.muli %while3A_20, %mul3A_24 : i32
      %add3A_26 = arith.addi %select_n3A_10, %mul3A_25 : i32
      "tpu.region"() ({
        %run_scoped3A = tpu.sem_alloc : memref<!tpu.dma_semaphore, #tpu.memory_space<semaphore_mem>>
        %dma_start3A_71 = arith.constant 0 : i32
        %dma_start3A_72 = tpu.memref_slice %arg4[%add3A_26, %dma_start3A_71] : memref<5120x64xi32, #tpu.memory_space<hbm>> -> memref<8x64xi32, #tpu.memory_space<hbm>>
        %dma_start3A_73 = arith.constant 0 : i32
        %dma_start3A_74 = tpu.memref_slice %arg4[%add3A_26, %dma_start3A_73] : memref<5120x64xi32, #tpu.memory_space<hbm>> -> memref<8x64xi32, #tpu.memory_space<hbm>>
        tpu.enqueue_dma source(%dma_start3A_74 : memref<8x64xi32, #tpu.memory_space<hbm>>) target(%arg8 : memref<8x64xi32, #tpu.memory_space<vmem>>) target_semaphore(%run_scoped3A : memref<!tpu.dma_semaphore, #tpu.memory_space<semaphore_mem>>)
        %dma_wait3A_75 = arith.constant 0 : i32
        %dma_wait3A_76 = tpu.memref_slice %arg4[%add3A_26, %dma_wait3A_75] : memref<5120x64xi32, #tpu.memory_space<hbm>> -> memref<8x64xi32, #tpu.memory_space<hbm>>
        %dma_wait3A_77 = arith.constant 0 : i32
        %dma_wait3A_78 = tpu.memref_slice %arg4[%add3A_26, %dma_wait3A_77] : memref<5120x64xi32, #tpu.memory_space<hbm>> -> memref<8x64xi32, #tpu.memory_space<hbm>>
        tpu.wait_dma2 semaphore(%run_scoped3A : memref<!tpu.dma_semaphore, #tpu.memory_space<semaphore_mem>>) src(%dma_wait3A_78 : memref<8x64xi32, #tpu.memory_space<hbm>>) dst(%arg8 : memref<8x64xi32, #tpu.memory_space<vmem>>)
        tpu.yield
      }) : () -> ()
      %dma_start3A = arith.constant 0 : i32
      %dma_start3A_27 = arith.constant 0 : i32
      %dma_start3A_28 = tpu.memref_slice %arg7[%dma_start3A, %dma_start3A_27] : memref<8x64xi32, #tpu.memory_space<vmem>> -> memref<1x64xi32, #tpu.memory_space<vmem>>
      %dma_start3A_29 = tpu.memref_squeeze %dma_start3A_28 : memref<1x64xi32, #tpu.memory_space<vmem>> -> memref<64xi32, #tpu.memory_space<vmem>>
      %dma_start3A_30 = arith.constant 0 : i32
      %dma_start3A_31 = arith.constant 0 : i32
      %dma_start3A_32 = tpu.memref_slice %arg2[%dma_start3A_30, %dma_start3A_31] : memref<10240x128xf32, #tpu.memory_space<hbm>> -> memref<10240x128xf32, #tpu.memory_space<hbm>>
      tpu.enqueue_indirect_dma source(%dma_start3A_32 : memref<10240x128xf32, #tpu.memory_space<hbm>>) target(%arg9 : memref<64x128xf32, #tpu.memory_space<vmem>>) offsets(%dma_start3A_29 : memref<64xi32, #tpu.memory_space<vmem>>) semaphore(%arg14 : memref<!tpu.dma_semaphore, #tpu.memory_space<semaphore_mem>>)
      %dma_start3A_33 = arith.constant 1 : i32
      %dma_start3A_34 = arith.constant 0 : i32
      %dma_start3A_35 = tpu.memref_slice %arg7[%dma_start3A_33, %dma_start3A_34] : memref<8x64xi32, #tpu.memory_space<vmem>> -> memref<1x64xi32, #tpu.memory_space<vmem>>
      %dma_start3A_36 = tpu.memref_squeeze %dma_start3A_35 : memref<1x64xi32, #tpu.memory_space<vmem>> -> memref<64xi32, #tpu.memory_space<vmem>>
      %dma_start3A_37 = arith.constant 0 : i32
      %dma_start3A_38 = arith.constant 0 : i32
      %dma_start3A_39 = tpu.memref_slice %arg2[%dma_start3A_37, %dma_start3A_38] : memref<10240x128xf32, #tpu.memory_space<hbm>> -> memref<10240x128xf32, #tpu.memory_space<hbm>>
      tpu.enqueue_indirect_dma source(%dma_start3A_39 : memref<10240x128xf32, #tpu.memory_space<hbm>>) target(%arg10 : memref<64x128xf32, #tpu.memory_space<vmem>>) offsets(%dma_start3A_36 : memref<64xi32, #tpu.memory_space<vmem>>) semaphore(%arg15 : memref<!tpu.dma_semaphore, #tpu.memory_space<semaphore_mem>>)
      %scan3A = arith.constant 0 : i32
      %scan3A_40 = arith.constant 2 : i32
      %scan3A_41 = arith.addi %scan3A, %scan3A_40 : i32
      %scan3A_42 = arith.constant 1 : i32
      scf.for %scan3A_71 = %scan3A to %scan3A_41 step %scan3A_42  : i32 {
        %mul3A_72 = arith.constant 4 : i32
        %mul3A_73 = arith.muli %mul3A_72, %scan3A_71 : i32
        %add3A_74 = arith.constant 0 : i32
        %add3A_75 = arith.addi %mul3A_73, %add3A_74 : i32
        %add3A_76 = arith.constant 2 : i32
        %add3A_77 = arith.addi %add3A_75, %add3A_76 : i32
        %ge3A = arith.constant 4 : i32
        %ge3A_78 = arith.cmpi sge, %add3A_77, %ge3A : i32
        %lt3A = arith.constant 8 : i32
        %lt3A_79 = arith.cmpi slt, %add3A_77, %lt3A : i32
        %and3A = arith.andi %ge3A_78, %lt3A_79 : i1
        %convert_element_type3A = arith.extui %and3A : i1 to i32
        %cond3A = arith.constant 0 : i32
        %cond3A_80 = arith.cmpi ne, %convert_element_type3A, %cond3A : i32
        scf.if %cond3A_80 {
          %sub3A = arith.constant 4 : i32
          %sub3A_191 = arith.subi %add3A_77, %sub3A : i32
          %dma_wait3A_192 = arith.constant 0 : i32
          %dma_wait3A_193 = tpu.memref_slice %arg8[%sub3A_191, %dma_wait3A_192] : memref<8x64xi32, #tpu.memory_space<vmem>> -> memref<1x64xi32, #tpu.memory_space<vmem>>
          %dma_wait3A_194 = tpu.memref_squeeze %dma_wait3A_193 : memref<1x64xi32, #tpu.memory_space<vmem>> -> memref<64xi32, #tpu.memory_space<vmem>>
          %dma_wait3A_195 = arith.constant 0 : i32
          %dma_wait3A_196 = arith.constant 0 : i32
          %dma_wait3A_197 = tpu.memref_slice %arg13[%dma_wait3A_195, %dma_wait3A_196] : memref<10240x128xf32, #tpu.memory_space<vmem_shared>> -> memref<10240x128xf32, #tpu.memory_space<vmem_shared>>
          tpu.wait_indirect_dma semaphore(%arg20 : memref<!tpu.dma_semaphore, #tpu.memory_space<semaphore_mem>>) src(%arg11 : memref<64x128xf32, #tpu.memory_space<vmem>>) dst(%dma_wait3A_197 : memref<10240x128xf32, #tpu.memory_space<vmem_shared>>)
        } else {
        }
        %lt3A_81 = arith.constant 8 : i32
        %lt3A_82 = arith.cmpi slt, %add3A_77, %lt3A_81 : i32
        %convert_element_type3A_83 = arith.extui %lt3A_82 : i1 to i32
        %cond3A_84 = arith.constant 0 : i32
        %cond3A_85 = arith.cmpi ne, %convert_element_type3A_83, %cond3A_84 : i32
        scf.if %cond3A_85 {
          %dma_start3A_191 = arith.constant 0 : i32
          %dma_start3A_192 = tpu.memref_slice %arg7[%add3A_77, %dma_start3A_191] : memref<8x64xi32, #tpu.memory_space<vmem>> -> memref<1x64xi32, #tpu.memory_space<vmem>>
          %dma_start3A_193 = tpu.memref_squeeze %dma_start3A_192 : memref<1x64xi32, #tpu.memory_space<vmem>> -> memref<64xi32, #tpu.memory_space<vmem>>
          %dma_start3A_194 = arith.constant 0 : i32
          %dma_start3A_195 = arith.constant 0 : i32
          %dma_start3A_196 = tpu.memref_slice %arg2[%dma_start3A_194, %dma_start3A_195] : memref<10240x128xf32, #tpu.memory_space<hbm>> -> memref<10240x128xf32, #tpu.memory_space<hbm>>
          tpu.enqueue_indirect_dma source(%dma_start3A_196 : memref<10240x128xf32, #tpu.memory_space<hbm>>) target(%arg11 : memref<64x128xf32, #tpu.memory_space<vmem>>) offsets(%dma_start3A_193 : memref<64xi32, #tpu.memory_space<vmem>>) semaphore(%arg16 : memref<!tpu.dma_semaphore, #tpu.memory_space<semaphore_mem>>)
        } else {
        }
        %dma_wait3A_86 = arith.constant 0 : i32
        %dma_wait3A_87 = tpu.memref_slice %arg7[%add3A_75, %dma_wait3A_86] : memref<8x64xi32, #tpu.memory_space<vmem>> -> memref<1x64xi32, #tpu.memory_space<vmem>>
        %dma_wait3A_88 = tpu.memref_squeeze %dma_wait3A_87 : memref<1x64xi32, #tpu.memory_space<vmem>> -> memref<64xi32, #tpu.memory_space<vmem>>
        %dma_wait3A_89 = arith.constant 0 : i32
        %dma_wait3A_90 = arith.constant 0 : i32
        %dma_wait3A_91 = tpu.memref_slice %arg2[%dma_wait3A_89, %dma_wait3A_90] : memref<10240x128xf32, #tpu.memory_space<hbm>> -> memref<10240x128xf32, #tpu.memory_space<hbm>>
        tpu.wait_indirect_dma semaphore(%arg14 : memref<!tpu.dma_semaphore, #tpu.memory_space<semaphore_mem>>) src(%dma_wait3A_91 : memref<10240x128xf32, #tpu.memory_space<hbm>>) dst(%arg9 : memref<64x128xf32, #tpu.memory_space<vmem>>)
        %dma_start3A_92 = arith.constant 0 : i32
        %dma_start3A_93 = tpu.memref_slice %arg8[%add3A_75, %dma_start3A_92] : memref<8x64xi32, #tpu.memory_space<vmem>> -> memref<1x64xi32, #tpu.memory_space<vmem>>
        %dma_start3A_94 = tpu.memref_squeeze %dma_start3A_93 : memref<1x64xi32, #tpu.memory_space<vmem>> -> memref<64xi32, #tpu.memory_space<vmem>>
        %dma_start3A_95 = arith.constant 0 : i32
        %dma_start3A_96 = arith.constant 0 : i32
        %dma_start3A_97 = tpu.memref_slice %arg13[%dma_start3A_95, %dma_start3A_96] : memref<10240x128xf32, #tpu.memory_space<vmem_shared>> -> memref<10240x128xf32, #tpu.memory_space<vmem_shared>>
        tpu.enqueue_indirect_dma source(%arg9 : memref<64x128xf32, #tpu.memory_space<vmem>>) target(%dma_start3A_97 : memref<10240x128xf32, #tpu.memory_space<vmem_shared>>) offsets(%dma_start3A_94 : memref<64xi32, #tpu.memory_space<vmem>>) semaphore(%arg18 : memref<!tpu.dma_semaphore, #tpu.memory_space<semaphore_mem>>) {add = true}
        %mul3A_98 = arith.constant 4 : i32
        %mul3A_99 = arith.muli %mul3A_98, %scan3A_71 : i32
        %add3A_100 = arith.constant 1 : i32
        %add3A_101 = arith.addi %mul3A_99, %add3A_100 : i32
        %add3A_102 = arith.constant 2 : i32
        %add3A_103 = arith.addi %add3A_101, %add3A_102 : i32
        %ge3A_104 = arith.constant 4 : i32
        %ge3A_105 = arith.cmpi sge, %add3A_103, %ge3A_104 : i32
        %lt3A_106 = arith.constant 8 : i32
        %lt3A_107 = arith.cmpi slt, %add3A_103, %lt3A_106 : i32
        %and3A_108 = arith.andi %ge3A_105, %lt3A_107 : i1
        %convert_element_type3A_109 = arith.extui %and3A_108 : i1 to i32
        %cond3A_110 = arith.constant 0 : i32
        %cond3A_111 = arith.cmpi ne, %convert_element_type3A_109, %cond3A_110 : i32
        scf.if %cond3A_111 {
          %sub3A = arith.constant 4 : i32
          %sub3A_191 = arith.subi %add3A_103, %sub3A : i32
          %dma_wait3A_192 = arith.constant 0 : i32
          %dma_wait3A_193 = tpu.memref_slice %arg8[%sub3A_191, %dma_wait3A_192] : memref<8x64xi32, #tpu.memory_space<vmem>> -> memref<1x64xi32, #tpu.memory_space<vmem>>
          %dma_wait3A_194 = tpu.memref_squeeze %dma_wait3A_193 : memref<1x64xi32, #tpu.memory_space<vmem>> -> memref<64xi32, #tpu.memory_space<vmem>>
          %dma_wait3A_195 = arith.constant 0 : i32
          %dma_wait3A_196 = arith.constant 0 : i32
          %dma_wait3A_197 = tpu.memref_slice %arg13[%dma_wait3A_195, %dma_wait3A_196] : memref<10240x128xf32, #tpu.memory_space<vmem_shared>> -> memref<10240x128xf32, #tpu.memory_space<vmem_shared>>
          tpu.wait_indirect_dma semaphore(%arg21 : memref<!tpu.dma_semaphore, #tpu.memory_space<semaphore_mem>>) src(%arg12 : memref<64x128xf32, #tpu.memory_space<vmem>>) dst(%dma_wait3A_197 : memref<10240x128xf32, #tpu.memory_space<vmem_shared>>)
        } else {
        }
        %lt3A_112 = arith.constant 8 : i32
        %lt3A_113 = arith.cmpi slt, %add3A_103, %lt3A_112 : i32
        %convert_element_type3A_114 = arith.extui %lt3A_113 : i1 to i32
        %cond3A_115 = arith.constant 0 : i32
        %cond3A_116 = arith.cmpi ne, %convert_element_type3A_114, %cond3A_115 : i32
        scf.if %cond3A_116 {
          %dma_start3A_191 = arith.constant 0 : i32
          %dma_start3A_192 = tpu.memref_slice %arg7[%add3A_103, %dma_start3A_191] : memref<8x64xi32, #tpu.memory_space<vmem>> -> memref<1x64xi32, #tpu.memory_space<vmem>>
          %dma_start3A_193 = tpu.memref_squeeze %dma_start3A_192 : memref<1x64xi32, #tpu.memory_space<vmem>> -> memref<64xi32, #tpu.memory_space<vmem>>
          %dma_start3A_194 = arith.constant 0 : i32
          %dma_start3A_195 = arith.constant 0 : i32
          %dma_start3A_196 = tpu.memref_slice %arg2[%dma_start3A_194, %dma_start3A_195] : memref<10240x128xf32, #tpu.memory_space<hbm>> -> memref<10240x128xf32, #tpu.memory_space<hbm>>
          tpu.enqueue_indirect_dma source(%dma_start3A_196 : memref<10240x128xf32, #tpu.memory_space<hbm>>) target(%arg12 : memref<64x128xf32, #tpu.memory_space<vmem>>) offsets(%dma_start3A_193 : memref<64xi32, #tpu.memory_space<vmem>>) semaphore(%arg17 : memref<!tpu.dma_semaphore, #tpu.memory_space<semaphore_mem>>)
        } else {
        }
        %dma_wait3A_117 = arith.constant 0 : i32
        %dma_wait3A_118 = tpu.memref_slice %arg7[%add3A_101, %dma_wait3A_117] : memref<8x64xi32, #tpu.memory_space<vmem>> -> memref<1x64xi32, #tpu.memory_space<vmem>>
        %dma_wait3A_119 = tpu.memref_squeeze %dma_wait3A_118 : memref<1x64xi32, #tpu.memory_space<vmem>> -> memref<64xi32, #tpu.memory_space<vmem>>
        %dma_wait3A_120 = arith.constant 0 : i32
        %dma_wait3A_121 = arith.constant 0 : i32
        %dma_wait3A_122 = tpu.memref_slice %arg2[%dma_wait3A_120, %dma_wait3A_121] : memref<10240x128xf32, #tpu.memory_space<hbm>> -> memref<10240x128xf32, #tpu.memory_space<hbm>>
        tpu.wait_indirect_dma semaphore(%arg15 : memref<!tpu.dma_semaphore, #tpu.memory_space<semaphore_mem>>) src(%dma_wait3A_122 : memref<10240x128xf32, #tpu.memory_space<hbm>>) dst(%arg10 : memref<64x128xf32, #tpu.memory_space<vmem>>)
        %dma_start3A_123 = arith.constant 0 : i32
        %dma_start3A_124 = tpu.memref_slice %arg8[%add3A_101, %dma_start3A_123] : memref<8x64xi32, #tpu.memory_space<vmem>> -> memref<1x64xi32, #tpu.memory_space<vmem>>
        %dma_start3A_125 = tpu.memref_squeeze %dma_start3A_124 : memref<1x64xi32, #tpu.memory_space<vmem>> -> memref<64xi32, #tpu.memory_space<vmem>>
        %dma_start3A_126 = arith.constant 0 : i32
        %dma_start3A_127 = arith.constant 0 : i32
        %dma_start3A_128 = tpu.memref_slice %arg13[%dma_start3A_126, %dma_start3A_127] : memref<10240x128xf32, #tpu.memory_space<vmem_shared>> -> memref<10240x128xf32, #tpu.memory_space<vmem_shared>>
        tpu.enqueue_indirect_dma source(%arg10 : memref<64x128xf32, #tpu.memory_space<vmem>>) target(%dma_start3A_128 : memref<10240x128xf32, #tpu.memory_space<vmem_shared>>) offsets(%dma_start3A_125 : memref<64xi32, #tpu.memory_space<vmem>>) semaphore(%arg19 : memref<!tpu.dma_semaphore, #tpu.memory_space<semaphore_mem>>) {add = true}
        %mul3A_129 = arith.constant 4 : i32
        %mul3A_130 = arith.muli %mul3A_129, %scan3A_71 : i32
        %add3A_131 = arith.constant 2 : i32
        %add3A_132 = arith.addi %mul3A_130, %add3A_131 : i32
        %add3A_133 = arith.constant 2 : i32
        %add3A_134 = arith.addi %add3A_132, %add3A_133 : i32
        %ge3A_135 = arith.constant 4 : i32
        %ge3A_136 = arith.cmpi sge, %add3A_134, %ge3A_135 : i32
        %lt3A_137 = arith.constant 8 : i32
        %lt3A_138 = arith.cmpi slt, %add3A_134, %lt3A_137 : i32
        %and3A_139 = arith.andi %ge3A_136, %lt3A_138 : i1
        %convert_element_type3A_140 = arith.extui %and3A_139 : i1 to i32
        %cond3A_141 = arith.constant 0 : i32
        %cond3A_142 = arith.cmpi ne, %convert_element_type3A_140, %cond3A_141 : i32
        scf.if %cond3A_142 {
          %sub3A = arith.constant 4 : i32
          %sub3A_191 = arith.subi %add3A_134, %sub3A : i32
          %dma_wait3A_192 = arith.constant 0 : i32
          %dma_wait3A_193 = tpu.memref_slice %arg8[%sub3A_191, %dma_wait3A_192] : memref<8x64xi32, #tpu.memory_space<vmem>> -> memref<1x64xi32, #tpu.memory_space<vmem>>
          %dma_wait3A_194 = tpu.memref_squeeze %dma_wait3A_193 : memref<1x64xi32, #tpu.memory_space<vmem>> -> memref<64xi32, #tpu.memory_space<vmem>>
          %dma_wait3A_195 = arith.constant 0 : i32
          %dma_wait3A_196 = arith.constant 0 : i32
          %dma_wait3A_197 = tpu.memref_slice %arg13[%dma_wait3A_195, %dma_wait3A_196] : memref<10240x128xf32, #tpu.memory_space<vmem_shared>> -> memref<10240x128xf32, #tpu.memory_space<vmem_shared>>
          tpu.wait_indirect_dma semaphore(%arg18 : memref<!tpu.dma_semaphore, #tpu.memory_space<semaphore_mem>>) src(%arg9 : memref<64x128xf32, #tpu.memory_space<vmem>>) dst(%dma_wait3A_197 : memref<10240x128xf32, #tpu.memory_space<vmem_shared>>)
        } else {
        }
        %lt3A_143 = arith.constant 8 : i32
        %lt3A_144 = arith.cmpi slt, %add3A_134, %lt3A_143 : i32
        %convert_element_type3A_145 = arith.extui %lt3A_144 : i1 to i32
        %cond3A_146 = arith.constant 0 : i32
        %cond3A_147 = arith.cmpi ne, %convert_element_type3A_145, %cond3A_146 : i32
        scf.if %cond3A_147 {
          %dma_start3A_191 = arith.constant 0 : i32
          %dma_start3A_192 = tpu.memref_slice %arg7[%add3A_134, %dma_start3A_191] : memref<8x64xi32, #tpu.memory_space<vmem>> -> memref<1x64xi32, #tpu.memory_space<vmem>>
          %dma_start3A_193 = tpu.memref_squeeze %dma_start3A_192 : memref<1x64xi32, #tpu.memory_space<vmem>> -> memref<64xi32, #tpu.memory_space<vmem>>
          %dma_start3A_194 = arith.constant 0 : i32
          %dma_start3A_195 = arith.constant 0 : i32
          %dma_start3A_196 = tpu.memref_slice %arg2[%dma_start3A_194, %dma_start3A_195] : memref<10240x128xf32, #tpu.memory_space<hbm>> -> memref<10240x128xf32, #tpu.memory_space<hbm>>
          tpu.enqueue_indirect_dma source(%dma_start3A_196 : memref<10240x128xf32, #tpu.memory_space<hbm>>) target(%arg9 : memref<64x128xf32, #tpu.memory_space<vmem>>) offsets(%dma_start3A_193 : memref<64xi32, #tpu.memory_space<vmem>>) semaphore(%arg14 : memref<!tpu.dma_semaphore, #tpu.memory_space<semaphore_mem>>)
        } else {
        }
        %dma_wait3A_148 = arith.constant 0 : i32
        %dma_wait3A_149 = tpu.memref_slice %arg7[%add3A_132, %dma_wait3A_148] : memref<8x64xi32, #tpu.memory_space<vmem>> -> memref<1x64xi32, #tpu.memory_space<vmem>>
        %dma_wait3A_150 = tpu.memref_squeeze %dma_wait3A_149 : memref<1x64xi32, #tpu.memory_space<vmem>> -> memref<64xi32, #tpu.memory_space<vmem>>
        %dma_wait3A_151 = arith.constant 0 : i32
        %dma_wait3A_152 = arith.constant 0 : i32
        %dma_wait3A_153 = tpu.memref_slice %arg2[%dma_wait3A_151, %dma_wait3A_152] : memref<10240x128xf32, #tpu.memory_space<hbm>> -> memref<10240x128xf32, #tpu.memory_space<hbm>>
        tpu.wait_indirect_dma semaphore(%arg16 : memref<!tpu.dma_semaphore, #tpu.memory_space<semaphore_mem>>) src(%dma_wait3A_153 : memref<10240x128xf32, #tpu.memory_space<hbm>>) dst(%arg11 : memref<64x128xf32, #tpu.memory_space<vmem>>)
        %dma_start3A_154 = arith.constant 0 : i32
        %dma_start3A_155 = tpu.memref_slice %arg8[%add3A_132, %dma_start3A_154] : memref<8x64xi32, #tpu.memory_space<vmem>> -> memref<1x64xi32, #tpu.memory_space<vmem>>
        %dma_start3A_156 = tpu.memref_squeeze %dma_start3A_155 : memref<1x64xi32, #tpu.memory_space<vmem>> -> memref<64xi32, #tpu.memory_space<vmem>>
        %dma_start3A_157 = arith.constant 0 : i32
        %dma_start3A_158 = arith.constant 0 : i32
        %dma_start3A_159 = tpu.memref_slice %arg13[%dma_start3A_157, %dma_start3A_158] : memref<10240x128xf32, #tpu.memory_space<vmem_shared>> -> memref<10240x128xf32, #tpu.memory_space<vmem_shared>>
        tpu.enqueue_indirect_dma source(%arg11 : memref<64x128xf32, #tpu.memory_space<vmem>>) target(%dma_start3A_159 : memref<10240x128xf32, #tpu.memory_space<vmem_shared>>) offsets(%dma_start3A_156 : memref<64xi32, #tpu.memory_space<vmem>>) semaphore(%arg20 : memref<!tpu.dma_semaphore, #tpu.memory_space<semaphore_mem>>) {add = true}
        %mul3A_160 = arith.constant 4 : i32
        %mul3A_161 = arith.muli %mul3A_160, %scan3A_71 : i32
        %add3A_162 = arith.constant 3 : i32
        %add3A_163 = arith.addi %mul3A_161, %add3A_162 : i32
        %add3A_164 = arith.constant 2 : i32
        %add3A_165 = arith.addi %add3A_163, %add3A_164 : i32
        %ge3A_166 = arith.constant 4 : i32
        %ge3A_167 = arith.cmpi sge, %add3A_165, %ge3A_166 : i32
        %lt3A_168 = arith.constant 8 : i32
        %lt3A_169 = arith.cmpi slt, %add3A_165, %lt3A_168 : i32
        %and3A_170 = arith.andi %ge3A_167, %lt3A_169 : i1
        %convert_element_type3A_171 = arith.extui %and3A_170 : i1 to i32
        %cond3A_172 = arith.constant 0 : i32
        %cond3A_173 = arith.cmpi ne, %convert_element_type3A_171, %cond3A_172 : i32
        scf.if %cond3A_173 {
          %sub3A = arith.constant 4 : i32
          %sub3A_191 = arith.subi %add3A_165, %sub3A : i32
          %dma_wait3A_192 = arith.constant 0 : i32
          %dma_wait3A_193 = tpu.memref_slice %arg8[%sub3A_191, %dma_wait3A_192] : memref<8x64xi32, #tpu.memory_space<vmem>> -> memref<1x64xi32, #tpu.memory_space<vmem>>
          %dma_wait3A_194 = tpu.memref_squeeze %dma_wait3A_193 : memref<1x64xi32, #tpu.memory_space<vmem>> -> memref<64xi32, #tpu.memory_space<vmem>>
          %dma_wait3A_195 = arith.constant 0 : i32
          %dma_wait3A_196 = arith.constant 0 : i32
          %dma_wait3A_197 = tpu.memref_slice %arg13[%dma_wait3A_195, %dma_wait3A_196] : memref<10240x128xf32, #tpu.memory_space<vmem_shared>> -> memref<10240x128xf32, #tpu.memory_space<vmem_shared>>
          tpu.wait_indirect_dma semaphore(%arg19 : memref<!tpu.dma_semaphore, #tpu.memory_space<semaphore_mem>>) src(%arg10 : memref<64x128xf32, #tpu.memory_space<vmem>>) dst(%dma_wait3A_197 : memref<10240x128xf32, #tpu.memory_space<vmem_shared>>)
        } else {
        }
        %lt3A_174 = arith.constant 8 : i32
        %lt3A_175 = arith.cmpi slt, %add3A_165, %lt3A_174 : i32
        %convert_element_type3A_176 = arith.extui %lt3A_175 : i1 to i32
        %cond3A_177 = arith.constant 0 : i32
        %cond3A_178 = arith.cmpi ne, %convert_element_type3A_176, %cond3A_177 : i32
        scf.if %cond3A_178 {
          %dma_start3A_191 = arith.constant 0 : i32
          %dma_start3A_192 = tpu.memref_slice %arg7[%add3A_165, %dma_start3A_191] : memref<8x64xi32, #tpu.memory_space<vmem>> -> memref<1x64xi32, #tpu.memory_space<vmem>>
          %dma_start3A_193 = tpu.memref_squeeze %dma_start3A_192 : memref<1x64xi32, #tpu.memory_space<vmem>> -> memref<64xi32, #tpu.memory_space<vmem>>
          %dma_start3A_194 = arith.constant 0 : i32
          %dma_start3A_195 = arith.constant 0 : i32
          %dma_start3A_196 = tpu.memref_slice %arg2[%dma_start3A_194, %dma_start3A_195] : memref<10240x128xf32, #tpu.memory_space<hbm>> -> memref<10240x128xf32, #tpu.memory_space<hbm>>
          tpu.enqueue_indirect_dma source(%dma_start3A_196 : memref<10240x128xf32, #tpu.memory_space<hbm>>) target(%arg10 : memref<64x128xf32, #tpu.memory_space<vmem>>) offsets(%dma_start3A_193 : memref<64xi32, #tpu.memory_space<vmem>>) semaphore(%arg15 : memref<!tpu.dma_semaphore, #tpu.memory_space<semaphore_mem>>)
        } else {
        }
        %dma_wait3A_179 = arith.constant 0 : i32
        %dma_wait3A_180 = tpu.memref_slice %arg7[%add3A_163, %dma_wait3A_179] : memref<8x64xi32, #tpu.memory_space<vmem>> -> memref<1x64xi32, #tpu.memory_space<vmem>>
        %dma_wait3A_181 = tpu.memref_squeeze %dma_wait3A_180 : memref<1x64xi32, #tpu.memory_space<vmem>> -> memref<64xi32, #tpu.memory_space<vmem>>
        %dma_wait3A_182 = arith.constant 0 : i32
        %dma_wait3A_183 = arith.constant 0 : i32
        %dma_wait3A_184 = tpu.memref_slice %arg2[%dma_wait3A_182, %dma_wait3A_183] : memref<10240x128xf32, #tpu.memory_space<hbm>> -> memref<10240x128xf32, #tpu.memory_space<hbm>>
        tpu.wait_indirect_dma semaphore(%arg17 : memref<!tpu.dma_semaphore, #tpu.memory_space<semaphore_mem>>) src(%dma_wait3A_184 : memref<10240x128xf32, #tpu.memory_space<hbm>>) dst(%arg12 : memref<64x128xf32, #tpu.memory_space<vmem>>)
        %dma_start3A_185 = arith.constant 0 : i32
        %dma_start3A_186 = tpu.memref_slice %arg8[%add3A_163, %dma_start3A_185] : memref<8x64xi32, #tpu.memory_space<vmem>> -> memref<1x64xi32, #tpu.memory_space<vmem>>
        %dma_start3A_187 = tpu.memref_squeeze %dma_start3A_186 : memref<1x64xi32, #tpu.memory_space<vmem>> -> memref<64xi32, #tpu.memory_space<vmem>>
        %dma_start3A_188 = arith.constant 0 : i32
        %dma_start3A_189 = arith.constant 0 : i32
        %dma_start3A_190 = tpu.memref_slice %arg13[%dma_start3A_188, %dma_start3A_189] : memref<10240x128xf32, #tpu.memory_space<vmem_shared>> -> memref<10240x128xf32, #tpu.memory_space<vmem_shared>>
        tpu.enqueue_indirect_dma source(%arg12 : memref<64x128xf32, #tpu.memory_space<vmem>>) target(%dma_start3A_190 : memref<10240x128xf32, #tpu.memory_space<vmem_shared>>) offsets(%dma_start3A_187 : memref<64xi32, #tpu.memory_space<vmem>>) semaphore(%arg21 : memref<!tpu.dma_semaphore, #tpu.memory_space<semaphore_mem>>) {add = true}
      }
      %scan3A_43 = arith.constant 2 : i32
      %dma_wait3A = arith.constant 4 : i32
      %dma_wait3A_44 = arith.constant 0 : i32
      %dma_wait3A_45 = tpu.memref_slice %arg8[%dma_wait3A, %dma_wait3A_44] : memref<8x64xi32, #tpu.memory_space<vmem>> -> memref<1x64xi32, #tpu.memory_space<vmem>>
      %dma_wait3A_46 = tpu.memref_squeeze %dma_wait3A_45 : memref<1x64xi32, #tpu.memory_space<vmem>> -> memref<64xi32, #tpu.memory_space<vmem>>
      %dma_wait3A_47 = arith.constant 0 : i32
      %dma_wait3A_48 = arith.constant 0 : i32
      %dma_wait3A_49 = tpu.memref_slice %arg13[%dma_wait3A_47, %dma_wait3A_48] : memref<10240x128xf32, #tpu.memory_space<vmem_shared>> -> memref<10240x128xf32, #tpu.memory_space<vmem_shared>>
      tpu.wait_indirect_dma semaphore(%arg18 : memref<!tpu.dma_semaphore, #tpu.memory_space<semaphore_mem>>) src(%arg9 : memref<64x128xf32, #tpu.memory_space<vmem>>) dst(%dma_wait3A_49 : memref<10240x128xf32, #tpu.memory_space<vmem_shared>>)
      %dma_wait3A_50 = arith.constant 5 : i32
      %dma_wait3A_51 = arith.constant 0 : i32
      %dma_wait3A_52 = tpu.memref_slice %arg8[%dma_wait3A_50, %dma_wait3A_51] : memref<8x64xi32, #tpu.memory_space<vmem>> -> memref<1x64xi32, #tpu.memory_space<vmem>>
      %dma_wait3A_53 = tpu.memref_squeeze %dma_wait3A_52 : memref<1x64xi32, #tpu.memory_space<vmem>> -> memref<64xi32, #tpu.memory_space<vmem>>
      %dma_wait3A_54 = arith.constant 0 : i32
      %dma_wait3A_55 = arith.constant 0 : i32
      %dma_wait3A_56 = tpu.memref_slice %arg13[%dma_wait3A_54, %dma_wait3A_55] : memref<10240x128xf32, #tpu.memory_space<vmem_shared>> -> memref<10240x128xf32, #tpu.memory_space<vmem_shared>>
      tpu.wait_indirect_dma semaphore(%arg19 : memref<!tpu.dma_semaphore, #tpu.memory_space<semaphore_mem>>) src(%arg10 : memref<64x128xf32, #tpu.memory_space<vmem>>) dst(%dma_wait3A_56 : memref<10240x128xf32, #tpu.memory_space<vmem_shared>>)
      %dma_wait3A_57 = arith.constant 6 : i32
      %dma_wait3A_58 = arith.constant 0 : i32
      %dma_wait3A_59 = tpu.memref_slice %arg8[%dma_wait3A_57, %dma_wait3A_58] : memref<8x64xi32, #tpu.memory_space<vmem>> -> memref<1x64xi32, #tpu.memory_space<vmem>>
      %dma_wait3A_60 = tpu.memref_squeeze %dma_wait3A_59 : memref<1x64xi32, #tpu.memory_space<vmem>> -> memref<64xi32, #tpu.memory_space<vmem>>
      %dma_wait3A_61 = arith.constant 0 : i32
      %dma_wait3A_62 = arith.constant 0 : i32
      %dma_wait3A_63 = tpu.memref_slice %arg13[%dma_wait3A_61, %dma_wait3A_62] : memref<10240x128xf32, #tpu.memory_space<vmem_shared>> -> memref<10240x128xf32, #tpu.memory_space<vmem_shared>>
      tpu.wait_indirect_dma semaphore(%arg20 : memref<!tpu.dma_semaphore, #tpu.memory_space<semaphore_mem>>) src(%arg11 : memref<64x128xf32, #tpu.memory_space<vmem>>) dst(%dma_wait3A_63 : memref<10240x128xf32, #tpu.memory_space<vmem_shared>>)
      %dma_wait3A_64 = arith.constant 7 : i32
      %dma_wait3A_65 = arith.constant 0 : i32
      %dma_wait3A_66 = tpu.memref_slice %arg8[%dma_wait3A_64, %dma_wait3A_65] : memref<8x64xi32, #tpu.memory_space<vmem>> -> memref<1x64xi32, #tpu.memory_space<vmem>>
      %dma_wait3A_67 = tpu.memref_squeeze %dma_wait3A_66 : memref<1x64xi32, #tpu.memory_space<vmem>> -> memref<64xi32, #tpu.memory_space<vmem>>
      %dma_wait3A_68 = arith.constant 0 : i32
      %dma_wait3A_69 = arith.constant 0 : i32
      %dma_wait3A_70 = tpu.memref_slice %arg13[%dma_wait3A_68, %dma_wait3A_69] : memref<10240x128xf32, #tpu.memory_space<vmem_shared>> -> memref<10240x128xf32, #tpu.memory_space<vmem_shared>>
      tpu.wait_indirect_dma semaphore(%arg21 : memref<!tpu.dma_semaphore, #tpu.memory_space<semaphore_mem>>) src(%arg12 : memref<64x128xf32, #tpu.memory_space<vmem>>) dst(%dma_wait3A_70 : memref<10240x128xf32, #tpu.memory_space<vmem_shared>>)
    }
    %barrier3A_19 = arith.constant 0 : index
    tpu.barrier barrier_id(%barrier3A_19)
    "tpu.region"() ({
      %run_scoped3A = tpu.sem_alloc : memref<!tpu.dma_semaphore, #tpu.memory_space<semaphore_mem>>
      %dma_start3A = arith.constant 0 : i32
      %dma_start3A_20 = tpu.memref_slice %arg6[%arg0, %mul3A_0, %dma_start3A] : memref<2x10240x128xf32, #tpu.memory_space<hbm>> -> memref<1x640x128xf32, #tpu.memory_space<hbm>>
      %dma_start3A_21 = tpu.memref_squeeze %dma_start3A_20 : memref<1x640x128xf32, #tpu.memory_space<hbm>> -> memref<640x128xf32, #tpu.memory_space<hbm>>
      %dma_start3A_22 = arith.constant 0 : i32
      %dma_start3A_23 = tpu.memref_slice %arg13[%mul3A_0, %dma_start3A_22] : memref<10240x128xf32, #tpu.memory_space<vmem_shared>> -> memref<640x128xf32, #tpu.memory_space<vmem_shared>>
      tpu.enqueue_dma source(%dma_start3A_23 : memref<640x128xf32, #tpu.memory_space<vmem_shared>>) target(%dma_start3A_21 : memref<640x128xf32, #tpu.memory_space<hbm>>) target_semaphore(%run_scoped3A : memref<!tpu.dma_semaphore, #tpu.memory_space<semaphore_mem>>)
      %dma_wait3A = arith.constant 0 : i32
      %dma_wait3A_24 = tpu.memref_slice %arg6[%arg0, %mul3A_0, %dma_wait3A] : memref<2x10240x128xf32, #tpu.memory_space<hbm>> -> memref<1x640x128xf32, #tpu.memory_space<hbm>>
      %dma_wait3A_25 = tpu.memref_squeeze %dma_wait3A_24 : memref<1x640x128xf32, #tpu.memory_space<hbm>> -> memref<640x128xf32, #tpu.memory_space<hbm>>
      %dma_wait3A_26 = arith.constant 0 : i32
      %dma_wait3A_27 = tpu.memref_slice %arg13[%mul3A_0, %dma_wait3A_26] : memref<10240x128xf32, #tpu.memory_space<vmem_shared>> -> memref<640x128xf32, #tpu.memory_space<vmem_shared>>
      tpu.wait_dma2 semaphore(%run_scoped3A : memref<!tpu.dma_semaphore, #tpu.memory_space<semaphore_mem>>) src(%dma_wait3A_27 : memref<640x128xf32, #tpu.memory_space<vmem_shared>>) dst(%dma_wait3A_25 : memref<640x128xf32, #tpu.memory_space<hbm>>)
      tpu.yield
    }) : () -> ()
    return
  }
}

module attributes {stable_mosaic.version = 14 : i64} {
  func.func @_tc_pre1_body(%arg0: i32, %arg1: memref<1024x128xf32, #tpu.memory_space<vmem>>, %arg2: memref<128x128xf32, #tpu.memory_space<vmem>>, %arg3: memref<1024x1xf32, #tpu.memory_space<vmem>>, %arg4: memref<1024x128xf32, #tpu.memory_space<vmem>>) attributes {dimension_semantics = [#tpu.dimension_semantics<arbitrary>], iteration_bounds = array<i64: 10>, scalar_prefetch = 0 : i64, scratch_operands = 0 : i64, tpu.core_type = #tpu.core_type<tc>, window_params = [{transform_indices = @transform_0, window_bounds = array<i64: 1024, 128>}, {pipeline_mode = #tpu.pipeline_mode<synchronous>, transform_indices = @transform_1, window_bounds = array<i64: 128, 128>}, {transform_indices = @transform_2, window_bounds = array<i64: 1024, 1>}, {transform_indices = @transform_3, window_bounds = array<i64: 1024, 128>}]} {
    %get3A = arith.constant 0 : index
    %get3A_0 = arith.constant 0 : index
    %get3A_1 = vector.load %arg1[%get3A, %get3A_0] : memref<1024x128xf32, #tpu.memory_space<vmem>>, vector<1024x128xf32>
    %get3A_2 = arith.constant 0 : index
    %get3A_3 = arith.constant 0 : index
    %get3A_4 = vector.load %arg2[%get3A_2, %get3A_3] : memref<128x128xf32, #tpu.memory_space<vmem>>, vector<128x128xf32>
    %dot_general3A = arith.constant dense<0.000000e+00> : vector<1024x128xf32>
    %dot_general3A_5 = tpu.matmul %get3A_1, %get3A_4, %dot_general3A {dimension_numbers = #tpu.dot_dimension_numbers<[1], [0], [0], [1], [0, 0, 1, 1], [], []>, transpose_lhs_hint = false} : vector<1024x128xf32>, vector<128x128xf32>, vector<1024x128xf32> -> vector<1024x128xf32>
    %get3A_6 = arith.constant 0 : index
    %get3A_7 = arith.constant 0 : index
    %get3A_8 = vector.load %arg3[%get3A_6, %get3A_7] : memref<1024x1xf32, #tpu.memory_space<vmem>>, vector<1024x1xf32>
    %max3A = arith.constant 1.000000e+00 : f32
    %max3A_9 = vector.broadcast %max3A : f32 to vector<1024x1xf32>
    %max3A_10 = arith.maximumf %get3A_8, %max3A_9 : vector<1024x1xf32>
    %rsqrt3A = math.rsqrt %max3A_10 : vector<1024x1xf32>
    %mul3A = vector.broadcast %rsqrt3A : vector<1024x1xf32> to vector<1024x128xf32>
    %mul3A_11 = arith.mulf %dot_general3A_5, %mul3A : vector<1024x128xf32>
    %swap3A = arith.constant 0 : index
    %swap3A_12 = arith.constant 0 : index
    %swap3A_13 = vector.load %arg4[%swap3A, %swap3A_12] : memref<1024x128xf32, #tpu.memory_space<vmem>>, vector<1024x128xf32>
    tpu.vector_store %arg4[%swap3A, %swap3A_12], %mul3A_11 {strides = array<i32>} : memref<1024x128xf32, #tpu.memory_space<vmem>>, vector<1024x128xf32>,
    return
  }
  func.func @transform_0(%arg0: i32) -> (i32, i32) {
    %c0_i32 = arith.constant 0 : i32
    %c0_i32_0 = arith.constant 0 : i32
    return %arg0, %c0_i32 : i32, i32
  }
  func.func @transform_1(%arg0: i32) -> (i32, i32) {
    %c0_i32 = arith.constant 0 : i32
    %c0_i32_0 = arith.constant 0 : i32
    %c0_i32_1 = arith.constant 0 : i32
    return %c0_i32, %c0_i32_0 : i32, i32
  }
  func.func @transform_2(%arg0: i32) -> (i32, i32) {
    %c0_i32 = arith.constant 0 : i32
    %c0_i32_0 = arith.constant 0 : i32
    return %arg0, %c0_i32 : i32, i32
  }
  func.func @transform_3(%arg0: i32) -> (i32, i32) {
    %c0_i32 = arith.constant 0 : i32
    %c0_i32_0 = arith.constant 0 : i32
    return %arg0, %c0_i32 : i32, i32
  }
}

module attributes {stable_mosaic.version = 14 : i64} {
  func.func @_tc_mid_body(%arg0: i32, %arg1: memref<2x1024x128xf32, #tpu.memory_space<vmem>>, %arg2: memref<1024x1xf32, #tpu.memory_space<vmem>>, %arg3: memref<1024x1xf32, #tpu.memory_space<vmem>>, %arg4: memref<1x128xf32, #tpu.memory_space<vmem>>, %arg5: memref<128x128xf32, #tpu.memory_space<vmem>>, %arg6: memref<1024x128xf32, #tpu.memory_space<vmem>>) attributes {dimension_semantics = [#tpu.dimension_semantics<arbitrary>], iteration_bounds = array<i64: 10>, scalar_prefetch = 0 : i64, scratch_operands = 0 : i64, tpu.core_type = #tpu.core_type<tc>, window_params = [{transform_indices = @transform_0, window_bounds = array<i64: 2, 1024, 128>}, {transform_indices = @transform_1, window_bounds = array<i64: 1024, 1>}, {transform_indices = @transform_2, window_bounds = array<i64: 1024, 1>}, {pipeline_mode = #tpu.pipeline_mode<synchronous>, transform_indices = @transform_3, window_bounds = array<i64: 1, 128>}, {pipeline_mode = #tpu.pipeline_mode<synchronous>, transform_indices = @transform_4, window_bounds = array<i64: 128, 128>}, {transform_indices = @transform_5, window_bounds = array<i64: 1024, 128>}]} {
    %get3A = arith.constant 0 : index
    %get3A_0 = arith.constant 0 : index
    %get3A_1 = arith.constant 0 : index
    %get3A_2 = vector.load %arg1[%get3A, %get3A_0, %get3A_1] : memref<2x1024x128xf32, #tpu.memory_space<vmem>>, vector<1x1024x128xf32>
    %get3A_3 = vector.shape_cast %get3A_2 : vector<1x1024x128xf32> to vector<1024x128xf32>
    %get3A_4 = arith.constant 1 : index
    %get3A_5 = arith.constant 0 : index
    %get3A_6 = arith.constant 0 : index
    %get3A_7 = vector.load %arg1[%get3A_4, %get3A_5, %get3A_6] : memref<2x1024x128xf32, #tpu.memory_space<vmem>>, vector<1x1024x128xf32>
    %get3A_8 = vector.shape_cast %get3A_7 : vector<1x1024x128xf32> to vector<1024x128xf32>
    %add3A = arith.addf %get3A_3, %get3A_8 : vector<1024x128xf32>
    %get3A_9 = arith.constant 0 : index
    %get3A_10 = arith.constant 0 : index
    %get3A_11 = vector.load %arg2[%get3A_9, %get3A_10] : memref<1024x1xf32, #tpu.memory_space<vmem>>, vector<1024x1xf32>
    %max3A = arith.constant 1.000000e+00 : f32
    %max3A_12 = vector.broadcast %max3A : f32 to vector<1024x1xf32>
    %max3A_13 = arith.maximumf %get3A_11, %max3A_12 : vector<1024x1xf32>
    %rsqrt3A = math.rsqrt %max3A_13 : vector<1024x1xf32>
    %mul3A = vector.broadcast %rsqrt3A : vector<1024x1xf32> to vector<1024x128xf32>
    %mul3A_14 = arith.mulf %add3A, %mul3A : vector<1024x128xf32>
    %get3A_15 = arith.constant 0 : index
    %get3A_16 = arith.constant 0 : index
    %get3A_17 = vector.load %arg4[%get3A_15, %get3A_16] : memref<1x128xf32, #tpu.memory_space<vmem>>, vector<1x128xf32>
    %add3A_18 = vector.broadcast %get3A_17 : vector<1x128xf32> to vector<1024x128xf32>
    %add3A_19 = arith.addf %mul3A_14, %add3A_18 : vector<1024x128xf32>
    %max3A_20 = arith.constant 0.000000e+00 : f32
    %max3A_21 = vector.broadcast %max3A_20 : f32 to vector<1024x128xf32>
    %max3A_22 = arith.maximumf %add3A_19, %max3A_21 : vector<1024x128xf32>
    %get3A_23 = arith.constant 0 : index
    %get3A_24 = arith.constant 0 : index
    %get3A_25 = vector.load %arg5[%get3A_23, %get3A_24] : memref<128x128xf32, #tpu.memory_space<vmem>>, vector<128x128xf32>
    %dot_general3A = arith.constant dense<0.000000e+00> : vector<1024x128xf32>
    %dot_general3A_26 = tpu.matmul %max3A_22, %get3A_25, %dot_general3A {dimension_numbers = #tpu.dot_dimension_numbers<[1], [0], [0], [1], [0, 0, 1, 1], [], []>, transpose_lhs_hint = false} : vector<1024x128xf32>, vector<128x128xf32>, vector<1024x128xf32> -> vector<1024x128xf32>
    %get3A_27 = arith.constant 0 : index
    %get3A_28 = arith.constant 0 : index
    %get3A_29 = vector.load %arg3[%get3A_27, %get3A_28] : memref<1024x1xf32, #tpu.memory_space<vmem>>, vector<1024x1xf32>
    %max3A_30 = arith.constant 1.000000e+00 : f32
    %max3A_31 = vector.broadcast %max3A_30 : f32 to vector<1024x1xf32>
    %max3A_32 = arith.maximumf %get3A_29, %max3A_31 : vector<1024x1xf32>
    %rsqrt3A_33 = math.rsqrt %max3A_32 : vector<1024x1xf32>
    %mul3A_34 = vector.broadcast %rsqrt3A_33 : vector<1024x1xf32> to vector<1024x128xf32>
    %mul3A_35 = arith.mulf %dot_general3A_26, %mul3A_34 : vector<1024x128xf32>
    %swap3A = arith.constant 0 : index
    %swap3A_36 = arith.constant 0 : index
    %swap3A_37 = vector.load %arg6[%swap3A, %swap3A_36] : memref<1024x128xf32, #tpu.memory_space<vmem>>, vector<1024x128xf32>
    tpu.vector_store %arg6[%swap3A, %swap3A_36], %mul3A_35 {strides = array<i32>} : memref<1024x128xf32, #tpu.memory_space<vmem>>, vector<1024x128xf32>,
    return
  }
  func.func @transform_0(%arg0: i32) -> (i32, i32, i32) {
    %c0_i32 = arith.constant 0 : i32
    %c0_i32_0 = arith.constant 0 : i32
    %c0_i32_1 = arith.constant 0 : i32
    return %c0_i32, %arg0, %c0_i32_0 : i32, i32, i32
  }
  func.func @transform_1(%arg0: i32) -> (i32, i32) {
    %c0_i32 = arith.constant 0 : i32
    %c0_i32_0 = arith.constant 0 : i32
    return %arg0, %c0_i32 : i32, i32
  }
  func.func @transform_2(%arg0: i32) -> (i32, i32) {
    %c0_i32 = arith.constant 0 : i32
    %c0_i32_0 = arith.constant 0 : i32
    return %arg0, %c0_i32 : i32, i32
  }
  func.func @transform_3(%arg0: i32) -> (i32, i32) {
    %c0_i32 = arith.constant 0 : i32
    %c0_i32_0 = arith.constant 0 : i32
    %c0_i32_1 = arith.constant 0 : i32
    return %c0_i32, %c0_i32_0 : i32, i32
  }
  func.func @transform_4(%arg0: i32) -> (i32, i32) {
    %c0_i32 = arith.constant 0 : i32
    %c0_i32_0 = arith.constant 0 : i32
    %c0_i32_1 = arith.constant 0 : i32
    return %c0_i32, %c0_i32_0 : i32, i32
  }
  func.func @transform_5(%arg0: i32) -> (i32, i32) {
    %c0_i32 = arith.constant 0 : i32
    %c0_i32_0 = arith.constant 0 : i32
    return %arg0, %c0_i32 : i32, i32
  }
}

module attributes {stable_mosaic.version = 14 : i64} {
  func.func @_tc_final_body(%arg0: i32, %arg1: memref<2x1000x128xf32, #tpu.memory_space<vmem>>, %arg2: memref<1000x1xf32, #tpu.memory_space<vmem>>, %arg3: memref<1x128xf32, #tpu.memory_space<vmem>>, %arg4: memref<1x128xf32, #tpu.memory_space<vmem>>) attributes {dimension_semantics = [#tpu.dimension_semantics<arbitrary>], iteration_bounds = array<i64: 10>, scalar_prefetch = 0 : i64, scratch_operands = 0 : i64, tpu.core_type = #tpu.core_type<tc>, window_params = [{transform_indices = @transform_0, window_bounds = array<i64: 2, 1000, 128>}, {transform_indices = @transform_1, window_bounds = array<i64: 1000, 1>}, {pipeline_mode = #tpu.pipeline_mode<synchronous>, transform_indices = @transform_2, window_bounds = array<i64: 1, 128>}, {pipeline_mode = #tpu.pipeline_mode<synchronous>, transform_indices = @transform_3, window_bounds = array<i64: 1, 128>}]} {
    %get3A = arith.constant 0 : index
    %get3A_0 = arith.constant 0 : index
    %get3A_1 = arith.constant 0 : index
    %get3A_2 = vector.load %arg1[%get3A, %get3A_0, %get3A_1] : memref<2x1000x128xf32, #tpu.memory_space<vmem>>, vector<1x1000x128xf32>
    %get3A_3 = vector.shape_cast %get3A_2 : vector<1x1000x128xf32> to vector<1000x128xf32>
    %get3A_4 = arith.constant 1 : index
    %get3A_5 = arith.constant 0 : index
    %get3A_6 = arith.constant 0 : index
    %get3A_7 = vector.load %arg1[%get3A_4, %get3A_5, %get3A_6] : memref<2x1000x128xf32, #tpu.memory_space<vmem>>, vector<1x1000x128xf32>
    %get3A_8 = vector.shape_cast %get3A_7 : vector<1x1000x128xf32> to vector<1000x128xf32>
    %add3A = arith.addf %get3A_3, %get3A_8 : vector<1000x128xf32>
    %get3A_9 = arith.constant 0 : index
    %get3A_10 = arith.constant 0 : index
    %get3A_11 = vector.load %arg2[%get3A_9, %get3A_10] : memref<1000x1xf32, #tpu.memory_space<vmem>>, vector<1000x1xf32>
    %max3A = arith.constant 1.000000e+00 : f32
    %max3A_12 = vector.broadcast %max3A : f32 to vector<1000x1xf32>
    %max3A_13 = arith.maximumf %get3A_11, %max3A_12 : vector<1000x1xf32>
    %rsqrt3A = math.rsqrt %max3A_13 : vector<1000x1xf32>
    %mul3A = vector.broadcast %rsqrt3A : vector<1000x1xf32> to vector<1000x128xf32>
    %mul3A_14 = arith.mulf %add3A, %mul3A : vector<1000x128xf32>
    %get3A_15 = arith.constant 0 : index
    %get3A_16 = arith.constant 0 : index
    %get3A_17 = vector.load %arg3[%get3A_15, %get3A_16] : memref<1x128xf32, #tpu.memory_space<vmem>>, vector<1x128xf32>
    %add3A_18 = vector.broadcast %get3A_17 : vector<1x128xf32> to vector<1000x128xf32>
    %add3A_19 = arith.addf %mul3A_14, %add3A_18 : vector<1000x128xf32>
    %max3A_20 = arith.constant 0.000000e+00 : f32
    %max3A_21 = vector.broadcast %max3A_20 : f32 to vector<1000x128xf32>
    %max3A_22 = arith.maximumf %add3A_19, %max3A_21 : vector<1000x128xf32>
    %reduce_sum3A = arith.constant dense<0.000000e+00> : vector<128xf32>
    %reduce_sum3A_23 = vector.multi_reduction <add>, %max3A_22, %reduce_sum3A [0] : vector<1000x128xf32> to vector<128xf32>
    %broadcast_in_dim3A = vector.shape_cast %reduce_sum3A_23 : vector<128xf32> to vector<1x128xf32>
    %eq3A = arith.constant 0 : i32
    %eq3A_24 = arith.cmpi eq, %arg0, %eq3A : i32
    %convert_element_type3A = arith.extui %eq3A_24 : i1 to i32
    %cond3A = arith.constant 0 : i32
    %cond3A_25 = arith.cmpi ne, %convert_element_type3A, %cond3A : i32
    scf.if %cond3A_25 {
      %swap3A = arith.constant 0 : index
      %swap3A_30 = arith.constant 0 : index
      %swap3A_31 = vector.load %arg4[%swap3A, %swap3A_30] : memref<1x128xf32, #tpu.memory_space<vmem>>, vector<1x128xf32>
      tpu.vector_store %arg4[%swap3A, %swap3A_30], %broadcast_in_dim3A {strides = array<i32>} : memref<1x128xf32, #tpu.memory_space<vmem>>, vector<1x128xf32>,
    } else {
    }
    %gt3A = arith.constant 0 : i32
    %gt3A_26 = arith.cmpi sgt, %arg0, %gt3A : i32
    %convert_element_type3A_27 = arith.extui %gt3A_26 : i1 to i32
    %cond3A_28 = arith.constant 0 : i32
    %cond3A_29 = arith.cmpi ne, %convert_element_type3A_27, %cond3A_28 : i32
    scf.if %cond3A_29 {
      %get3A_30 = arith.constant 0 : index
      %get3A_31 = arith.constant 0 : index
      %get3A_32 = vector.load %arg4[%get3A_30, %get3A_31] : memref<1x128xf32, #tpu.memory_space<vmem>>, vector<1x128xf32>
      %add3A_33 = arith.addf %get3A_32, %broadcast_in_dim3A : vector<1x128xf32>
      %swap3A = arith.constant 0 : index
      %swap3A_34 = arith.constant 0 : index
      %swap3A_35 = vector.load %arg4[%swap3A, %swap3A_34] : memref<1x128xf32, #tpu.memory_space<vmem>>, vector<1x128xf32>
      tpu.vector_store %arg4[%swap3A, %swap3A_34], %add3A_33 {strides = array<i32>} : memref<1x128xf32, #tpu.memory_space<vmem>>, vector<1x128xf32>,
    } else {
    }
    return
  }
  func.func @transform_0(%arg0: i32) -> (i32, i32, i32) {
    %c0_i32 = arith.constant 0 : i32
    %c0_i32_0 = arith.constant 0 : i32
    %c0_i32_1 = arith.constant 0 : i32
    return %c0_i32, %arg0, %c0_i32_0 : i32, i32, i32
  }
  func.func @transform_1(%arg0: i32) -> (i32, i32) {
    %c0_i32 = arith.constant 0 : i32
    %c0_i32_0 = arith.constant 0 : i32
    return %arg0, %c0_i32 : i32, i32
  }
  func.func @transform_2(%arg0: i32) -> (i32, i32) {
    %c0_i32 = arith.constant 0 : i32
    %c0_i32_0 = arith.constant 0 : i32
    %c0_i32_1 = arith.constant 0 : i32
    return %c0_i32, %c0_i32_0 : i32, i32
  }
  func.func @transform_3(%arg0: i32) -> (i32, i32) {
    %c0_i32 = arith.constant 0 : i32
    %c0_i32_0 = arith.constant 0 : i32
    %c0_i32_1 = arith.constant 0 : i32
    return %c0_i32, %c0_i32_0 : i32, i32
  }
}

</mosaic_0001>

<sc_bundles>
// kernel: kernel.10.cloned.1.call-start
scs
__scs_entry_jumppad:
0x0: {  	(pc) =	sbr.rel $0x88, $3  }
0x1: {  	(tag) =	ssettag $0x0;
	lr =	simm.s32 $0x1  }
0x2: {  	[smem:$0x3F99] =	sst lr;
	_ =	strace $0xD0000000  }
0x3: {  	_ = 	snop  }
0x4: {  	_ = 	snop  }
0x5: {  	_ = 	snop  }
0x6: {  	_ = 	snop  }
0x7: {  	_ = 	snop  }
__scs_overlays_trampoline_lowered:
0x8: {  	[smem:$0x3FA8] =	sst s0  }
0x9: {  	[smem:$0x3FA9] =	sst s1  }
0xa: {  	[smem:$0x3FAA] =	sst s2  }
0xb: {  	[smem:$0x3FAB] =	sst s3  }
0xc: {  	[smem:$0x3FAC] =	sst s4  }
0xd: {  	[smem:$0x3FAD] =	sst s5  }
0xe: {  	[smem:$0x3FAE] =	sst s6  }
0xf: {  	[smem:$0x3FAF] =	sst s7  }
0x10: {  	[smem:$0x3FB0] =	sst s8  }
0x11: {  	[smem:$0x3FB1] =	sst s9;
	s0 =	simm.s32 @!p0 $0x0  }
0x12: {  	s1 =	sld [smem:$0x3F97];
	s0 =	simm.s32 @p0 $0x1  }
0x13: {  	[smem:$0x3FB2] =	sst s0;
	s0 =	simm.s32 @!p1 $0x0  }
0x14: {  	s2 =	sld [smem:$0x3F96];
	s0 =	simm.s32 @p1 $0x1  }
0x15: {  	[smem:$0x3FB3] =	sst s0;
	s0 =	simm.s32 @!p2 $0x0  }
0x16: {  	s3 =	sld [smem:$0x3FDB];
	s0 =	simm.s32 @p2 $0x1  }
0x17: {  	s4 =	simm.s32 $0x1BF5;
	[smem:$0x3FB5] =	sst s0  }
0x18: {  	s0 =	sld [smem:$0x3F98];
	_ =	swait.ge [sflag:s4], $0x0  }
0x19: {  	s7 =	sld [smem:$0x3F99]  }
0x1a: {  	s8 =	sadd.s32 $0xFFFFE003, lr  }
0x1b: {  	s9 =	sadd.s32 $0xFFFFFEF7, lr;
	s5 =	simm.s32 $0xFFFFFFFF;
	p2 =	slt.u32 s8, $0xFFFFF086  }
0x1c: {  	p1 =	slt.u32 s9, $0xF7A;
	s5 =	simm.s32 @!p2 $0x0  }
0x1d: {  	s5 =	simm.s32 @p1 $0x1;
	p0 =	seq.s32 s7, s2  }
0x1e: {  	s7 =	smul.u32 @!p0 $0xF7A, s2;
	p2 =	seq.s32 @!p0 s5, $0x0  }
0x1f: {  	s9 =	smul.u32 $0xF7A, s1;
	s8 =	simm.s32 @!p0 $0x1BF5;
	p2 =	por !p2, p0  }
0x20: {  	[sflag:s8] =	ssyncset.s32 @!p0 $0xFFFFF086;
	s6 =	sadd.s32 @!p0 s3, s7;
	s7 =	simm.s32 @!p0 $0x108  }
0x21: {  	s3 =	sadd.s32 s3, s9;
	s6 =	sadd.s32 @!p0 $0x88, s6;
	s7 =	simm.s32 @p2 $0x1082  }
0x22: {  	[simem:s7], [sflag:s8] =	dma.local @!p0 [hbm:s6], $0xF7A  }
0x23: {  	s9 =	sor.u32 $0xD0000000, s2;
	s6 =	simm.s32 $0x108;
	_ =	swait.ge @!p0 [sflag:s8], $0x0  }
0x24: {  	s3 =	sadd.s32 $0x88, s3;
	s6 =	simm.s32 @!p1 $0x1082;
	[sflag:s4] =	ssyncset.s32 $0xFFFFF086  }
0x25: {  	[simem:s6], [sflag:s4] =	dma.local [hbm:s3], $0xF7A  }
0x26: {  	[smem:$0x3F99] =	sst s1;
	(tag) =	ssettag s2;
	_ =	strace s9  }
0x27: {  	s1 =	sld [smem:$0x3FA9]  }
0x28: {  	s2 =	sld [smem:$0x3FAA]  }
0x29: {  	s4 =	sld [smem:$0x3FAC]  }
0x2a: {  	p0 =	seq.s32 s5, $0x0;
	s5 =	sld [smem:$0x3FAD]  }
0x2b: {  	s6 =	sld [smem:$0x3FAE]  }
0x2c: {  	s7 =	sld [smem:$0x3FAF]  }
0x2d: {  	s3 =	simm.s32 $0x108;
	s8 =	sld [smem:$0x3FB0]  }
0x2e: {  	s3 =	simm.s32 @!p0 $0x1082;
	s9 =	sld [smem:$0x3FB1]  }
0x2f: {  	lr =	sadd.s32 s0, s3;
	s0 =	sld [smem:$0x3FA8]  }
0x30: {  	s3 =	sld [smem:$0x3FAB]  }
0x31: {  	[smem:$0x3FB4] =	sst s10  }
0x32: {  	s10 =	sld [smem:$0x3FB2];
	_ =	sdelay $0x3  }
0x33: {  	p0 =	seq.s32 s10, $0x1;
	s10 =	sld [smem:$0x3FB4];
	_ =	sdelay $0x3  }
0x34: {  	[smem:$0x3FB4] =	sst s10  }
0x35: {  	s10 =	sld [smem:$0x3FB3];
	_ =	sdelay $0x3  }
0x36: {  	p1 =	seq.s32 s10, $0x1;
	s10 =	sld [smem:$0x3FB4];
	_ =	sdelay $0x3  }
0x37: {  	[smem:$0x3FB4] =	sst s10  }
0x38: {  	s10 =	sld [smem:$0x3FB5]  }
0x39: {  	_ = 	snop;
	(pc) =	sbr.ind lr, $3  }
0x3a: {  	_ = 	snop  }
0x3b: {  	_ = 	snop  }
0x3c: {  	p2 =	seq.s32 s10, $0x1;
	s10 =	sld [smem:$0x3FB4]  }
0x3d: {  	_ =	shalt  }
0x3e: {  	_ =	shalt  }
0x3f: {  	_ =	shalt  }
0x40: {  	_ =	shalt  }
0x41: {  	_ =	shalt  }
0x42: {  	_ =	shalt  }
0x43: {  	_ =	shalt  }
0x44: {  	_ =	shalt  }
0x45: {  	_ =	shalt  }
0x46: {  	_ =	shalt  }
0x47: {  	_ =	shalt  }
0x48: {  	_ =	shalt  }
0x49: {  	_ =	shalt  }
0x4a: {  	_ =	shalt  }
0x4b: {  	_ =	shalt  }
0x4c: {  	_ =	shalt  }
0x4d: {  	_ =	shalt  }
0x4e: {  	_ =	shalt  }
0x4f: {  	_ =	shalt  }
0x50: {  	_ =	shalt  }
0x51: {  	_ =	shalt  }
0x52: {  	_ =	shalt  }
0x53: {  	_ =	shalt  }
0x54: {  	_ =	shalt  }
0x55: {  	_ =	shalt  }
0x56: {  	_ =	shalt  }
0x57: {  	_ =	shalt  }
0x58: {  	_ =	shalt  }
0x59: {  	_ =	shalt  }
0x5a: {  	_ =	shalt  }
0x5b: {  	_ =	shalt  }
0x5c: {  	_ =	shalt  }
0x5d: {  	_ =	shalt  }
0x5e: {  	_ =	shalt  }
0x5f: {  	_ =	shalt  }
0x60: {  	_ =	shalt  }
0x61: {  	_ =	shalt  }
0x62: {  	_ =	shalt  }
0x63: {  	_ =	shalt  }
0x64: {  	_ =	shalt  }
0x65: {  	_ =	shalt  }
0x66: {  	_ =	shalt  }
0x67: {  	_ =	shalt  }
0x68: {  	_ =	shalt  }
0x69: {  	_ =	shalt  }
0x6a: {  	_ =	shalt  }
0x6b: {  	_ =	shalt  }
0x6c: {  	_ =	shalt  }
0x6d: {  	_ =	shalt  }
0x6e: {  	_ =	shalt  }
0x6f: {  	_ =	shalt  }
0x70: {  	_ =	shalt  }
0x71: {  	_ =	shalt  }
0x72: {  	_ =	shalt  }
0x73: {  	_ =	shalt  }
0x74: {  	_ =	shalt  }
0x75: {  	_ =	shalt  }
0x76: {  	_ =	shalt  }
0x77: {  	_ =	shalt  }
0x78: {  	_ =	shalt  }
0x79: {  	_ =	shalt  }
0x7a: {  	_ =	shalt  }
0x7b: {  	_ =	shalt  }
0x7c: {  	_ =	shalt  }
0x7d: {  	_ =	shalt  }
0x7e: {  	_ =	shalt  }
0x7f: {  	_ =	shalt  }
0x80: {  	_ =	shalt  }
0x81: {  	_ =	shalt  }
0x82: {  	_ =	shalt  }
0x83: {  	_ =	shalt  }
0x84: {  	_ =	shalt  }
0x85: {  	_ =	shalt  }
0x86: {  	_ =	shalt  }
0x87: {  	_ =	shalt  }
.Lfunc_end0:
.L_simem_size_0:
called_computation_lowered:
.L_overlay_start_0:
0x88: {  	s2 =	sld [smem:$0x3FD9]  }
0x89: {  	s3 =	sld [smem:$0x3FFE];
	_ =	sdelay $0x1  }
0x8a: {  	s1 =	srdreg.scid  }
0x8b: {  	s0 =	sand.u32 $0x1, s1  }
0x8c: {  	s16 =	sshll.u32 s0, $0xA;
	s2 =	sadd.s32 s3, s2  }
0x8d: {  	s2 =	sadd.s32 s2, s16  }
0x8e: {  	[smem:$0x3FC0] =	sst s2  }
0x8f: {  	_ = 	snop  }
0x90: {  	(tm) =	ssettm $0x1  }
0x91: {  	s17 =	sld [smem:$0x3FFB];
	_ =	sdelay $0x3  }
0x92: {  	_ =	strace s17  }
0x93: {  	s2 =	sld [smem:$0x3FFC];
	_ =	sdelay $0x3  }
0x94: {  	_ =	strace s2  }
0x95: {  	s2 =	sld [smem:$0x3FFD];
	_ =	sdelay $0x3  }
0x96: {  	_ =	strace s2  }
0x97: {  	_ =	strace $0x8FFFFFFF  }
0x98: {  	s18 =	sld [smem:$0x3FDB];
	_ =	sdelay $0x1  }
0x99: {  	s19 =	simm.s32 $_scs_section_size  }
0x9a: {  	s4 =	simm.s32 $_size__tile_overlayer_lowered;
	s5 =	simm.s32 $_tile_overlayer_lowered  }
0x9b: {  	s22 =	simm.s32 $0x1BFF;
	s21 =	sshll.u32 s5, $0x1;
	s2 =	sadd.s32 s19, s18  }
0x9c: {  	s6 =	simm.s32 $0x0;
	s20 =	sshll.u32 s4, $0x1;
	s4 =	sadd.s32 s21, s2  }
0x9d: {  	[timem:s6], [sflag:s22] =	dma.local [hbm:s4], s20  }
0x9e: {  	_ =	swait.ge [sflag:s22], s20  }
0x9f: {  	s3 =	ssub.s32 $0x0, s20;
	[sflag:s22] =	ssyncset.done $0x0  }
0xa0: {  	[sflag:s22] =	ssyncadd.s32 s3;
	_ =	sdelay $0x1  }
0xa1: {  	s23 =	simm.s32 $0x1B8B  }
0xa2: {  	_ =	swait.ge [sflag:s23], $0x1  }
0xa3: {  	[sflag:s23] =	ssyncset.done $0x0  }
0xa4: {  	s25 =	simm.s32 $0x1B8E;
	s24 =	sld [smem:$0x3FFE];
	[sflag:s23] =	ssyncadd.s32 $0xFFFFFFFF  }
0xa5: {  	s26 =	simm.s32 $execute0_lowered;
	[smem:$0x3FD2] =	sst s25  }
0xa6: {  	s4 =	sshll.u32 s26, $0x1;
	_ =	strace $0x80000046;
	[dreg:$0x1] =	wrdreg $0xFFFFFFFF  }
0xa7: {  	s28 =	simm.s32 $_size_execute0_lowered;
	s2 =	sadd.s32 s2, s4;
	[dreg:$0x0] =	wrdreg $0x0  }
0xa8: {  	s4 =	sshll.u32 s28, $0x1;
	[dreg:$0x2] =	wrdreg s2  }
0xa9: {  	[dreg:$0x3] =	wrdreg s4  }
0xaa: {  	[dreg:$0x4] =	wrdreg $0xC0  }
0xab: {  	_ =	task [dreg:s6], $0x5FFFF  }
0xac: {  	[dreg:$0x1] =	wrdreg $0xFFFFFFFF  }
0xad: {  	[dreg:$0x0] =	wrdreg $0x60  }
0xae: {  	[dreg:$0x2] =	wrdreg s24  }
0xaf: {  	[dreg:$0x3] =	wrdreg $0x68000  }
0xb0: {  	[dreg:$0x4] =	wrdreg $0x9  }
0xb1: {  	_ =	task.clear_ibuf [dreg:s6], $0x5FFFF;
	_ =	strace $0x90000046  }
0xb2: {  	s29 =	simm.s32 $0x9;
	_ =	strace $0x80000048  }
0xb3: {  	_ =	swait.ge [sflag:s29], $0x1  }
0xb4: {  	[sflag:s29] =	ssyncadd.s32 $0xFFFFFFFF  }
0xb5: {  	_ =	strace $0x90000048  }
0xb6: {  	_ =	sfence  }
0xb7: {  	s30 =	sld [smem:$0x0];
	_ =	sdelay $0x2  }
0xb8: {  	s31 =	sshll.u32 s1, $0xD;
	s1 =	sshrl.u32 s1, $0x2  }
0xb9: {  	s3 =	sand.u32 $0x4000, s31;
	s1 =	sadd.s32 s1, s30  }
0xba: {  	s0 =	sor.u32 s3, s0;
	s1 =	sshll.u32 s1, $0x11  }
0xbb: {  	s0 =	sor.u32 s1, s0  }
0xbc: {  	s0 =	sadd.s32 $0x8F2B, s0  }
0xbd: {  	[sflag:s0] =	ssyncadd.remote.s32 $0x1  }
0xbe: {  	_ =	sfence.sel $0xFFFF  }
0xbf: {  	[dreg:$0x0] =	wrdreg $0xFFFFFFFF;
	(pc) =	sbr.abs _section_cstart, $3  }
0xc0: {  	[dreg:$0x1] =	wrdreg $0xFFFFFFFF  }
0xc1: {  	_ =	task.clear_ibuf [dreg:s6], $0x2FFFF;
	_ =	strace $0x9FFFFFFF  }
0xc2: {  	(tm) =	ssettm $0x7FFFFFFF  }
0xc3: {  	_ =	shalt  }
tec
execute0_lowered:
.L_overlay_start_1:
0x0: {  	(tag) =	ssettag $0x1  }
0x1: {  	s0 =	srdreg.scid;
	s6 =	rddreg [dreg:$0x0]  }
0x2: {  	s2 =	rddreg [dreg:$0x1];
	s5 =	sand.u32 $0x1, s0  }
0x3: {  	s0 =	stileid.u32;
	s4 =	smul.u32 $0x50000, s5  }
0x4: {  	s1 =	rddreg [dreg:$0x2];
	s7 =	smul.u32 $0x5000, s0  }
0x5: {  	s3 =	simm.s32 $0x0;
	s14 =	simm.s32 $0x80;
	s28 =	smul.u32 $0x140000, s5  }
0x6: {  	s15 =	simm.s32 $0x0;
	[smem:$0x7FF] =	sst s3;
	s8 =	smul.u32 $0x14000, s0  }
0x7: {  	_ =	strace $0x80000047;
	s29 =	ssub.s32 $0x2, s5;
	s10 =	smul.u32 $0x50000, s0  }
0x8: {  	s5 =	sadd.s32 $0x16E00, s6;
	s31 =	sshll.u32 s0, $0x6;
	s11 =	sshrl.u32 s29, $0x1  }
0x9: {  	s4 =	sadd.s32 s7, s4;
	s7 =	sadd.s32 s8, s28;
	s11 =	ssub.s32 s29, s11  }
0xa: {  	s30 =	sshrl.u32 s10, $0x2;
	s10 =	simm.s32 $0x2800;
	s4 =	sshrl.u32 s4, $0x3  }
0xb: {  	s7 =	sshrl.u32 s7, $0x3;
	s13 =	sadd.s32 s30, s2;
	s9 =	sadd.s32 s4, s6  }
0xc: {  	s4 =	sadd.s32 $0x16600, s6;
	s12 =	sadd.s32 s7, s6;
	s13 =	sshrl.u32 s13, $0x3  }
0xd: {  	s6 =	sadd.s32 $0x2600, s9;
	s7 =	sadd.s32 $0x2B00, s9;
	s8 =	sadd.s32 $0x19600, s12  }
0xe: {  	s9 =	smax.u32 s11, $0x1;
	s11 =	simm.s32 $0x1;
	s12 =	sor.u32 $0x1C01, s31  }
.LBB2_1:
0xf: {  	[tilespmem:s10], [sflag:$0x1] =	stream.linear.gather [hbm4b:s4+s3], $0x4000, $0x38;
	[tilespmem:$0x1A800] =	vst v63  }
0x10: {  	_ =	swait.ge [sflag:s11], $0x4000  }
0x11: {  	[sflag:s11] =	ssyncset.done $0x0  }
0x12: {  	[sflag:s11] =	ssyncadd.s32 $0xFFFFC000  }
0x13: {  	[spmem:s13], [sflag:s12] =	dma.local [hbm:s5], $0x2800  }
0x14: {  	_ =	swait.ge [sflag:s11], $0x2800  }
0x15: {  	[sflag:s11] =	ssyncset.done $0x0  }
0x16: {  	[sflag:s11] =	ssyncadd.s32 $0xFFFFD800  }
0x17: {  	[bflag:$0x0] =	sbarrier.arrive $0xFFFF  }
0x18: {  	[tilespmem:s3], [sflag:$0x1] =	stream.linear.gather [hbm4b:s6+s3], $0x2800, $0x38;
	[tilespmem:$0x1A800] =	vst v63  }
0x19: {  	_ =	swait.ge [sflag:s11], $0x2800  }
0x1a: {  	[sflag:s11] =	ssyncset.done $0x0  }
0x1b: {  	s16 =	simm.s32 $0x0;
	[sflag:s11] =	ssyncadd.s32 $0xFFFFD800  }
0x1c: {  	[spmem:s2] =	stream.indirect.scatter.add.f32 [tilespmem:s10], [sflag:$0x1], $0x80, s16, s14, $0xb8;
	[tilespmem:$0x1A800] =	vst v63  }
0x1d: {  	_ =	swait.ge [sflag:s11], $0x4000  }
0x1e: {  	s16 =	simm.s32 $0x200;
	[sflag:s11] =	ssyncset.done $0x0  }
.LBB2_2:
0x1f: {  	s17 =	sshra.s32 s16, $0x2;
	[sflag:s11] =	ssyncadd.s32 $0xFFFFC000;
	p0 =	sne.s32 s16, $0x9E00  }
0x20: {  	[spmem:s2] =	stream.indirect.scatter.add.f32 [tilespmem:s10], [sflag:$0x1], $0x80, s17, s14, $0xb8;
	[tilespmem:$0x1A800] =	vst v63  }
.Ltmp0:
0x21: {  	_ = 	snop;
	(pc) =	sbr.rel @p0 .LBB2_2-.Ltmp0, $4  }
0x22: {  	_ = 	snop  }
0x23: {  	s16 =	sadd.s32 $0x200, s16  }
0x24: {  	_ =	swait.ge [sflag:s11], $0x4000  }
0x25: {  	[sflag:s11] =	ssyncset.done $0x0  }
0x26: {  	[sflag:s11] =	ssyncadd.s32 $0xFFFFC000;
	s16 =	simm.s32 $0x0  }
0x27: {  	[tilespmem:s16], [sflag:$0x1] =	stream.linear.gather [hbm4b:s7+s16], $0x2800, $0x38;
	[tilespmem:$0x1A800] =	vst v63  }
0x28: {  	_ =	swait.ge [sflag:s11], $0x2800  }
0x29: {  	[sflag:s11] =	ssyncset.done $0x0  }
0x2a: {  	s31 =	simm.s32 $0x0;
	[sflag:s11] =	ssyncadd.s32 $0xFFFFD800  }
0x2b: {  	[spmem:s2] =	stream.indirect.scatter.add.f32 [tilespmem:s10], [sflag:$0x1], $0x80, s31, s14, $0xb8;
	[tilespmem:$0x1A800] =	vst v63  }
0x2c: {  	_ =	swait.ge [sflag:s11], $0x4000  }
0x2d: {  	s16 =	simm.s32 $0x200;
	[sflag:s11] =	ssyncset.done $0x0  }
.LBB2_4:
0x2e: {  	s17 =	sshra.s32 s16, $0x2;
	[sflag:s11] =	ssyncadd.s32 $0xFFFFC000;
	p0 =	sne.s32 s16, $0x9E00  }
0x2f: {  	[spmem:s2] =	stream.indirect.scatter.add.f32 [tilespmem:s10], [sflag:$0x1], $0x80, s17, s14, $0xb8;
	[tilespmem:$0x1A800] =	vst v63  }
.Ltmp1:
0x30: {  	_ = 	snop;
	(pc) =	sbr.rel @p0 .LBB2_4-.Ltmp1, $4  }
0x31: {  	_ = 	snop  }
0x32: {  	s16 =	sadd.s32 $0x200, s16  }
0x33: {  	_ =	swait.ge [sflag:s11], $0x4000  }
0x34: {  	[sflag:s11] =	ssyncset.done $0x0  }
0x35: {  	s15 =	sadd.s32 $0x1, s15  }
0x36: {  	[sflag:s11] =	ssyncadd.s32 $0xFFFFC000;
	p0 =	sne.s32 s15, s9  }
.Ltmp2:
0x37: {  	[bflag:$0x0] =	sbarrier.arrive $0xFFFF;
	(pc) =	sbr.rel @p0 .LBB2_1-.Ltmp2, $4  }
0x38: {  	[hbm:s8], [sflag:s12] =	dma.local [spmem:s13], $0x2800  }
0x39: {  	_ =	swait.ge [sflag:s11], $0x2800  }
0x3a: {  	[sflag:s11] =	ssyncset.done $0x0  }
0x3b: {  	[sflag:s11] =	ssyncadd.s32 $0xFFFFD800  }
0x3c: {  	_ =	sfence.sel $0x180000  }
0x3d: {  	[bflag:$0x0] =	sbarrier.arrive $0xFFFF  }
0x3e: {  	p0 =	sne.s32 s0, $0x0;
	_ =	strace $0x90000047  }
0x3f: {  	s0 =	sadd.s32 @!p0 $0x100000, s1;
	[bflag:$0x2] =	sbarrier.arrive $0xFFFF  }
0x40: {  	[sflag:s0] =	ssyncadd.tile.s32 @!p0 $0x1;
	_ =	shalt  }
.Lfunc_end2:
_tile_overlayer_lowered:
.L_overlay_start_2:
0x41: {  	(tag) =	ssettag $0x2  }
0x42: {  	s0 =	rddreg [dreg:$0x0];
	s2 =	stileid.u32  }
0x43: {  	s1 =	rddreg [dreg:$0x1];
	p0 =	sne.s32 s2, $0x0  }
0x44: {  	s3 =	rddreg [dreg:$0x2];
	[bflag:$0x3] =	sbarrier.arrive $0xFFFF;
	s2 =	simm.s32 @!p0 $0x1C01  }
0x45: {  	[timem:s3], [sflag:s2] =	dma.local @!p0 [hbm:s0], s1  }
0x46: {  	s0 =	simm.s32 @!p0 $0x1  }
0x47: {  	_ =	swait.ge @!p0 [sflag:s0], s1  }
0x48: {  	s1 =	ssub.s32 @!p0 $0x0, s1;
	[sflag:s0] =	ssyncset.done @!p0 $0x0  }
0x49: {  	[sflag:s0] =	ssyncadd.s32 @!p0 s1  }
0x4a: {  	[bflag:$0x3] =	sbarrier.arrive $0xFFFF  }
0x4b: {  	_ =	shalt  }

// kernel: kernel.13.cloned.1.call-start
scs
__scs_entry_jumppad:
0x0: {  	(pc) =	sbr.rel $0x88, $3  }
0x1: {  	(tag) =	ssettag $0x0;
	lr =	simm.s32 $0x1  }
0x2: {  	[smem:$0x3F99] =	sst lr;
	_ =	strace $0xD0000000  }
0x3: {  	_ = 	snop  }
0x4: {  	_ = 	snop  }
0x5: {  	_ = 	snop  }
0x6: {  	_ = 	snop  }
0x7: {  	_ = 	snop  }
__scs_overlays_trampoline_lowered:
0x8: {  	[smem:$0x3FA8] =	sst s0  }
0x9: {  	[smem:$0x3FA9] =	sst s1  }
0xa: {  	[smem:$0x3FAA] =	sst s2  }
0xb: {  	[smem:$0x3FAB] =	sst s3  }
0xc: {  	[smem:$0x3FAC] =	sst s4  }
0xd: {  	[smem:$0x3FAD] =	sst s5  }
0xe: {  	[smem:$0x3FAE] =	sst s6  }
0xf: {  	[smem:$0x3FAF] =	sst s7  }
0x10: {  	[smem:$0x3FB0] =	sst s8  }
0x11: {  	[smem:$0x3FB1] =	sst s9;
	s0 =	simm.s32 @!p0 $0x0  }
0x12: {  	s1 =	sld [smem:$0x3F97];
	s0 =	simm.s32 @p0 $0x1  }
0x13: {  	[smem:$0x3FB2] =	sst s0;
	s0 =	simm.s32 @!p1 $0x0  }
0x14: {  	s2 =	sld [smem:$0x3F96];
	s0 =	simm.s32 @p1 $0x1  }
0x15: {  	[smem:$0x3FB3] =	sst s0;
	s0 =	simm.s32 @!p2 $0x0  }
0x16: {  	s3 =	sld [smem:$0x3FDB];
	s0 =	simm.s32 @p2 $0x1  }
0x17: {  	s4 =	simm.s32 $0x1BF5;
	[smem:$0x3FB5] =	sst s0  }
0x18: {  	s0 =	sld [smem:$0x3F98];
	_ =	swait.ge [sflag:s4], $0x0  }
0x19: {  	s7 =	sld [smem:$0x3F99]  }
0x1a: {  	s8 =	sadd.s32 $0xFFFFE003, lr  }
0x1b: {  	s9 =	sadd.s32 $0xFFFFFEF7, lr;
	s5 =	simm.s32 $0xFFFFFFFF;
	p2 =	slt.u32 s8, $0xFFFFF086  }
0x1c: {  	p1 =	slt.u32 s9, $0xF7A;
	s5 =	simm.s32 @!p2 $0x0  }
0x1d: {  	s5 =	simm.s32 @p1 $0x1;
	p0 =	seq.s32 s7, s2  }
0x1e: {  	s7 =	smul.u32 @!p0 $0xF7A, s2;
	p2 =	seq.s32 @!p0 s5, $0x0  }
0x1f: {  	s9 =	smul.u32 $0xF7A, s1;
	s8 =	simm.s32 @!p0 $0x1BF5;
	p2 =	por !p2, p0  }
0x20: {  	[sflag:s8] =	ssyncset.s32 @!p0 $0xFFFFF086;
	s6 =	sadd.s32 @!p0 s3, s7;
	s7 =	simm.s32 @!p0 $0x108  }
0x21: {  	s3 =	sadd.s32 s3, s9;
	s6 =	sadd.s32 @!p0 $0x88, s6;
	s7 =	simm.s32 @p2 $0x1082  }
0x22: {  	[simem:s7], [sflag:s8] =	dma.local @!p0 [hbm:s6], $0xF7A  }
0x23: {  	s9 =	sor.u32 $0xD0000000, s2;
	s6 =	simm.s32 $0x108;
	_ =	swait.ge @!p0 [sflag:s8], $0x0  }
0x24: {  	s3 =	sadd.s32 $0x88, s3;
	s6 =	simm.s32 @!p1 $0x1082;
	[sflag:s4] =	ssyncset.s32 $0xFFFFF086  }
0x25: {  	[simem:s6], [sflag:s4] =	dma.local [hbm:s3], $0xF7A  }
0x26: {  	[smem:$0x3F99] =	sst s1;
	(tag) =	ssettag s2;
	_ =	strace s9  }
0x27: {  	s1 =	sld [smem:$0x3FA9]  }
0x28: {  	s2 =	sld [smem:$0x3FAA]  }
0x29: {  	s4 =	sld [smem:$0x3FAC]  }
0x2a: {  	p0 =	seq.s32 s5, $0x0;
	s5 =	sld [smem:$0x3FAD]  }
0x2b: {  	s6 =	sld [smem:$0x3FAE]  }
0x2c: {  	s7 =	sld [smem:$0x3FAF]  }
0x2d: {  	s3 =	simm.s32 $0x108;
	s8 =	sld [smem:$0x3FB0]  }
0x2e: {  	s3 =	simm.s32 @!p0 $0x1082;
	s9 =	sld [smem:$0x3FB1]  }
0x2f: {  	lr =	sadd.s32 s0, s3;
	s0 =	sld [smem:$0x3FA8]  }
0x30: {  	s3 =	sld [smem:$0x3FAB]  }
0x31: {  	[smem:$0x3FB4] =	sst s10  }
0x32: {  	s10 =	sld [smem:$0x3FB2];
	_ =	sdelay $0x3  }
0x33: {  	p0 =	seq.s32 s10, $0x1;
	s10 =	sld [smem:$0x3FB4];
	_ =	sdelay $0x3  }
0x34: {  	[smem:$0x3FB4] =	sst s10  }
0x35: {  	s10 =	sld [smem:$0x3FB3];
	_ =	sdelay $0x3  }
0x36: {  	p1 =	seq.s32 s10, $0x1;
	s10 =	sld [smem:$0x3FB4];
	_ =	sdelay $0x3  }
0x37: {  	[smem:$0x3FB4] =	sst s10  }
0x38: {  	s10 =	sld [smem:$0x3FB5]  }
0x39: {  	_ = 	snop;
	(pc) =	sbr.ind lr, $3  }
0x3a: {  	_ = 	snop  }
0x3b: {  	_ = 	snop  }
0x3c: {  	p2 =	seq.s32 s10, $0x1;
	s10 =	sld [smem:$0x3FB4]  }
0x3d: {  	_ =	shalt  }
0x3e: {  	_ =	shalt  }
0x3f: {  	_ =	shalt  }
0x40: {  	_ =	shalt  }
0x41: {  	_ =	shalt  }
0x42: {  	_ =	shalt  }
0x43: {  	_ =	shalt  }
0x44: {  	_ =	shalt  }
0x45: {  	_ =	shalt  }
0x46: {  	_ =	shalt  }
0x47: {  	_ =	shalt  }
0x48: {  	_ =	shalt  }
0x49: {  	_ =	shalt  }
0x4a: {  	_ =	shalt  }
0x4b: {  	_ =	shalt  }
0x4c: {  	_ =	shalt  }
0x4d: {  	_ =	shalt  }
0x4e: {  	_ =	shalt  }
0x4f: {  	_ =	shalt  }
0x50: {  	_ =	shalt  }
0x51: {  	_ =	shalt  }
0x52: {  	_ =	shalt  }
0x53: {  	_ =	shalt  }
0x54: {  	_ =	shalt  }
0x55: {  	_ =	shalt  }
0x56: {  	_ =	shalt  }
0x57: {  	_ =	shalt  }
0x58: {  	_ =	shalt  }
0x59: {  	_ =	shalt  }
0x5a: {  	_ =	shalt  }
0x5b: {  	_ =	shalt  }
0x5c: {  	_ =	shalt  }
0x5d: {  	_ =	shalt  }
0x5e: {  	_ =	shalt  }
0x5f: {  	_ =	shalt  }
0x60: {  	_ =	shalt  }
0x61: {  	_ =	shalt  }
0x62: {  	_ =	shalt  }
0x63: {  	_ =	shalt  }
0x64: {  	_ =	shalt  }
0x65: {  	_ =	shalt  }
0x66: {  	_ =	shalt  }
0x67: {  	_ =	shalt  }
0x68: {  	_ =	shalt  }
0x69: {  	_ =	shalt  }
0x6a: {  	_ =	shalt  }
0x6b: {  	_ =	shalt  }
0x6c: {  	_ =	shalt  }
0x6d: {  	_ =	shalt  }
0x6e: {  	_ =	shalt  }
0x6f: {  	_ =	shalt  }
0x70: {  	_ =	shalt  }
0x71: {  	_ =	shalt  }
0x72: {  	_ =	shalt  }
0x73: {  	_ =	shalt  }
0x74: {  	_ =	shalt  }
0x75: {  	_ =	shalt  }
0x76: {  	_ =	shalt  }
0x77: {  	_ =	shalt  }
0x78: {  	_ =	shalt  }
0x79: {  	_ =	shalt  }
0x7a: {  	_ =	shalt  }
0x7b: {  	_ =	shalt  }
0x7c: {  	_ =	shalt  }
0x7d: {  	_ =	shalt  }
0x7e: {  	_ =	shalt  }
0x7f: {  	_ =	shalt  }
0x80: {  	_ =	shalt  }
0x81: {  	_ =	shalt  }
0x82: {  	_ =	shalt  }
0x83: {  	_ =	shalt  }
0x84: {  	_ =	shalt  }
0x85: {  	_ =	shalt  }
0x86: {  	_ =	shalt  }
0x87: {  	_ =	shalt  }
.Lfunc_end0:
.L_simem_size_0:
called_computation.1_lowered:
.L_overlay_start_0:
0x88: {  	s2 =	sld [smem:$0x3FD9]  }
0x89: {  	s3 =	sld [smem:$0x3FFE];
	_ =	sdelay $0x1  }
0x8a: {  	s1 =	srdreg.scid  }
0x8b: {  	s0 =	sand.u32 $0x1, s1  }
0x8c: {  	s16 =	sshll.u32 s0, $0xA;
	s2 =	sadd.s32 s3, s2  }
0x8d: {  	s2 =	sadd.s32 s2, s16  }
0x8e: {  	[smem:$0x3FC0] =	sst s2  }
0x8f: {  	_ = 	snop  }
0x90: {  	(tm) =	ssettm $0x1  }
0x91: {  	s17 =	sld [smem:$0x3FFB];
	_ =	sdelay $0x3  }
0x92: {  	_ =	strace s17  }
0x93: {  	s2 =	sld [smem:$0x3FFC];
	_ =	sdelay $0x3  }
0x94: {  	_ =	strace s2  }
0x95: {  	s2 =	sld [smem:$0x3FFD];
	_ =	sdelay $0x3  }
0x96: {  	_ =	strace s2  }
0x97: {  	_ =	strace $0x8FFFFFFF  }
0x98: {  	s18 =	sld [smem:$0x3FDB];
	_ =	sdelay $0x1  }
0x99: {  	s19 =	simm.s32 $_scs_section_size  }
0x9a: {  	s4 =	simm.s32 $_size__tile_overlayer_lowered;
	s5 =	simm.s32 $_tile_overlayer_lowered  }
0x9b: {  	s22 =	simm.s32 $0x1BFF;
	s21 =	sshll.u32 s5, $0x1;
	s2 =	sadd.s32 s19, s18  }
0x9c: {  	s6 =	simm.s32 $0x0;
	s20 =	sshll.u32 s4, $0x1;
	s4 =	sadd.s32 s21, s2  }
0x9d: {  	[timem:s6], [sflag:s22] =	dma.local [hbm:s4], s20  }
0x9e: {  	_ =	swait.ge [sflag:s22], s20  }
0x9f: {  	s3 =	ssub.s32 $0x0, s20;
	[sflag:s22] =	ssyncset.done $0x0  }
0xa0: {  	[sflag:s22] =	ssyncadd.s32 s3;
	_ =	sdelay $0x1  }
0xa1: {  	s23 =	simm.s32 $0x1B8B  }
0xa2: {  	_ =	swait.ge [sflag:s23], $0x1  }
0xa3: {  	[sflag:s23] =	ssyncset.done $0x0  }
0xa4: {  	s25 =	simm.s32 $0x1B8E;
	s24 =	sld [smem:$0x3FFE];
	[sflag:s23] =	ssyncadd.s32 $0xFFFFFFFF  }
0xa5: {  	s26 =	simm.s32 $execute0_lowered;
	[smem:$0x3FD2] =	sst s25  }
0xa6: {  	s4 =	sshll.u32 s26, $0x1;
	_ =	strace $0x80000049;
	[dreg:$0x1] =	wrdreg $0xFFFFFFFF  }
0xa7: {  	s28 =	simm.s32 $_size_execute0_lowered;
	s2 =	sadd.s32 s2, s4;
	[dreg:$0x0] =	wrdreg $0x0  }
0xa8: {  	s4 =	sshll.u32 s28, $0x1;
	[dreg:$0x2] =	wrdreg s2  }
0xa9: {  	[dreg:$0x3] =	wrdreg s4  }
0xaa: {  	[dreg:$0x4] =	wrdreg $0xC0  }
0xab: {  	_ =	task [dreg:s6], $0x5FFFF  }
0xac: {  	[dreg:$0x1] =	wrdreg $0xFFFFFFFF  }
0xad: {  	[dreg:$0x0] =	wrdreg $0x60  }
0xae: {  	[dreg:$0x2] =	wrdreg s24  }
0xaf: {  	[dreg:$0x3] =	wrdreg $0x88000  }
0xb0: {  	[dreg:$0x4] =	wrdreg $0x9  }
0xb1: {  	_ =	task.clear_ibuf [dreg:s6], $0x5FFFF;
	_ =	strace $0x90000049  }
0xb2: {  	s29 =	simm.s32 $0x9;
	_ =	strace $0x8000004B  }
0xb3: {  	_ =	swait.ge [sflag:s29], $0x1  }
0xb4: {  	[sflag:s29] =	ssyncadd.s32 $0xFFFFFFFF  }
0xb5: {  	_ =	strace $0x9000004B  }
0xb6: {  	_ =	sfence  }
0xb7: {  	s30 =	sld [smem:$0x0];
	_ =	sdelay $0x2  }
0xb8: {  	s31 =	sshll.u32 s1, $0xD;
	s1 =	sshrl.u32 s1, $0x2  }
0xb9: {  	s3 =	sand.u32 $0x4000, s31;
	s1 =	sadd.s32 s1, s30  }
0xba: {  	s0 =	sor.u32 s3, s0;
	s1 =	sshll.u32 s1, $0x11  }
0xbb: {  	s0 =	sor.u32 s1, s0  }
0xbc: {  	s0 =	sadd.s32 $0x8F2B, s0  }
0xbd: {  	[sflag:s0] =	ssyncadd.remote.s32 $0x1  }
0xbe: {  	_ =	sfence.sel $0xFFFF  }
0xbf: {  	[dreg:$0x0] =	wrdreg $0xFFFFFFFF;
	(pc) =	sbr.abs _section_cstart, $3  }
0xc0: {  	[dreg:$0x1] =	wrdreg $0xFFFFFFFF  }
0xc1: {  	_ =	task.clear_ibuf [dreg:s6], $0x2FFFF;
	_ =	strace $0x9FFFFFFF  }
0xc2: {  	(tm) =	ssettm $0x7FFFFFFF  }
0xc3: {  	_ =	shalt  }
tec
execute0_lowered:
.L_overlay_start_1:
0x0: {  	(tag) =	ssettag $0x1  }
0x1: {  	s0 =	rddreg [dreg:$0x0]  }
0x2: {  	s2 =	rddreg [dreg:$0x1]  }
0x3: {  	s1 =	srdreg.scid;
	s9 =	stileid.u32  }
0x4: {  	s3 =	simm.s32 $0x0;
	s12 =	simm.s32 $0x9;
	s13 =	simm.s32 $0x400  }
0x5: {  	s14 =	simm.s32 $0x40;
	s15 =	simm.s32 $0x800;
	s17 =	simm.s32 $0x2800  }
0x6: {  	s19 =	simm.s32 $0x4800;
	s20 =	simm.s32 $0x1;
	s28 =	simm.s32 $0x3  }
0x7: {  	s30 =	simm.s32 $0x6;
	s10 =	simm.s32 $0x280;
	s11 =	simm.s32 $0x300  }
0x8: {  	s16 =	simm.s32 $0x600;
	s29 =	simm.s32 $0x680;
	s4 =	smul.u32 $0x138, s9  }
0x9: {  	s31 =	simm.s32 $0x700;
	s1 =	sand.u32 $0x1, s1;
	s7 =	smul.u32 $0x14000, s9  }
0xa: {  	[smem:$0x7FF] =	sst s3;
	s5 =	sshll.u32 s9, $0x3;
	s21 =	smul.u32 $0x50000, s9  }
0xb: {  	s8 =	sadd.s32 $0x16E00, s0;
	s9 =	sshll.u32 s9, $0x6;
	s6 =	smul.u32 $0x140000, s1  }
0xc: {  	p0 =	seq.s32 s1, $0x0;
	s5 =	sor.u32 $0x1380, s5;
	_ =	strace $0x8000004A  }
0xd: {  	[dreg:$0x3] =	wrdreg s8;
	s22 =	ssub.s32 $0x2, s1;
	s8 =	simm.s32 $0x500  }
0xe: {  	s5 =	smov.u32 @p0 s4;
	s4 =	sadd.s32 $0x19600, s0;
	s23 =	sshrl.u32 s22, $0x1  }
0xf: {  	p0 =	sne.s32 s1, $0x0;
	s1 =	simm.s32 $0x0;
	s5 =	sshll.u32 s5, $0x4  }
0x10: {  	s6 =	sadd.s32 s7, s6;
	s7 =	sshrl.u32 s21, $0x2;
	s21 =	sor.u32 $0x1C09, s9  }
0x11: {  	s9 =	simm.s32 $0x8;
	s5 =	sadd.s32 s5, s0;
	s6 =	sshrl.u32 s6, $0x3  }
0x12: {  	s7 =	sadd.s32 s7, s2;
	[dreg:$0x4] =	wrdreg s21;
	s0 =	sadd.s32 s6, s0  }
0x13: {  	s6 =	ssub.s32 s22, s23;
	s25 =	sadd.s32 $0x69600, s5;
	s26 =	sadd.s32 $0x7D600, s5  }
0x14: {  	s22 =	simm.s32 $0x6800;
	s23 =	simm.s32 $0x2;
	[dreg:$0x7] =	wrdreg s25  }
0x15: {  	s5 =	simm.s32 $0x7;
	s0 =	sadd.s32 $0x91600, s0;
	[dreg:$0x8] =	wrdreg s26  }
0x16: {  	s24 =	smax.u32 s6, $0x1;
	s25 =	simm.s32 $0x5;
	[dreg:$0x5] =	wrdreg s0  }
0x17: {  	s6 =	simm.s32 $0x580;
	[dreg:$0x6] =	wrdreg s24;
	s24 =	sshrl.u32 s7, $0x3  }
0x18: {  	s26 =	simm.s32 $0x380;
	s0 =	simm.s32 $0x4;
	[dreg:$0x9] =	wrdreg s24  }
.LBB2_1:
0x19: {  	[dreg:$0xa] =	wrdreg s1  }
0x1a: {  	s18 =	rddreg [dreg:$0x3]  }
0x1b: {  	[spmem:s24], [sflag:s21] =	dma.local [hbm:s18], $0x2800  }
0x1c: {  	_ =	swait.ge [sflag:s12], $0x2800  }
0x1d: {  	[sflag:s12] =	ssyncset.done $0x0  }
0x1e: {  	[sflag:s12] =	ssyncadd.s32 $0xFFFFD800  }
0x1f: {  	[bflag:$0x0] =	sbarrier.arrive $0xFFFF  }
0x20: {  	s18 =	rddreg [dreg:$0x8]  }
0x21: {  	s1 =	simm.s32 $0x780;
	s24 =	simm.s32 $0x0;
	s21 =	rddreg [dreg:$0x7]  }
.LBB2_2:
0x22: {  	[tilespmem:s3], [sflag:$0x9] =	stream.linear.gather [hbm4b:s18+s3], $0x400, $0x38;
	[tilespmem:$0x1C800] =	vst v63  }
0x23: {  	_ =	swait.ge [sflag:s12], $0x400  }
0x24: {  	[sflag:s12] =	ssyncset.done $0x0  }
0x25: {  	[sflag:s12] =	ssyncadd.s32 $0xFFFFFC00  }
0x26: {  	[tilespmem:s13], [sflag:$0x9] =	stream.linear.gather [hbm4b:s21+s3], $0x400, $0x38;
	[tilespmem:$0x1C800] =	vst v63  }
0x27: {  	_ =	swait.ge [sflag:s12], $0x400  }
0x28: {  	[sflag:s12] =	ssyncset.done $0x0  }
0x29: {  	[sflag:s12] =	ssyncadd.s32 $0xFFFFFC00  }
0x2a: {  	[tilespmem:s15], [sflag:$0x1] =	stream.indirect.gather [hbm4b:s4+s14], $0x80, s3, s14, $0xb8;
	[tilespmem:$0x1C800] =	vst v63  }
0x2b: {  	s7 =	simm.s32 $0x80  }
0x2c: {  	[tilespmem:s17], [sflag:$0x2] =	stream.indirect.gather [hbm4b:s4+s14], $0x80, s7, s14, $0xb8;
	[tilespmem:$0x1C800] =	vst v63  }
0x2d: {  	s7 =	simm.s32 $0x100  }
0x2e: {  	[tilespmem:s19], [sflag:$0x3] =	stream.indirect.gather [hbm4b:s4+s14], $0x80, s7, s14, $0xb8;
	[tilespmem:$0x1C800] =	vst v63  }
0x2f: {  	_ =	swait.ge [sflag:s20], $0x2000  }
0x30: {  	[sflag:s20] =	ssyncset.done $0x0  }
0x31: {  	[sflag:s20] =	ssyncadd.s32 $0xFFFFE000  }
0x32: {  	[spmem:s2] =	stream.indirect.scatter.add.f32 [tilespmem:s15], [sflag:$0x5], $0x80, s13, s14, $0xb8;
	[tilespmem:$0x1C800] =	vst v63  }
0x33: {  	s7 =	simm.s32 $0x180  }
0x34: {  	[tilespmem:s22], [sflag:$0x4] =	stream.indirect.gather [hbm4b:s4+s14], $0x80, s7, s14, $0xb8;
	[tilespmem:$0x1C800] =	vst v63  }
0x35: {  	_ =	swait.ge [sflag:s23], $0x2000  }
0x36: {  	[sflag:s23] =	ssyncset.done $0x0  }
0x37: {  	s7 =	simm.s32 $0x480;
	[sflag:s23] =	ssyncadd.s32 $0xFFFFE000  }
0x38: {  	[spmem:s2] =	stream.indirect.scatter.add.f32 [tilespmem:s17], [sflag:$0x6], $0x80, s7, s14, $0xb8;
	[tilespmem:$0x1C800] =	vst v63  }
0x39: {  	_ =	swait.ge [sflag:s25], $0x2000  }
0x3a: {  	[sflag:s25] =	ssyncset.done $0x0  }
0x3b: {  	s7 =	simm.s32 $0x200;
	[sflag:s25] =	ssyncadd.s32 $0xFFFFE000  }
0x3c: {  	[tilespmem:s15], [sflag:$0x1] =	stream.indirect.gather [hbm4b:s4+s14], $0x80, s7, s14, $0xb8;
	[tilespmem:$0x1C800] =	vst v63  }
0x3d: {  	_ =	swait.ge [sflag:s28], $0x2000  }
0x3e: {  	[sflag:s28] =	ssyncset.done $0x0  }
0x3f: {  	[sflag:s28] =	ssyncadd.s32 $0xFFFFE000  }
0x40: {  	[spmem:s2] =	stream.indirect.scatter.add.f32 [tilespmem:s19], [sflag:$0x7], $0x80, s8, s14, $0xb8;
	[tilespmem:$0x1C800] =	vst v63  }
0x41: {  	_ =	swait.ge [sflag:s30], $0x2000  }
0x42: {  	[sflag:s30] =	ssyncset.done $0x0  }
0x43: {  	[sflag:s30] =	ssyncadd.s32 $0xFFFFE000  }
0x44: {  	[tilespmem:s17], [sflag:$0x2] =	stream.indirect.gather [hbm4b:s4+s14], $0x80, s10, s14, $0xb8;
	[tilespmem:$0x1C800] =	vst v63  }
0x45: {  	_ =	swait.ge [sflag:s0], $0x2000  }
0x46: {  	[sflag:s0] =	ssyncset.done $0x0  }
0x47: {  	[sflag:s0] =	ssyncadd.s32 $0xFFFFE000  }
0x48: {  	[spmem:s2] =	stream.indirect.scatter.add.f32 [tilespmem:s22], [sflag:$0x8], $0x80, s6, s14, $0xb8;
	[tilespmem:$0x1C800] =	vst v63  }
0x49: {  	_ =	swait.ge [sflag:s5], $0x2000  }
0x4a: {  	[sflag:s5] =	ssyncset.done $0x0  }
0x4b: {  	[sflag:s5] =	ssyncadd.s32 $0xFFFFE000  }
0x4c: {  	[tilespmem:s19], [sflag:$0x3] =	stream.indirect.gather [hbm4b:s4+s14], $0x80, s11, s14, $0xb8;
	[tilespmem:$0x1C800] =	vst v63  }
0x4d: {  	_ =	swait.ge [sflag:s20], $0x2000  }
0x4e: {  	[sflag:s20] =	ssyncset.done $0x0  }
0x4f: {  	[sflag:s20] =	ssyncadd.s32 $0xFFFFE000  }
0x50: {  	[spmem:s2] =	stream.indirect.scatter.add.f32 [tilespmem:s15], [sflag:$0x5], $0x80, s16, s14, $0xb8;
	[tilespmem:$0x1C800] =	vst v63  }
0x51: {  	_ =	swait.ge [sflag:s9], $0x2000  }
0x52: {  	[sflag:s9] =	ssyncset.done $0x0  }
0x53: {  	[sflag:s9] =	ssyncadd.s32 $0xFFFFE000  }
0x54: {  	[tilespmem:s22], [sflag:$0x4] =	stream.indirect.gather [hbm4b:s4+s14], $0x80, s26, s14, $0xb8;
	[tilespmem:$0x1C800] =	vst v63  }
0x55: {  	_ =	swait.ge [sflag:s23], $0x2000  }
0x56: {  	[sflag:s23] =	ssyncset.done $0x0  }
0x57: {  	[sflag:s23] =	ssyncadd.s32 $0xFFFFE000  }
0x58: {  	[spmem:s2] =	stream.indirect.scatter.add.f32 [tilespmem:s17], [sflag:$0x6], $0x80, s29, s14, $0xb8;
	[tilespmem:$0x1C800] =	vst v63  }
0x59: {  	_ =	swait.ge [sflag:s28], $0x2000  }
0x5a: {  	[sflag:s28] =	ssyncset.done $0x0  }
0x5b: {  	[sflag:s28] =	ssyncadd.s32 $0xFFFFE000  }
0x5c: {  	[spmem:s2] =	stream.indirect.scatter.add.f32 [tilespmem:s19], [sflag:$0x7], $0x80, s31, s14, $0xb8;
	[tilespmem:$0x1C800] =	vst v63  }
0x5d: {  	_ =	swait.ge [sflag:s0], $0x2000  }
0x5e: {  	[sflag:s0] =	ssyncset.done $0x0  }
0x5f: {  	[sflag:s0] =	ssyncadd.s32 $0xFFFFE000  }
0x60: {  	[spmem:s2] =	stream.indirect.scatter.add.f32 [tilespmem:s22], [sflag:$0x8], $0x80, s1, s14, $0xb8;
	[tilespmem:$0x1C800] =	vst v63  }
0x61: {  	_ =	swait.ge [sflag:s25], $0x2000  }
0x62: {  	[sflag:s25] =	ssyncset.done $0x0  }
0x63: {  	[sflag:s25] =	ssyncadd.s32 $0xFFFFE000  }
0x64: {  	_ =	swait.ge [sflag:s30], $0x2000  }
0x65: {  	[sflag:s30] =	ssyncset.done $0x0  }
0x66: {  	p1 =	slt.u32 @!p0 s24, $0x26;
	[sflag:s30] =	ssyncadd.s32 $0xFFFFE000  }
0x67: {  	p1 =	por p0, !p1;
	_ =	swait.ge [sflag:s5], $0x2000  }
.Ltmp0:
0x68: {  	[sflag:s5] =	ssyncset.done $0x0;
	(pc) =	sbr.rel @!p1 .LBB2_2-.Ltmp0, $4  }
0x69: {  	[sflag:s5] =	ssyncadd.s32 $0xFFFFE000  }
0x6a: {  	_ =	swait.ge [sflag:s9], $0x2000  }
0x6b: {  	s24 =	sadd.s32 $0x1, s24;
	[sflag:s9] =	ssyncset.done $0x0  }
0x6c: {  	s18 =	sadd.s32 $0x80, s18;
	s21 =	sadd.s32 $0x80, s21;
	[sflag:s9] =	ssyncadd.s32 $0xFFFFE000  }
0x6d: {  	[bflag:$0x0] =	sbarrier.arrive $0xFFFF  }
0x6e: {  	s21 =	rddreg [dreg:$0x4]  }
0x6f: {  	s18 =	rddreg [dreg:$0x5]  }
0x70: {  	s24 =	rddreg [dreg:$0x9]  }
0x71: {  	[hbm:s18], [sflag:s21] =	dma.local [spmem:s24], $0x2800  }
0x72: {  	_ =	swait.ge [sflag:s12], $0x2800  }
0x73: {  	s1 =	rddreg [dreg:$0xa]  }
0x74: {  	s7 =	rddreg [dreg:$0x6];
	s1 =	sadd.s32 $0x1, s1  }
0x75: {  	p1 =	sne.s32 s1, s7  }
.Ltmp1:
0x76: {  	_ = 	snop;
	(pc) =	sbr.rel @p1 .LBB2_1-.Ltmp1, $3  }
0x77: {  	_ =	sdelay $0x1  }
0x78: {  	[sflag:s12] =	ssyncset.done $0x0  }
0x79: {  	[sflag:s12] =	ssyncadd.s32 $0xFFFFD800  }
0x7a: {  	_ =	sfence.sel $0x180000  }
0x7b: {  	[bflag:$0x0] =	sbarrier.arrive $0xFFFF  }
0x7c: {  	_ =	strace $0x9000004A  }
0x7d: {  	s0 =	stileid.u32;
	[bflag:$0x2] =	sbarrier.arrive $0xFFFF  }
0x7e: {  	p0 =	sne.s32 s0, $0x0;
	s0 =	rddreg [dreg:$0x2]  }
0x7f: {  	s0 =	sadd.s32 @!p0 $0x100000, s0  }
0x80: {  	[sflag:s0] =	ssyncadd.tile.s32 @!p0 $0x1;
	_ =	shalt  }
.Lfunc_end2:
_tile_overlayer_lowered:
.L_overlay_start_2:
0x81: {  	(tag) =	ssettag $0x2  }
0x82: {  	s0 =	rddreg [dreg:$0x0];
	s2 =	stileid.u32  }
0x83: {  	s1 =	rddreg [dreg:$0x1];
	p0 =	sne.s32 s2, $0x0  }
0x84: {  	s3 =	rddreg [dreg:$0x2];
	[bflag:$0x3] =	sbarrier.arrive $0xFFFF;
	s2 =	simm.s32 @!p0 $0x1C09  }
0x85: {  	[timem:s3], [sflag:s2] =	dma.local @!p0 [hbm:s0], s1  }
0x86: {  	s0 =	simm.s32 @!p0 $0x9  }
0x87: {  	_ =	swait.ge @!p0 [sflag:s0], s1  }
0x88: {  	s1 =	ssub.s32 @!p0 $0x0, s1;
	[sflag:s0] =	ssyncset.done @!p0 $0x0  }
0x89: {  	[sflag:s0] =	ssyncadd.s32 @!p0 s1  }
0x8a: {  	[bflag:$0x3] =	sbarrier.arrive $0xFFFF  }
0x8b: {  	_ =	shalt  }

// kernel: kernel.16.cloned.1.call-start
scs
__scs_entry_jumppad:
0x0: {  	(pc) =	sbr.rel $0x88, $3  }
0x1: {  	(tag) =	ssettag $0x0;
	lr =	simm.s32 $0x1  }
0x2: {  	[smem:$0x3F99] =	sst lr;
	_ =	strace $0xD0000000  }
0x3: {  	_ = 	snop  }
0x4: {  	_ = 	snop  }
0x5: {  	_ = 	snop  }
0x6: {  	_ = 	snop  }
0x7: {  	_ = 	snop  }
__scs_overlays_trampoline_lowered:
0x8: {  	[smem:$0x3FA8] =	sst s0  }
0x9: {  	[smem:$0x3FA9] =	sst s1  }
0xa: {  	[smem:$0x3FAA] =	sst s2  }
0xb: {  	[smem:$0x3FAB] =	sst s3  }
0xc: {  	[smem:$0x3FAC] =	sst s4  }
0xd: {  	[smem:$0x3FAD] =	sst s5  }
0xe: {  	[smem:$0x3FAE] =	sst s6  }
0xf: {  	[smem:$0x3FAF] =	sst s7  }
0x10: {  	[smem:$0x3FB0] =	sst s8  }
0x11: {  	[smem:$0x3FB1] =	sst s9;
	s0 =	simm.s32 @!p0 $0x0  }
0x12: {  	s1 =	sld [smem:$0x3F97];
	s0 =	simm.s32 @p0 $0x1  }
0x13: {  	[smem:$0x3FB2] =	sst s0;
	s0 =	simm.s32 @!p1 $0x0  }
0x14: {  	s2 =	sld [smem:$0x3F96];
	s0 =	simm.s32 @p1 $0x1  }
0x15: {  	[smem:$0x3FB3] =	sst s0;
	s0 =	simm.s32 @!p2 $0x0  }
0x16: {  	s3 =	sld [smem:$0x3FDB];
	s0 =	simm.s32 @p2 $0x1  }
0x17: {  	s4 =	simm.s32 $0x1BF5;
	[smem:$0x3FB5] =	sst s0  }
0x18: {  	s0 =	sld [smem:$0x3F98];
	_ =	swait.ge [sflag:s4], $0x0  }
0x19: {  	s7 =	sld [smem:$0x3F99]  }
0x1a: {  	s8 =	sadd.s32 $0xFFFFE003, lr  }
0x1b: {  	s9 =	sadd.s32 $0xFFFFFEF7, lr;
	s5 =	simm.s32 $0xFFFFFFFF;
	p2 =	slt.u32 s8, $0xFFFFF086  }
0x1c: {  	p1 =	slt.u32 s9, $0xF7A;
	s5 =	simm.s32 @!p2 $0x0  }
0x1d: {  	s5 =	simm.s32 @p1 $0x1;
	p0 =	seq.s32 s7, s2  }
0x1e: {  	s7 =	smul.u32 @!p0 $0xF7A, s2;
	p2 =	seq.s32 @!p0 s5, $0x0  }
0x1f: {  	s9 =	smul.u32 $0xF7A, s1;
	s8 =	simm.s32 @!p0 $0x1BF5;
	p2 =	por !p2, p0  }
0x20: {  	[sflag:s8] =	ssyncset.s32 @!p0 $0xFFFFF086;
	s6 =	sadd.s32 @!p0 s3, s7;
	s7 =	simm.s32 @!p0 $0x108  }
0x21: {  	s3 =	sadd.s32 s3, s9;
	s6 =	sadd.s32 @!p0 $0x88, s6;
	s7 =	simm.s32 @p2 $0x1082  }
0x22: {  	[simem:s7], [sflag:s8] =	dma.local @!p0 [hbm:s6], $0xF7A  }
0x23: {  	s9 =	sor.u32 $0xD0000000, s2;
	s6 =	simm.s32 $0x108;
	_ =	swait.ge @!p0 [sflag:s8], $0x0  }
0x24: {  	s3 =	sadd.s32 $0x88, s3;
	s6 =	simm.s32 @!p1 $0x1082;
	[sflag:s4] =	ssyncset.s32 $0xFFFFF086  }
0x25: {  	[simem:s6], [sflag:s4] =	dma.local [hbm:s3], $0xF7A  }
0x26: {  	[smem:$0x3F99] =	sst s1;
	(tag) =	ssettag s2;
	_ =	strace s9  }
0x27: {  	s1 =	sld [smem:$0x3FA9]  }
0x28: {  	s2 =	sld [smem:$0x3FAA]  }
0x29: {  	s4 =	sld [smem:$0x3FAC]  }
0x2a: {  	p0 =	seq.s32 s5, $0x0;
	s5 =	sld [smem:$0x3FAD]  }
0x2b: {  	s6 =	sld [smem:$0x3FAE]  }
0x2c: {  	s7 =	sld [smem:$0x3FAF]  }
0x2d: {  	s3 =	simm.s32 $0x108;
	s8 =	sld [smem:$0x3FB0]  }
0x2e: {  	s3 =	simm.s32 @!p0 $0x1082;
	s9 =	sld [smem:$0x3FB1]  }
0x2f: {  	lr =	sadd.s32 s0, s3;
	s0 =	sld [smem:$0x3FA8]  }
0x30: {  	s3 =	sld [smem:$0x3FAB]  }
0x31: {  	[smem:$0x3FB4] =	sst s10  }
0x32: {  	s10 =	sld [smem:$0x3FB2];
	_ =	sdelay $0x3  }
0x33: {  	p0 =	seq.s32 s10, $0x1;
	s10 =	sld [smem:$0x3FB4];
	_ =	sdelay $0x3  }
0x34: {  	[smem:$0x3FB4] =	sst s10  }
0x35: {  	s10 =	sld [smem:$0x3FB3];
	_ =	sdelay $0x3  }
0x36: {  	p1 =	seq.s32 s10, $0x1;
	s10 =	sld [smem:$0x3FB4];
	_ =	sdelay $0x3  }
0x37: {  	[smem:$0x3FB4] =	sst s10  }
0x38: {  	s10 =	sld [smem:$0x3FB5]  }
0x39: {  	_ = 	snop;
	(pc) =	sbr.ind lr, $3  }
0x3a: {  	_ = 	snop  }
0x3b: {  	_ = 	snop  }
0x3c: {  	p2 =	seq.s32 s10, $0x1;
	s10 =	sld [smem:$0x3FB4]  }
0x3d: {  	_ =	shalt  }
0x3e: {  	_ =	shalt  }
0x3f: {  	_ =	shalt  }
0x40: {  	_ =	shalt  }
0x41: {  	_ =	shalt  }
0x42: {  	_ =	shalt  }
0x43: {  	_ =	shalt  }
0x44: {  	_ =	shalt  }
0x45: {  	_ =	shalt  }
0x46: {  	_ =	shalt  }
0x47: {  	_ =	shalt  }
0x48: {  	_ =	shalt  }
0x49: {  	_ =	shalt  }
0x4a: {  	_ =	shalt  }
0x4b: {  	_ =	shalt  }
0x4c: {  	_ =	shalt  }
0x4d: {  	_ =	shalt  }
0x4e: {  	_ =	shalt  }
0x4f: {  	_ =	shalt  }
0x50: {  	_ =	shalt  }
0x51: {  	_ =	shalt  }
0x52: {  	_ =	shalt  }
0x53: {  	_ =	shalt  }
0x54: {  	_ =	shalt  }
0x55: {  	_ =	shalt  }
0x56: {  	_ =	shalt  }
0x57: {  	_ =	shalt  }
0x58: {  	_ =	shalt  }
0x59: {  	_ =	shalt  }
0x5a: {  	_ =	shalt  }
0x5b: {  	_ =	shalt  }
0x5c: {  	_ =	shalt  }
0x5d: {  	_ =	shalt  }
0x5e: {  	_ =	shalt  }
0x5f: {  	_ =	shalt  }
0x60: {  	_ =	shalt  }
0x61: {  	_ =	shalt  }
0x62: {  	_ =	shalt  }
0x63: {  	_ =	shalt  }
0x64: {  	_ =	shalt  }
0x65: {  	_ =	shalt  }
0x66: {  	_ =	shalt  }
0x67: {  	_ =	shalt  }
0x68: {  	_ =	shalt  }
0x69: {  	_ =	shalt  }
0x6a: {  	_ =	shalt  }
0x6b: {  	_ =	shalt  }
0x6c: {  	_ =	shalt  }
0x6d: {  	_ =	shalt  }
0x6e: {  	_ =	shalt  }
0x6f: {  	_ =	shalt  }
0x70: {  	_ =	shalt  }
0x71: {  	_ =	shalt  }
0x72: {  	_ =	shalt  }
0x73: {  	_ =	shalt  }
0x74: {  	_ =	shalt  }
0x75: {  	_ =	shalt  }
0x76: {  	_ =	shalt  }
0x77: {  	_ =	shalt  }
0x78: {  	_ =	shalt  }
0x79: {  	_ =	shalt  }
0x7a: {  	_ =	shalt  }
0x7b: {  	_ =	shalt  }
0x7c: {  	_ =	shalt  }
0x7d: {  	_ =	shalt  }
0x7e: {  	_ =	shalt  }
0x7f: {  	_ =	shalt  }
0x80: {  	_ =	shalt  }
0x81: {  	_ =	shalt  }
0x82: {  	_ =	shalt  }
0x83: {  	_ =	shalt  }
0x84: {  	_ =	shalt  }
0x85: {  	_ =	shalt  }
0x86: {  	_ =	shalt  }
0x87: {  	_ =	shalt  }
.Lfunc_end0:
.L_simem_size_0:
called_computation.2_lowered:
.L_overlay_start_0:
0x88: {  	s2 =	sld [smem:$0x3FD9]  }
0x89: {  	s3 =	sld [smem:$0x3FFE];
	_ =	sdelay $0x1  }
0x8a: {  	s1 =	srdreg.scid  }
0x8b: {  	s0 =	sand.u32 $0x1, s1  }
0x8c: {  	s16 =	sshll.u32 s0, $0xA;
	s2 =	sadd.s32 s3, s2  }
0x8d: {  	s2 =	sadd.s32 s2, s16  }
0x8e: {  	[smem:$0x3FC0] =	sst s2  }
0x8f: {  	_ = 	snop  }
0x90: {  	(tm) =	ssettm $0x1  }
0x91: {  	s17 =	sld [smem:$0x3FFB];
	_ =	sdelay $0x3  }
0x92: {  	_ =	strace s17  }
0x93: {  	s2 =	sld [smem:$0x3FFC];
	_ =	sdelay $0x3  }
0x94: {  	_ =	strace s2  }
0x95: {  	s2 =	sld [smem:$0x3FFD];
	_ =	sdelay $0x3  }
0x96: {  	_ =	strace s2  }
0x97: {  	_ =	strace $0x8FFFFFFF  }
0x98: {  	s18 =	sld [smem:$0x3FDB];
	_ =	sdelay $0x1  }
0x99: {  	s19 =	simm.s32 $_scs_section_size  }
0x9a: {  	s4 =	simm.s32 $_size__tile_overlayer_lowered;
	s5 =	simm.s32 $_tile_overlayer_lowered  }
0x9b: {  	s22 =	simm.s32 $0x1BFF;
	s21 =	sshll.u32 s5, $0x1;
	s2 =	sadd.s32 s19, s18  }
0x9c: {  	s6 =	simm.s32 $0x0;
	s20 =	sshll.u32 s4, $0x1;
	s4 =	sadd.s32 s21, s2  }
0x9d: {  	[timem:s6], [sflag:s22] =	dma.local [hbm:s4], s20  }
0x9e: {  	_ =	swait.ge [sflag:s22], s20  }
0x9f: {  	s3 =	ssub.s32 $0x0, s20;
	[sflag:s22] =	ssyncset.done $0x0  }
0xa0: {  	[sflag:s22] =	ssyncadd.s32 s3;
	_ =	sdelay $0x1  }
0xa1: {  	s23 =	simm.s32 $0x1B8B  }
0xa2: {  	_ =	swait.ge [sflag:s23], $0x1  }
0xa3: {  	[sflag:s23] =	ssyncset.done $0x0  }
0xa4: {  	s25 =	simm.s32 $0x1B8E;
	s24 =	sld [smem:$0x3FFE];
	[sflag:s23] =	ssyncadd.s32 $0xFFFFFFFF  }
0xa5: {  	s26 =	simm.s32 $execute0_lowered;
	[smem:$0x3FD2] =	sst s25  }
0xa6: {  	s4 =	sshll.u32 s26, $0x1;
	_ =	strace $0x8000004C;
	[dreg:$0x1] =	wrdreg $0xFFFFFFFF  }
0xa7: {  	s28 =	simm.s32 $_size_execute0_lowered;
	s2 =	sadd.s32 s2, s4;
	[dreg:$0x0] =	wrdreg $0x0  }
0xa8: {  	s4 =	sshll.u32 s28, $0x1;
	[dreg:$0x2] =	wrdreg s2  }
0xa9: {  	[dreg:$0x3] =	wrdreg s4  }
0xaa: {  	[dreg:$0x4] =	wrdreg $0xC0  }
0xab: {  	_ =	task [dreg:s6], $0x5FFFF  }
0xac: {  	[dreg:$0x1] =	wrdreg $0xFFFFFFFF  }
0xad: {  	[dreg:$0x0] =	wrdreg $0x60  }
0xae: {  	[dreg:$0x2] =	wrdreg s24  }
0xaf: {  	[dreg:$0x3] =	wrdreg $0x88000  }
0xb0: {  	[dreg:$0x4] =	wrdreg $0x9  }
0xb1: {  	_ =	task.clear_ibuf [dreg:s6], $0x5FFFF;
	_ =	strace $0x9000004C  }
0xb2: {  	s29 =	simm.s32 $0x9;
	_ =	strace $0x8000004E  }
0xb3: {  	_ =	swait.ge [sflag:s29], $0x1  }
0xb4: {  	[sflag:s29] =	ssyncadd.s32 $0xFFFFFFFF  }
0xb5: {  	_ =	strace $0x9000004E  }
0xb6: {  	_ =	sfence  }
0xb7: {  	s30 =	sld [smem:$0x0];
	_ =	sdelay $0x2  }
0xb8: {  	s31 =	sshll.u32 s1, $0xD;
	s1 =	sshrl.u32 s1, $0x2  }
0xb9: {  	s3 =	sand.u32 $0x4000, s31;
	s1 =	sadd.s32 s1, s30  }
0xba: {  	s0 =	sor.u32 s3, s0;
	s1 =	sshll.u32 s1, $0x11  }
0xbb: {  	s0 =	sor.u32 s1, s0  }
0xbc: {  	s0 =	sadd.s32 $0x8F2B, s0  }
0xbd: {  	[sflag:s0] =	ssyncadd.remote.s32 $0x1  }
0xbe: {  	_ =	sfence.sel $0xFFFF  }
0xbf: {  	[dreg:$0x0] =	wrdreg $0xFFFFFFFF;
	(pc) =	sbr.abs _section_cstart, $3  }
0xc0: {  	[dreg:$0x1] =	wrdreg $0xFFFFFFFF  }
0xc1: {  	_ =	task.clear_ibuf [dreg:s6], $0x2FFFF;
	_ =	strace $0x9FFFFFFF  }
0xc2: {  	(tm) =	ssettm $0x7FFFFFFF  }
0xc3: {  	_ =	shalt  }
tec
execute0_lowered:
.L_overlay_start_1:
0x0: {  	(tag) =	ssettag $0x1  }
0x1: {  	s0 =	rddreg [dreg:$0x0]  }
0x2: {  	s2 =	rddreg [dreg:$0x1]  }
0x3: {  	s1 =	srdreg.scid;
	s9 =	stileid.u32  }
0x4: {  	s3 =	simm.s32 $0x0;
	s12 =	simm.s32 $0x9;
	s13 =	simm.s32 $0x400  }
0x5: {  	s14 =	simm.s32 $0x40;
	s15 =	simm.s32 $0x800;
	s17 =	simm.s32 $0x2800  }
0x6: {  	s19 =	simm.s32 $0x4800;
	s20 =	simm.s32 $0x1;
	s28 =	simm.s32 $0x3  }
0x7: {  	s30 =	simm.s32 $0x6;
	s10 =	simm.s32 $0x280;
	s11 =	simm.s32 $0x300  }
0x8: {  	s16 =	simm.s32 $0x600;
	s29 =	simm.s32 $0x680;
	s4 =	smul.u32 $0x138, s9  }
0x9: {  	s31 =	simm.s32 $0x700;
	s1 =	sand.u32 $0x1, s1;
	s7 =	smul.u32 $0x14000, s9  }
0xa: {  	[smem:$0x7FF] =	sst s3;
	s5 =	sshll.u32 s9, $0x3;
	s21 =	smul.u32 $0x50000, s9  }
0xb: {  	s8 =	sadd.s32 $0x16E00, s0;
	s9 =	sshll.u32 s9, $0x6;
	s6 =	smul.u32 $0x140000, s1  }
0xc: {  	p0 =	seq.s32 s1, $0x0;
	s5 =	sor.u32 $0x1380, s5;
	_ =	strace $0x8000004D  }
0xd: {  	[dreg:$0x3] =	wrdreg s8;
	s22 =	ssub.s32 $0x2, s1;
	s8 =	simm.s32 $0x500  }
0xe: {  	s5 =	smov.u32 @p0 s4;
	s4 =	sadd.s32 $0x19600, s0;
	s23 =	sshrl.u32 s22, $0x1  }
0xf: {  	p0 =	sne.s32 s1, $0x0;
	s1 =	simm.s32 $0x0;
	s5 =	sshll.u32 s5, $0x4  }
0x10: {  	s6 =	sadd.s32 s7, s6;
	s7 =	sshrl.u32 s21, $0x2;
	s21 =	sor.u32 $0x1C09, s9  }
0x11: {  	s9 =	simm.s32 $0x8;
	s5 =	sadd.s32 s5, s0;
	s6 =	sshrl.u32 s6, $0x3  }
0x12: {  	s7 =	sadd.s32 s7, s2;
	[dreg:$0x4] =	wrdreg s21;
	s0 =	sadd.s32 s6, s0  }
0x13: {  	s6 =	ssub.s32 s22, s23;
	s25 =	sadd.s32 $0x69600, s5;
	s26 =	sadd.s32 $0x7D600, s5  }
0x14: {  	s22 =	simm.s32 $0x6800;
	s23 =	simm.s32 $0x2;
	[dreg:$0x7] =	wrdreg s25  }
0x15: {  	s5 =	simm.s32 $0x7;
	s0 =	sadd.s32 $0x91600, s0;
	[dreg:$0x8] =	wrdreg s26  }
0x16: {  	s24 =	smax.u32 s6, $0x1;
	s25 =	simm.s32 $0x5;
	[dreg:$0x5] =	wrdreg s0  }
0x17: {  	s6 =	simm.s32 $0x580;
	[dreg:$0x6] =	wrdreg s24;
	s24 =	sshrl.u32 s7, $0x3  }
0x18: {  	s26 =	simm.s32 $0x380;
	s0 =	simm.s32 $0x4;
	[dreg:$0x9] =	wrdreg s24  }
.LBB2_1:
0x19: {  	[dreg:$0xa] =	wrdreg s1  }
0x1a: {  	s18 =	rddreg [dreg:$0x3]  }
0x1b: {  	[spmem:s24], [sflag:s21] =	dma.local [hbm:s18], $0x2800  }
0x1c: {  	_ =	swait.ge [sflag:s12], $0x2800  }
0x1d: {  	[sflag:s12] =	ssyncset.done $0x0  }
0x1e: {  	[sflag:s12] =	ssyncadd.s32 $0xFFFFD800  }
0x1f: {  	[bflag:$0x0] =	sbarrier.arrive $0xFFFF  }
0x20: {  	s18 =	rddreg [dreg:$0x8]  }
0x21: {  	s1 =	simm.s32 $0x780;
	s24 =	simm.s32 $0x0;
	s21 =	rddreg [dreg:$0x7]  }
.LBB2_2:
0x22: {  	[tilespmem:s3], [sflag:$0x9] =	stream.linear.gather [hbm4b:s18+s3], $0x400, $0x38;
	[tilespmem:$0x1C800] =	vst v63  }
0x23: {  	_ =	swait.ge [sflag:s12], $0x400  }
0x24: {  	[sflag:s12] =	ssyncset.done $0x0  }
0x25: {  	[sflag:s12] =	ssyncadd.s32 $0xFFFFFC00  }
0x26: {  	[tilespmem:s13], [sflag:$0x9] =	stream.linear.gather [hbm4b:s21+s3], $0x400, $0x38;
	[tilespmem:$0x1C800] =	vst v63  }
0x27: {  	_ =	swait.ge [sflag:s12], $0x400  }
0x28: {  	[sflag:s12] =	ssyncset.done $0x0  }
0x29: {  	[sflag:s12] =	ssyncadd.s32 $0xFFFFFC00  }
0x2a: {  	[tilespmem:s15], [sflag:$0x1] =	stream.indirect.gather [hbm4b:s4+s14], $0x80, s3, s14, $0xb8;
	[tilespmem:$0x1C800] =	vst v63  }
0x2b: {  	s7 =	simm.s32 $0x80  }
0x2c: {  	[tilespmem:s17], [sflag:$0x2] =	stream.indirect.gather [hbm4b:s4+s14], $0x80, s7, s14, $0xb8;
	[tilespmem:$0x1C800] =	vst v63  }
0x2d: {  	s7 =	simm.s32 $0x100  }
0x2e: {  	[tilespmem:s19], [sflag:$0x3] =	stream.indirect.gather [hbm4b:s4+s14], $0x80, s7, s14, $0xb8;
	[tilespmem:$0x1C800] =	vst v63  }
0x2f: {  	_ =	swait.ge [sflag:s20], $0x2000  }
0x30: {  	[sflag:s20] =	ssyncset.done $0x0  }
0x31: {  	[sflag:s20] =	ssyncadd.s32 $0xFFFFE000  }
0x32: {  	[spmem:s2] =	stream.indirect.scatter.add.f32 [tilespmem:s15], [sflag:$0x5], $0x80, s13, s14, $0xb8;
	[tilespmem:$0x1C800] =	vst v63  }
0x33: {  	s7 =	simm.s32 $0x180  }
0x34: {  	[tilespmem:s22], [sflag:$0x4] =	stream.indirect.gather [hbm4b:s4+s14], $0x80, s7, s14, $0xb8;
	[tilespmem:$0x1C800] =	vst v63  }
0x35: {  	_ =	swait.ge [sflag:s23], $0x2000  }
0x36: {  	[sflag:s23] =	ssyncset.done $0x0  }
0x37: {  	s7 =	simm.s32 $0x480;
	[sflag:s23] =	ssyncadd.s32 $0xFFFFE000  }
0x38: {  	[spmem:s2] =	stream.indirect.scatter.add.f32 [tilespmem:s17], [sflag:$0x6], $0x80, s7, s14, $0xb8;
	[tilespmem:$0x1C800] =	vst v63  }
0x39: {  	_ =	swait.ge [sflag:s25], $0x2000  }
0x3a: {  	[sflag:s25] =	ssyncset.done $0x0  }
0x3b: {  	s7 =	simm.s32 $0x200;
	[sflag:s25] =	ssyncadd.s32 $0xFFFFE000  }
0x3c: {  	[tilespmem:s15], [sflag:$0x1] =	stream.indirect.gather [hbm4b:s4+s14], $0x80, s7, s14, $0xb8;
	[tilespmem:$0x1C800] =	vst v63  }
0x3d: {  	_ =	swait.ge [sflag:s28], $0x2000  }
0x3e: {  	[sflag:s28] =	ssyncset.done $0x0  }
0x3f: {  	[sflag:s28] =	ssyncadd.s32 $0xFFFFE000  }
0x40: {  	[spmem:s2] =	stream.indirect.scatter.add.f32 [tilespmem:s19], [sflag:$0x7], $0x80, s8, s14, $0xb8;
	[tilespmem:$0x1C800] =	vst v63  }
0x41: {  	_ =	swait.ge [sflag:s30], $0x2000  }
0x42: {  	[sflag:s30] =	ssyncset.done $0x0  }
0x43: {  	[sflag:s30] =	ssyncadd.s32 $0xFFFFE000  }
0x44: {  	[tilespmem:s17], [sflag:$0x2] =	stream.indirect.gather [hbm4b:s4+s14], $0x80, s10, s14, $0xb8;
	[tilespmem:$0x1C800] =	vst v63  }
0x45: {  	_ =	swait.ge [sflag:s0], $0x2000  }
0x46: {  	[sflag:s0] =	ssyncset.done $0x0  }
0x47: {  	[sflag:s0] =	ssyncadd.s32 $0xFFFFE000  }
0x48: {  	[spmem:s2] =	stream.indirect.scatter.add.f32 [tilespmem:s22], [sflag:$0x8], $0x80, s6, s14, $0xb8;
	[tilespmem:$0x1C800] =	vst v63  }
0x49: {  	_ =	swait.ge [sflag:s5], $0x2000  }
0x4a: {  	[sflag:s5] =	ssyncset.done $0x0  }
0x4b: {  	[sflag:s5] =	ssyncadd.s32 $0xFFFFE000  }
0x4c: {  	[tilespmem:s19], [sflag:$0x3] =	stream.indirect.gather [hbm4b:s4+s14], $0x80, s11, s14, $0xb8;
	[tilespmem:$0x1C800] =	vst v63  }
0x4d: {  	_ =	swait.ge [sflag:s20], $0x2000  }
0x4e: {  	[sflag:s20] =	ssyncset.done $0x0  }
0x4f: {  	[sflag:s20] =	ssyncadd.s32 $0xFFFFE000  }
0x50: {  	[spmem:s2] =	stream.indirect.scatter.add.f32 [tilespmem:s15], [sflag:$0x5], $0x80, s16, s14, $0xb8;
	[tilespmem:$0x1C800] =	vst v63  }
0x51: {  	_ =	swait.ge [sflag:s9], $0x2000  }
0x52: {  	[sflag:s9] =	ssyncset.done $0x0  }
0x53: {  	[sflag:s9] =	ssyncadd.s32 $0xFFFFE000  }
0x54: {  	[tilespmem:s22], [sflag:$0x4] =	stream.indirect.gather [hbm4b:s4+s14], $0x80, s26, s14, $0xb8;
	[tilespmem:$0x1C800] =	vst v63  }
0x55: {  	_ =	swait.ge [sflag:s23], $0x2000  }
0x56: {  	[sflag:s23] =	ssyncset.done $0x0  }
0x57: {  	[sflag:s23] =	ssyncadd.s32 $0xFFFFE000  }
0x58: {  	[spmem:s2] =	stream.indirect.scatter.add.f32 [tilespmem:s17], [sflag:$0x6], $0x80, s29, s14, $0xb8;
	[tilespmem:$0x1C800] =	vst v63  }
0x59: {  	_ =	swait.ge [sflag:s28], $0x2000  }
0x5a: {  	[sflag:s28] =	ssyncset.done $0x0  }
0x5b: {  	[sflag:s28] =	ssyncadd.s32 $0xFFFFE000  }
0x5c: {  	[spmem:s2] =	stream.indirect.scatter.add.f32 [tilespmem:s19], [sflag:$0x7], $0x80, s31, s14, $0xb8;
	[tilespmem:$0x1C800] =	vst v63  }
0x5d: {  	_ =	swait.ge [sflag:s0], $0x2000  }
0x5e: {  	[sflag:s0] =	ssyncset.done $0x0  }
0x5f: {  	[sflag:s0] =	ssyncadd.s32 $0xFFFFE000  }
0x60: {  	[spmem:s2] =	stream.indirect.scatter.add.f32 [tilespmem:s22], [sflag:$0x8], $0x80, s1, s14, $0xb8;
	[tilespmem:$0x1C800] =	vst v63  }
0x61: {  	_ =	swait.ge [sflag:s25], $0x2000  }
0x62: {  	[sflag:s25] =	ssyncset.done $0x0  }
0x63: {  	[sflag:s25] =	ssyncadd.s32 $0xFFFFE000  }
0x64: {  	_ =	swait.ge [sflag:s30], $0x2000  }
0x65: {  	[sflag:s30] =	ssyncset.done $0x0  }
0x66: {  	p1 =	slt.u32 @!p0 s24, $0x26;
	[sflag:s30] =	ssyncadd.s32 $0xFFFFE000  }
0x67: {  	p1 =	por p0, !p1;
	_ =	swait.ge [sflag:s5], $0x2000  }
.Ltmp0:
0x68: {  	[sflag:s5] =	ssyncset.done $0x0;
	(pc) =	sbr.rel @!p1 .LBB2_2-.Ltmp0, $4  }
0x69: {  	[sflag:s5] =	ssyncadd.s32 $0xFFFFE000  }
0x6a: {  	_ =	swait.ge [sflag:s9], $0x2000  }
0x6b: {  	s24 =	sadd.s32 $0x1, s24;
	[sflag:s9] =	ssyncset.done $0x0  }
0x6c: {  	s18 =	sadd.s32 $0x80, s18;
	s21 =	sadd.s32 $0x80, s21;
	[sflag:s9] =	ssyncadd.s32 $0xFFFFE000  }
0x6d: {  	[bflag:$0x0] =	sbarrier.arrive $0xFFFF  }
0x6e: {  	s21 =	rddreg [dreg:$0x4]  }
0x6f: {  	s18 =	rddreg [dreg:$0x5]  }
0x70: {  	s24 =	rddreg [dreg:$0x9]  }
0x71: {  	[hbm:s18], [sflag:s21] =	dma.local [spmem:s24], $0x2800  }
0x72: {  	_ =	swait.ge [sflag:s12], $0x2800  }
0x73: {  	s1 =	rddreg [dreg:$0xa]  }
0x74: {  	s7 =	rddreg [dreg:$0x6];
	s1 =	sadd.s32 $0x1, s1  }
0x75: {  	p1 =	sne.s32 s1, s7  }
.Ltmp1:
0x76: {  	_ = 	snop;
	(pc) =	sbr.rel @p1 .LBB2_1-.Ltmp1, $3  }
0x77: {  	_ =	sdelay $0x1  }
0x78: {  	[sflag:s12] =	ssyncset.done $0x0  }
0x79: {  	[sflag:s12] =	ssyncadd.s32 $0xFFFFD800  }
0x7a: {  	_ =	sfence.sel $0x180000  }
0x7b: {  	[bflag:$0x0] =	sbarrier.arrive $0xFFFF  }
0x7c: {  	_ =	strace $0x9000004D  }
0x7d: {  	s0 =	stileid.u32;
	[bflag:$0x2] =	sbarrier.arrive $0xFFFF  }
0x7e: {  	p0 =	sne.s32 s0, $0x0;
	s0 =	rddreg [dreg:$0x2]  }
0x7f: {  	s0 =	sadd.s32 @!p0 $0x100000, s0  }
0x80: {  	[sflag:s0] =	ssyncadd.tile.s32 @!p0 $0x1;
	_ =	shalt  }
.Lfunc_end2:
_tile_overlayer_lowered:
.L_overlay_start_2:
0x81: {  	(tag) =	ssettag $0x2  }
0x82: {  	s0 =	rddreg [dreg:$0x0];
	s2 =	stileid.u32  }
0x83: {  	s1 =	rddreg [dreg:$0x1];
	p0 =	sne.s32 s2, $0x0  }
0x84: {  	s3 =	rddreg [dreg:$0x2];
	[bflag:$0x3] =	sbarrier.arrive $0xFFFF;
	s2 =	simm.s32 @!p0 $0x1C09  }
0x85: {  	[timem:s3], [sflag:s2] =	dma.local @!p0 [hbm:s0], s1  }
0x86: {  	s0 =	simm.s32 @!p0 $0x9  }
0x87: {  	_ =	swait.ge @!p0 [sflag:s0], s1  }
0x88: {  	s1 =	ssub.s32 @!p0 $0x0, s1;
	[sflag:s0] =	ssyncset.done @!p0 $0x0  }
0x89: {  	[sflag:s0] =	ssyncadd.s32 @!p0 s1  }
0x8a: {  	[bflag:$0x3] =	sbarrier.arrive $0xFFFF  }
0x8b: {  	_ =	shalt  }

// kernel: kernel.19.cloned.1.call-start
scs
__scs_entry_jumppad:
0x0: {  	(pc) =	sbr.rel $0x88, $3  }
0x1: {  	(tag) =	ssettag $0x0;
	lr =	simm.s32 $0x1  }
0x2: {  	[smem:$0x3F99] =	sst lr;
	_ =	strace $0xD0000000  }
0x3: {  	_ = 	snop  }
0x4: {  	_ = 	snop  }
0x5: {  	_ = 	snop  }
0x6: {  	_ = 	snop  }
0x7: {  	_ = 	snop  }
__scs_overlays_trampoline_lowered:
0x8: {  	[smem:$0x3FA8] =	sst s0  }
0x9: {  	[smem:$0x3FA9] =	sst s1  }
0xa: {  	[smem:$0x3FAA] =	sst s2  }
0xb: {  	[smem:$0x3FAB] =	sst s3  }
0xc: {  	[smem:$0x3FAC] =	sst s4  }
0xd: {  	[smem:$0x3FAD] =	sst s5  }
0xe: {  	[smem:$0x3FAE] =	sst s6  }
0xf: {  	[smem:$0x3FAF] =	sst s7  }
0x10: {  	[smem:$0x3FB0] =	sst s8  }
0x11: {  	[smem:$0x3FB1] =	sst s9;
	s0 =	simm.s32 @!p0 $0x0  }
0x12: {  	s1 =	sld [smem:$0x3F97];
	s0 =	simm.s32 @p0 $0x1  }
0x13: {  	[smem:$0x3FB2] =	sst s0;
	s0 =	simm.s32 @!p1 $0x0  }
0x14: {  	s2 =	sld [smem:$0x3F96];
	s0 =	simm.s32 @p1 $0x1  }
0x15: {  	[smem:$0x3FB3] =	sst s0;
	s0 =	simm.s32 @!p2 $0x0  }
0x16: {  	s3 =	sld [smem:$0x3FDB];
	s0 =	simm.s32 @p2 $0x1  }
0x17: {  	s4 =	simm.s32 $0x1BF5;
	[smem:$0x3FB5] =	sst s0  }
0x18: {  	s0 =	sld [smem:$0x3F98];
	_ =	swait.ge [sflag:s4], $0x0  }
0x19: {  	s7 =	sld [smem:$0x3F99]  }
0x1a: {  	s8 =	sadd.s32 $0xFFFFE003, lr  }
0x1b: {  	s9 =	sadd.s32 $0xFFFFFEF7, lr;
	s5 =	simm.s32 $0xFFFFFFFF;
	p2 =	slt.u32 s8, $0xFFFFF086  }
0x1c: {  	p1 =	slt.u32 s9, $0xF7A;
	s5 =	simm.s32 @!p2 $0x0  }
0x1d: {  	s5 =	simm.s32 @p1 $0x1;
	p0 =	seq.s32 s7, s2  }
0x1e: {  	s7 =	smul.u32 @!p0 $0xF7A, s2;
	p2 =	seq.s32 @!p0 s5, $0x0  }
0x1f: {  	s9 =	smul.u32 $0xF7A, s1;
	s8 =	simm.s32 @!p0 $0x1BF5;
	p2 =	por !p2, p0  }
0x20: {  	[sflag:s8] =	ssyncset.s32 @!p0 $0xFFFFF086;
	s6 =	sadd.s32 @!p0 s3, s7;
	s7 =	simm.s32 @!p0 $0x108  }
0x21: {  	s3 =	sadd.s32 s3, s9;
	s6 =	sadd.s32 @!p0 $0x88, s6;
	s7 =	simm.s32 @p2 $0x1082  }
0x22: {  	[simem:s7], [sflag:s8] =	dma.local @!p0 [hbm:s6], $0xF7A  }
0x23: {  	s9 =	sor.u32 $0xD0000000, s2;
	s6 =	simm.s32 $0x108;
	_ =	swait.ge @!p0 [sflag:s8], $0x0  }
0x24: {  	s3 =	sadd.s32 $0x88, s3;
	s6 =	simm.s32 @!p1 $0x1082;
	[sflag:s4] =	ssyncset.s32 $0xFFFFF086  }
0x25: {  	[simem:s6], [sflag:s4] =	dma.local [hbm:s3], $0xF7A  }
0x26: {  	[smem:$0x3F99] =	sst s1;
	(tag) =	ssettag s2;
	_ =	strace s9  }
0x27: {  	s1 =	sld [smem:$0x3FA9]  }
0x28: {  	s2 =	sld [smem:$0x3FAA]  }
0x29: {  	s4 =	sld [smem:$0x3FAC]  }
0x2a: {  	p0 =	seq.s32 s5, $0x0;
	s5 =	sld [smem:$0x3FAD]  }
0x2b: {  	s6 =	sld [smem:$0x3FAE]  }
0x2c: {  	s7 =	sld [smem:$0x3FAF]  }
0x2d: {  	s3 =	simm.s32 $0x108;
	s8 =	sld [smem:$0x3FB0]  }
0x2e: {  	s3 =	simm.s32 @!p0 $0x1082;
	s9 =	sld [smem:$0x3FB1]  }
0x2f: {  	lr =	sadd.s32 s0, s3;
	s0 =	sld [smem:$0x3FA8]  }
0x30: {  	s3 =	sld [smem:$0x3FAB]  }
0x31: {  	[smem:$0x3FB4] =	sst s10  }
0x32: {  	s10 =	sld [smem:$0x3FB2];
	_ =	sdelay $0x3  }
0x33: {  	p0 =	seq.s32 s10, $0x1;
	s10 =	sld [smem:$0x3FB4];
	_ =	sdelay $0x3  }
0x34: {  	[smem:$0x3FB4] =	sst s10  }
0x35: {  	s10 =	sld [smem:$0x3FB3];
	_ =	sdelay $0x3  }
0x36: {  	p1 =	seq.s32 s10, $0x1;
	s10 =	sld [smem:$0x3FB4];
	_ =	sdelay $0x3  }
0x37: {  	[smem:$0x3FB4] =	sst s10  }
0x38: {  	s10 =	sld [smem:$0x3FB5]  }
0x39: {  	_ = 	snop;
	(pc) =	sbr.ind lr, $3  }
0x3a: {  	_ = 	snop  }
0x3b: {  	_ = 	snop  }
0x3c: {  	p2 =	seq.s32 s10, $0x1;
	s10 =	sld [smem:$0x3FB4]  }
0x3d: {  	_ =	shalt  }
0x3e: {  	_ =	shalt  }
0x3f: {  	_ =	shalt  }
0x40: {  	_ =	shalt  }
0x41: {  	_ =	shalt  }
0x42: {  	_ =	shalt  }
0x43: {  	_ =	shalt  }
0x44: {  	_ =	shalt  }
0x45: {  	_ =	shalt  }
0x46: {  	_ =	shalt  }
0x47: {  	_ =	shalt  }
0x48: {  	_ =	shalt  }
0x49: {  	_ =	shalt  }
0x4a: {  	_ =	shalt  }
0x4b: {  	_ =	shalt  }
0x4c: {  	_ =	shalt  }
0x4d: {  	_ =	shalt  }
0x4e: {  	_ =	shalt  }
0x4f: {  	_ =	shalt  }
0x50: {  	_ =	shalt  }
0x51: {  	_ =	shalt  }
0x52: {  	_ =	shalt  }
0x53: {  	_ =	shalt  }
0x54: {  	_ =	shalt  }
0x55: {  	_ =	shalt  }
0x56: {  	_ =	shalt  }
0x57: {  	_ =	shalt  }
0x58: {  	_ =	shalt  }
0x59: {  	_ =	shalt  }
0x5a: {  	_ =	shalt  }
0x5b: {  	_ =	shalt  }
0x5c: {  	_ =	shalt  }
0x5d: {  	_ =	shalt  }
0x5e: {  	_ =	shalt  }
0x5f: {  	_ =	shalt  }
0x60: {  	_ =	shalt  }
0x61: {  	_ =	shalt  }
0x62: {  	_ =	shalt  }
0x63: {  	_ =	shalt  }
0x64: {  	_ =	shalt  }
0x65: {  	_ =	shalt  }
0x66: {  	_ =	shalt  }
0x67: {  	_ =	shalt  }
0x68: {  	_ =	shalt  }
0x69: {  	_ =	shalt  }
0x6a: {  	_ =	shalt  }
0x6b: {  	_ =	shalt  }
0x6c: {  	_ =	shalt  }
0x6d: {  	_ =	shalt  }
0x6e: {  	_ =	shalt  }
0x6f: {  	_ =	shalt  }
0x70: {  	_ =	shalt  }
0x71: {  	_ =	shalt  }
0x72: {  	_ =	shalt  }
0x73: {  	_ =	shalt  }
0x74: {  	_ =	shalt  }
0x75: {  	_ =	shalt  }
0x76: {  	_ =	shalt  }
0x77: {  	_ =	shalt  }
0x78: {  	_ =	shalt  }
0x79: {  	_ =	shalt  }
0x7a: {  	_ =	shalt  }
0x7b: {  	_ =	shalt  }
0x7c: {  	_ =	shalt  }
0x7d: {  	_ =	shalt  }
0x7e: {  	_ =	shalt  }
0x7f: {  	_ =	shalt  }
0x80: {  	_ =	shalt  }
0x81: {  	_ =	shalt  }
0x82: {  	_ =	shalt  }
0x83: {  	_ =	shalt  }
0x84: {  	_ =	shalt  }
0x85: {  	_ =	shalt  }
0x86: {  	_ =	shalt  }
0x87: {  	_ =	shalt  }
.Lfunc_end0:
.L_simem_size_0:
called_computation.3_lowered:
.L_overlay_start_0:
0x88: {  	s2 =	sld [smem:$0x3FD9]  }
0x89: {  	s3 =	sld [smem:$0x3FFE];
	_ =	sdelay $0x1  }
0x8a: {  	s1 =	srdreg.scid  }
0x8b: {  	s0 =	sand.u32 $0x1, s1  }
0x8c: {  	s16 =	sshll.u32 s0, $0xA;
	s2 =	sadd.s32 s3, s2  }
0x8d: {  	s2 =	sadd.s32 s2, s16  }
0x8e: {  	[smem:$0x3FC0] =	sst s2  }
0x8f: {  	_ = 	snop  }
0x90: {  	(tm) =	ssettm $0x1  }
0x91: {  	s17 =	sld [smem:$0x3FFB];
	_ =	sdelay $0x3  }
0x92: {  	_ =	strace s17  }
0x93: {  	s2 =	sld [smem:$0x3FFC];
	_ =	sdelay $0x3  }
0x94: {  	_ =	strace s2  }
0x95: {  	s2 =	sld [smem:$0x3FFD];
	_ =	sdelay $0x3  }
0x96: {  	_ =	strace s2  }
0x97: {  	_ =	strace $0x8FFFFFFF  }
0x98: {  	s18 =	sld [smem:$0x3FDB];
	_ =	sdelay $0x1  }
0x99: {  	s19 =	simm.s32 $_scs_section_size  }
0x9a: {  	s4 =	simm.s32 $_size__tile_overlayer_lowered;
	s5 =	simm.s32 $_tile_overlayer_lowered  }
0x9b: {  	s22 =	simm.s32 $0x1BFF;
	s21 =	sshll.u32 s5, $0x1;
	s2 =	sadd.s32 s19, s18  }
0x9c: {  	s6 =	simm.s32 $0x0;
	s20 =	sshll.u32 s4, $0x1;
	s4 =	sadd.s32 s21, s2  }
0x9d: {  	[timem:s6], [sflag:s22] =	dma.local [hbm:s4], s20  }
0x9e: {  	_ =	swait.ge [sflag:s22], s20  }
0x9f: {  	s3 =	ssub.s32 $0x0, s20;
	[sflag:s22] =	ssyncset.done $0x0  }
0xa0: {  	[sflag:s22] =	ssyncadd.s32 s3;
	_ =	sdelay $0x1  }
0xa1: {  	s23 =	simm.s32 $0x1B8B  }
0xa2: {  	_ =	swait.ge [sflag:s23], $0x1  }
0xa3: {  	[sflag:s23] =	ssyncset.done $0x0  }
0xa4: {  	s25 =	simm.s32 $0x1B8E;
	s24 =	sld [smem:$0x3FFE];
	[sflag:s23] =	ssyncadd.s32 $0xFFFFFFFF  }
0xa5: {  	s26 =	simm.s32 $execute0_lowered;
	[smem:$0x3FD2] =	sst s25  }
0xa6: {  	s4 =	sshll.u32 s26, $0x1;
	_ =	strace $0x8000004F;
	[dreg:$0x1] =	wrdreg $0xFFFFFFFF  }
0xa7: {  	s28 =	simm.s32 $_size_execute0_lowered;
	s2 =	sadd.s32 s2, s4;
	[dreg:$0x0] =	wrdreg $0x0  }
0xa8: {  	s4 =	sshll.u32 s28, $0x1;
	[dreg:$0x2] =	wrdreg s2  }
0xa9: {  	[dreg:$0x3] =	wrdreg s4  }
0xaa: {  	[dreg:$0x4] =	wrdreg $0xC0  }
0xab: {  	_ =	task [dreg:s6], $0x5FFFF  }
0xac: {  	[dreg:$0x1] =	wrdreg $0xFFFFFFFF  }
0xad: {  	[dreg:$0x0] =	wrdreg $0x60  }
0xae: {  	[dreg:$0x2] =	wrdreg s24  }
0xaf: {  	[dreg:$0x3] =	wrdreg $0x88000  }
0xb0: {  	[dreg:$0x4] =	wrdreg $0x9  }
0xb1: {  	_ =	task.clear_ibuf [dreg:s6], $0x5FFFF;
	_ =	strace $0x9000004F  }
0xb2: {  	s29 =	simm.s32 $0x9;
	_ =	strace $0x80000051  }
0xb3: {  	_ =	swait.ge [sflag:s29], $0x1  }
0xb4: {  	[sflag:s29] =	ssyncadd.s32 $0xFFFFFFFF  }
0xb5: {  	_ =	strace $0x90000051  }
0xb6: {  	_ =	sfence  }
0xb7: {  	s30 =	sld [smem:$0x0];
	_ =	sdelay $0x2  }
0xb8: {  	s31 =	sshll.u32 s1, $0xD;
	s1 =	sshrl.u32 s1, $0x2  }
0xb9: {  	s3 =	sand.u32 $0x4000, s31;
	s1 =	sadd.s32 s1, s30  }
0xba: {  	s0 =	sor.u32 s3, s0;
	s1 =	sshll.u32 s1, $0x11  }
0xbb: {  	s0 =	sor.u32 s1, s0  }
0xbc: {  	s0 =	sadd.s32 $0x8F2B, s0  }
0xbd: {  	[sflag:s0] =	ssyncadd.remote.s32 $0x1  }
0xbe: {  	_ =	sfence.sel $0xFFFF  }
0xbf: {  	[dreg:$0x0] =	wrdreg $0xFFFFFFFF;
	(pc) =	sbr.abs _section_cstart, $3  }
0xc0: {  	[dreg:$0x1] =	wrdreg $0xFFFFFFFF  }
0xc1: {  	_ =	task.clear_ibuf [dreg:s6], $0x2FFFF;
	_ =	strace $0x9FFFFFFF  }
0xc2: {  	(tm) =	ssettm $0x7FFFFFFF  }
0xc3: {  	_ =	shalt  }
tec
execute0_lowered:
.L_overlay_start_1:
0x0: {  	(tag) =	ssettag $0x1  }
0x1: {  	s0 =	rddreg [dreg:$0x0]  }
0x2: {  	s2 =	rddreg [dreg:$0x1]  }
0x3: {  	s1 =	srdreg.scid;
	s9 =	stileid.u32  }
0x4: {  	s3 =	simm.s32 $0x0;
	s12 =	simm.s32 $0x9;
	s13 =	simm.s32 $0x400  }
0x5: {  	s14 =	simm.s32 $0x40;
	s15 =	simm.s32 $0x800;
	s17 =	simm.s32 $0x2800  }
0x6: {  	s19 =	simm.s32 $0x4800;
	s20 =	simm.s32 $0x1;
	s28 =	simm.s32 $0x3  }
0x7: {  	s30 =	simm.s32 $0x6;
	s10 =	simm.s32 $0x280;
	s11 =	simm.s32 $0x300  }
0x8: {  	s16 =	simm.s32 $0x600;
	s29 =	simm.s32 $0x680;
	s4 =	smul.u32 $0x138, s9  }
0x9: {  	s31 =	simm.s32 $0x700;
	s1 =	sand.u32 $0x1, s1;
	s7 =	smul.u32 $0x14000, s9  }
0xa: {  	[smem:$0x7FF] =	sst s3;
	s5 =	sshll.u32 s9, $0x3;
	s21 =	smul.u32 $0x50000, s9  }
0xb: {  	s8 =	sadd.s32 $0x16E00, s0;
	s9 =	sshll.u32 s9, $0x6;
	s6 =	smul.u32 $0x140000, s1  }
0xc: {  	p0 =	seq.s32 s1, $0x0;
	s5 =	sor.u32 $0x1380, s5;
	_ =	strace $0x80000050  }
0xd: {  	[dreg:$0x3] =	wrdreg s8;
	s22 =	ssub.s32 $0x2, s1;
	s8 =	simm.s32 $0x500  }
0xe: {  	s5 =	smov.u32 @p0 s4;
	s4 =	sadd.s32 $0x19600, s0;
	s23 =	sshrl.u32 s22, $0x1  }
0xf: {  	p0 =	sne.s32 s1, $0x0;
	s1 =	simm.s32 $0x0;
	s5 =	sshll.u32 s5, $0x4  }
0x10: {  	s6 =	sadd.s32 s7, s6;
	s7 =	sshrl.u32 s21, $0x2;
	s21 =	sor.u32 $0x1C09, s9  }
0x11: {  	s9 =	simm.s32 $0x8;
	s5 =	sadd.s32 s5, s0;
	s6 =	sshrl.u32 s6, $0x3  }
0x12: {  	s7 =	sadd.s32 s7, s2;
	[dreg:$0x4] =	wrdreg s21;
	s0 =	sadd.s32 s6, s0  }
0x13: {  	s6 =	ssub.s32 s22, s23;
	s25 =	sadd.s32 $0x69600, s5;
	s26 =	sadd.s32 $0x7D600, s5  }
0x14: {  	s22 =	simm.s32 $0x6800;
	s23 =	simm.s32 $0x2;
	[dreg:$0x7] =	wrdreg s25  }
0x15: {  	s5 =	simm.s32 $0x7;
	s0 =	sadd.s32 $0x91600, s0;
	[dreg:$0x8] =	wrdreg s26  }
0x16: {  	s24 =	smax.u32 s6, $0x1;
	s25 =	simm.s32 $0x5;
	[dreg:$0x5] =	wrdreg s0  }
0x17: {  	s6 =	simm.s32 $0x580;
	[dreg:$0x6] =	wrdreg s24;
	s24 =	sshrl.u32 s7, $0x3  }
0x18: {  	s26 =	simm.s32 $0x380;
	s0 =	simm.s32 $0x4;
	[dreg:$0x9] =	wrdreg s24  }
.LBB2_1:
0x19: {  	[dreg:$0xa] =	wrdreg s1  }
0x1a: {  	s18 =	rddreg [dreg:$0x3]  }
0x1b: {  	[spmem:s24], [sflag:s21] =	dma.local [hbm:s18], $0x2800  }
0x1c: {  	_ =	swait.ge [sflag:s12], $0x2800  }
0x1d: {  	[sflag:s12] =	ssyncset.done $0x0  }
0x1e: {  	[sflag:s12] =	ssyncadd.s32 $0xFFFFD800  }
0x1f: {  	[bflag:$0x0] =	sbarrier.arrive $0xFFFF  }
0x20: {  	s18 =	rddreg [dreg:$0x8]  }
0x21: {  	s1 =	simm.s32 $0x780;
	s24 =	simm.s32 $0x0;
	s21 =	rddreg [dreg:$0x7]  }
.LBB2_2:
0x22: {  	[tilespmem:s3], [sflag:$0x9] =	stream.linear.gather [hbm4b:s18+s3], $0x400, $0x38;
	[tilespmem:$0x1C800] =	vst v63  }
0x23: {  	_ =	swait.ge [sflag:s12], $0x400  }
0x24: {  	[sflag:s12] =	ssyncset.done $0x0  }
0x25: {  	[sflag:s12] =	ssyncadd.s32 $0xFFFFFC00  }
0x26: {  	[tilespmem:s13], [sflag:$0x9] =	stream.linear.gather [hbm4b:s21+s3], $0x400, $0x38;
	[tilespmem:$0x1C800] =	vst v63  }
0x27: {  	_ =	swait.ge [sflag:s12], $0x400  }
0x28: {  	[sflag:s12] =	ssyncset.done $0x0  }
0x29: {  	[sflag:s12] =	ssyncadd.s32 $0xFFFFFC00  }
0x2a: {  	[tilespmem:s15], [sflag:$0x1] =	stream.indirect.gather [hbm4b:s4+s14], $0x80, s3, s14, $0xb8;
	[tilespmem:$0x1C800] =	vst v63  }
0x2b: {  	s7 =	simm.s32 $0x80  }
0x2c: {  	[tilespmem:s17], [sflag:$0x2] =	stream.indirect.gather [hbm4b:s4+s14], $0x80, s7, s14, $0xb8;
	[tilespmem:$0x1C800] =	vst v63  }
0x2d: {  	s7 =	simm.s32 $0x100  }
0x2e: {  	[tilespmem:s19], [sflag:$0x3] =	stream.indirect.gather [hbm4b:s4+s14], $0x80, s7, s14, $0xb8;
	[tilespmem:$0x1C800] =	vst v63  }
0x2f: {  	_ =	swait.ge [sflag:s20], $0x2000  }
0x30: {  	[sflag:s20] =	ssyncset.done $0x0  }
0x31: {  	[sflag:s20] =	ssyncadd.s32 $0xFFFFE000  }
0x32: {  	[spmem:s2] =	stream.indirect.scatter.add.f32 [tilespmem:s15], [sflag:$0x5], $0x80, s13, s14, $0xb8;
	[tilespmem:$0x1C800] =	vst v63  }
0x33: {  	s7 =	simm.s32 $0x180  }
0x34: {  	[tilespmem:s22], [sflag:$0x4] =	stream.indirect.gather [hbm4b:s4+s14], $0x80, s7, s14, $0xb8;
	[tilespmem:$0x1C800] =	vst v63  }
0x35: {  	_ =	swait.ge [sflag:s23], $0x2000  }
0x36: {  	[sflag:s23] =	ssyncset.done $0x0  }
0x37: {  	s7 =	simm.s32 $0x480;
	[sflag:s23] =	ssyncadd.s32 $0xFFFFE000  }
0x38: {  	[spmem:s2] =	stream.indirect.scatter.add.f32 [tilespmem:s17], [sflag:$0x6], $0x80, s7, s14, $0xb8;
	[tilespmem:$0x1C800] =	vst v63  }
0x39: {  	_ =	swait.ge [sflag:s25], $0x2000  }
0x3a: {  	[sflag:s25] =	ssyncset.done $0x0  }
0x3b: {  	s7 =	simm.s32 $0x200;
	[sflag:s25] =	ssyncadd.s32 $0xFFFFE000  }
0x3c: {  	[tilespmem:s15], [sflag:$0x1] =	stream.indirect.gather [hbm4b:s4+s14], $0x80, s7, s14, $0xb8;
	[tilespmem:$0x1C800] =	vst v63  }
0x3d: {  	_ =	swait.ge [sflag:s28], $0x2000  }
0x3e: {  	[sflag:s28] =	ssyncset.done $0x0  }
0x3f: {  	[sflag:s28] =	ssyncadd.s32 $0xFFFFE000  }
0x40: {  	[spmem:s2] =	stream.indirect.scatter.add.f32 [tilespmem:s19], [sflag:$0x7], $0x80, s8, s14, $0xb8;
	[tilespmem:$0x1C800] =	vst v63  }
0x41: {  	_ =	swait.ge [sflag:s30], $0x2000  }
0x42: {  	[sflag:s30] =	ssyncset.done $0x0  }
0x43: {  	[sflag:s30] =	ssyncadd.s32 $0xFFFFE000  }
0x44: {  	[tilespmem:s17], [sflag:$0x2] =	stream.indirect.gather [hbm4b:s4+s14], $0x80, s10, s14, $0xb8;
	[tilespmem:$0x1C800] =	vst v63  }
0x45: {  	_ =	swait.ge [sflag:s0], $0x2000  }
0x46: {  	[sflag:s0] =	ssyncset.done $0x0  }
0x47: {  	[sflag:s0] =	ssyncadd.s32 $0xFFFFE000  }
0x48: {  	[spmem:s2] =	stream.indirect.scatter.add.f32 [tilespmem:s22], [sflag:$0x8], $0x80, s6, s14, $0xb8;
	[tilespmem:$0x1C800] =	vst v63  }
0x49: {  	_ =	swait.ge [sflag:s5], $0x2000  }
0x4a: {  	[sflag:s5] =	ssyncset.done $0x0  }
0x4b: {  	[sflag:s5] =	ssyncadd.s32 $0xFFFFE000  }
0x4c: {  	[tilespmem:s19], [sflag:$0x3] =	stream.indirect.gather [hbm4b:s4+s14], $0x80, s11, s14, $0xb8;
	[tilespmem:$0x1C800] =	vst v63  }
0x4d: {  	_ =	swait.ge [sflag:s20], $0x2000  }
0x4e: {  	[sflag:s20] =	ssyncset.done $0x0  }
0x4f: {  	[sflag:s20] =	ssyncadd.s32 $0xFFFFE000  }
0x50: {  	[spmem:s2] =	stream.indirect.scatter.add.f32 [tilespmem:s15], [sflag:$0x5], $0x80, s16, s14, $0xb8;
	[tilespmem:$0x1C800] =	vst v63  }
0x51: {  	_ =	swait.ge [sflag:s9], $0x2000  }
0x52: {  	[sflag:s9] =	ssyncset.done $0x0  }
0x53: {  	[sflag:s9] =	ssyncadd.s32 $0xFFFFE000  }
0x54: {  	[tilespmem:s22], [sflag:$0x4] =	stream.indirect.gather [hbm4b:s4+s14], $0x80, s26, s14, $0xb8;
	[tilespmem:$0x1C800] =	vst v63  }
0x55: {  	_ =	swait.ge [sflag:s23], $0x2000  }
0x56: {  	[sflag:s23] =	ssyncset.done $0x0  }
0x57: {  	[sflag:s23] =	ssyncadd.s32 $0xFFFFE000  }
0x58: {  	[spmem:s2] =	stream.indirect.scatter.add.f32 [tilespmem:s17], [sflag:$0x6], $0x80, s29, s14, $0xb8;
	[tilespmem:$0x1C800] =	vst v63  }
0x59: {  	_ =	swait.ge [sflag:s28], $0x2000  }
0x5a: {  	[sflag:s28] =	ssyncset.done $0x0  }
0x5b: {  	[sflag:s28] =	ssyncadd.s32 $0xFFFFE000  }
0x5c: {  	[spmem:s2] =	stream.indirect.scatter.add.f32 [tilespmem:s19], [sflag:$0x7], $0x80, s31, s14, $0xb8;
	[tilespmem:$0x1C800] =	vst v63  }
0x5d: {  	_ =	swait.ge [sflag:s0], $0x2000  }
0x5e: {  	[sflag:s0] =	ssyncset.done $0x0  }
0x5f: {  	[sflag:s0] =	ssyncadd.s32 $0xFFFFE000  }
0x60: {  	[spmem:s2] =	stream.indirect.scatter.add.f32 [tilespmem:s22], [sflag:$0x8], $0x80, s1, s14, $0xb8;
	[tilespmem:$0x1C800] =	vst v63  }
0x61: {  	_ =	swait.ge [sflag:s25], $0x2000  }
0x62: {  	[sflag:s25] =	ssyncset.done $0x0  }
0x63: {  	[sflag:s25] =	ssyncadd.s32 $0xFFFFE000  }
0x64: {  	_ =	swait.ge [sflag:s30], $0x2000  }
0x65: {  	[sflag:s30] =	ssyncset.done $0x0  }
0x66: {  	p1 =	slt.u32 @!p0 s24, $0x26;
	[sflag:s30] =	ssyncadd.s32 $0xFFFFE000  }
0x67: {  	p1 =	por p0, !p1;
	_ =	swait.ge [sflag:s5], $0x2000  }
.Ltmp0:
0x68: {  	[sflag:s5] =	ssyncset.done $0x0;
	(pc) =	sbr.rel @!p1 .LBB2_2-.Ltmp0, $4  }
0x69: {  	[sflag:s5] =	ssyncadd.s32 $0xFFFFE000  }
0x6a: {  	_ =	swait.ge [sflag:s9], $0x2000  }
0x6b: {  	s24 =	sadd.s32 $0x1, s24;
	[sflag:s9] =	ssyncset.done $0x0  }
0x6c: {  	s18 =	sadd.s32 $0x80, s18;
	s21 =	sadd.s32 $0x80, s21;
	[sflag:s9] =	ssyncadd.s32 $0xFFFFE000  }
0x6d: {  	[bflag:$0x0] =	sbarrier.arrive $0xFFFF  }
0x6e: {  	s21 =	rddreg [dreg:$0x4]  }
0x6f: {  	s18 =	rddreg [dreg:$0x5]  }
0x70: {  	s24 =	rddreg [dreg:$0x9]  }
0x71: {  	[hbm:s18], [sflag:s21] =	dma.local [spmem:s24], $0x2800  }
0x72: {  	_ =	swait.ge [sflag:s12], $0x2800  }
0x73: {  	s1 =	rddreg [dreg:$0xa]  }
0x74: {  	s7 =	rddreg [dreg:$0x6];
	s1 =	sadd.s32 $0x1, s1  }
0x75: {  	p1 =	sne.s32 s1, s7  }
.Ltmp1:
0x76: {  	_ = 	snop;
	(pc) =	sbr.rel @p1 .LBB2_1-.Ltmp1, $3  }
0x77: {  	_ =	sdelay $0x1  }
0x78: {  	[sflag:s12] =	ssyncset.done $0x0  }
0x79: {  	[sflag:s12] =	ssyncadd.s32 $0xFFFFD800  }
0x7a: {  	_ =	sfence.sel $0x180000  }
0x7b: {  	[bflag:$0x0] =	sbarrier.arrive $0xFFFF  }
0x7c: {  	_ =	strace $0x90000050  }
0x7d: {  	s0 =	stileid.u32;
	[bflag:$0x2] =	sbarrier.arrive $0xFFFF  }
0x7e: {  	p0 =	sne.s32 s0, $0x0;
	s0 =	rddreg [dreg:$0x2]  }
0x7f: {  	s0 =	sadd.s32 @!p0 $0x100000, s0  }
0x80: {  	[sflag:s0] =	ssyncadd.tile.s32 @!p0 $0x1;
	_ =	shalt  }
.Lfunc_end2:
_tile_overlayer_lowered:
.L_overlay_start_2:
0x81: {  	(tag) =	ssettag $0x2  }
0x82: {  	s0 =	rddreg [dreg:$0x0];
	s2 =	stileid.u32  }
0x83: {  	s1 =	rddreg [dreg:$0x1];
	p0 =	sne.s32 s2, $0x0  }
0x84: {  	s3 =	rddreg [dreg:$0x2];
	[bflag:$0x3] =	sbarrier.arrive $0xFFFF;
	s2 =	simm.s32 @!p0 $0x1C09  }
0x85: {  	[timem:s3], [sflag:s2] =	dma.local @!p0 [hbm:s0], s1  }
0x86: {  	s0 =	simm.s32 @!p0 $0x9  }
0x87: {  	_ =	swait.ge @!p0 [sflag:s0], s1  }
0x88: {  	s1 =	ssub.s32 @!p0 $0x0, s1;
	[sflag:s0] =	ssyncset.done @!p0 $0x0  }
0x89: {  	[sflag:s0] =	ssyncadd.s32 @!p0 s1  }
0x8a: {  	[bflag:$0x3] =	sbarrier.arrive $0xFFFF  }
0x8b: {  	_ =	shalt  }

</sc_bundles>
